<compile_context>
chip_gen: v7x
topology: tpu7x:2x2x1
jax: 0.10.2.dev20260603
libtpu: 0.0.44.dev20260713+nightly
codegen_flags: <defaults>
</compile_context>

<pallas_src>
import functools

import jax
import jax.numpy as jnp
from jax import lax
from jax.experimental import pallas as pl
from jax.experimental.pallas import tpu as pltpu
from jax.experimental.pallas import tpu_sc as plsc

N = 10000
E = 320000
F = 128
K = 64

NC = 2
NS = 16
NW = NC * NS
EW = E // NW
B = 80
NIT = EW // B
RPS = 624
TAIL = N - NS * RPS
ZCH = 16
NF16 = F // 16


def _g_body(rbf_ref, w_ref, g_ref):
    g_ref[...] = jnp.dot(rbf_ref[...], w_ref[...],
                         preferred_element_type=jnp.float32)


def _compute_g(rbf, Wk2f):
    BE = 2000
    return pl.pallas_call(
        _g_body,
        grid=(E // BE,),
        in_specs=[
            pl.BlockSpec((BE, K), lambda i: (i, 0)),
            pl.BlockSpec((K, F), lambda i: (0, 0)),
        ],
        out_specs=pl.BlockSpec((BE, F), lambda i: (i, 0)),
        out_shape=jax.ShapeDtypeStruct((E, F), jnp.float32),
    )(rbf, Wk2f)


def _table_body(x_ref, w_ref, b_ref, o_ref):
    o_ref[...] = jnp.dot(x_ref[...], w_ref[...],
                         preferred_element_type=jnp.float32) + b_ref[...]


def _compute_table(x, Wj, bj):
    return pl.pallas_call(
        _table_body,
        out_shape=jax.ShapeDtypeStruct((N, F), jnp.float32),
    )(x, Wj, bj.reshape(1, F))


def _sc_body(g_hbm, table_hbm, idx_i_hbm, idx_j_hbm, out_hbm,
             idx_i_v, idx_j_v, g_v, rows_v, zbuf,
             accum, semAi0, semAi1, semAj0, semAj1, semAg0, semAg1,
             semG0, semG1, semS0, semS1):
    c = lax.axis_index("c")
    s = lax.axis_index("s")
    wid = c * NS + s
    semAi = (semAi0, semAi1)
    semAj = (semAj0, semAj1)
    semAg = (semAg0, semAg1)
    semG = (semG0, semG1)
    semS = (semS0, semS1)

    for r in range(ZCH):
        for q in range(NF16):
            zbuf[r, pl.ds(q * 16, 16)] = jnp.zeros((16,), jnp.float32)

    def zc(i, _):
        off = pl.multiple_of(s * RPS + i * ZCH, 8)
        pltpu.sync_copy(zbuf, accum.at[pl.ds(off, ZCH)])
        return 0
    lax.fori_loop(0, RPS // ZCH, zc, 0)

    @pl.when(s == NS - 1)
    def _():
        pltpu.sync_copy(zbuf, accum.at[pl.ds(NS * RPS, TAIL)])
    plsc.subcore_barrier()

    base = wid * EW

    def _off(blk):
        return pl.multiple_of(base + blk * B, 8)

    def startA(k, blk):
        off = _off(blk)
        pltpu.async_copy(idx_i_hbm.at[pl.ds(off, B)], idx_i_v.at[k],
                         semAi[k])
        pltpu.async_copy(idx_j_hbm.at[pl.ds(off, B)], idx_j_v.at[k],
                         semAj[k])
        pltpu.async_copy(g_hbm.at[pl.ds(off, B)], g_v.at[k], semAg[k])

    def waitA(k, blk):
        off = _off(blk)
        pltpu.make_async_copy(idx_i_hbm.at[pl.ds(off, B)], idx_i_v.at[k],
                              semAi[k]).wait()
        pltpu.make_async_copy(idx_j_hbm.at[pl.ds(off, B)], idx_j_v.at[k],
                              semAj[k]).wait()
        pltpu.make_async_copy(g_hbm.at[pl.ds(off, B)], g_v.at[k],
                              semAg[k]).wait()

    def startG(k):
        pltpu.async_copy(table_hbm.at[idx_j_v.at[k]], rows_v.at[k], semG[k])

    def waitG(k):
        pltpu.make_async_copy(table_hbm.at[idx_j_v.at[k]], rows_v.at[k],
                              semG[k]).wait()

    def startS(k):
        pltpu.async_copy(g_v.at[k], accum.at[idx_i_v.at[k]], semS[k],
                         add=True)

    def waitS(k):
        pltpu.make_async_copy(g_v.at[k], accum.at[idx_i_v.at[k]],
                              semS[k]).wait()

    def multiply(k):
        @plsc.parallel_loop(0, B, step=1, unroll=4)
        def mrow(r):
            for q in range(NF16):
                sl = pl.ds(q * 16, 16)
                g_v[k, r, sl] = g_v[k, r, sl] * rows_v[k, r, sl]

    startA(0, 0)
    startA(1, 1)
    waitA(0, 0)
    startG(0)

    def pair(p, _):
        b0 = 2 * p
        b1 = 2 * p + 1
        waitG(0)
        multiply(0)
        startS(0)
        waitA(1, b1)
        startG(1)
        waitG(1)
        multiply(1)
        startS(1)
        waitS(0)
        startA(0, b0 + 2)
        waitS(1)

        @pl.when(b1 + 2 < NIT)
        def _():
            startA(1, b1 + 2)
        waitA(0, b0 + 2)
        startG(0)
        return 0
    lax.fori_loop(0, (NIT - 1) // 2, pair, 0)

    waitG(0)
    multiply(0)
    startS(0)
    waitS(0)

    plsc.subcore_barrier()
    woff = pl.multiple_of(s * RPS, 8)
    pltpu.sync_copy(accum.at[pl.ds(woff, RPS)],
                    out_hbm.at[c, pl.ds(woff, RPS)])

    @pl.when(s == NS - 1)
    def _():
        pltpu.sync_copy(accum.at[pl.ds(NS * RPS, TAIL)],
                        out_hbm.at[c, pl.ds(NS * RPS, TAIL)])


@functools.partial(
    pl.kernel,
    out_type=jax.ShapeDtypeStruct((NC, N, F), jnp.float32),
    mesh=plsc.VectorSubcoreMesh(core_axis_name="c", subcore_axis_name="s"),
    scratch_types=[
        pltpu.VMEM((2, B), jnp.int32),
        pltpu.VMEM((2, B), jnp.int32),
        pltpu.VMEM((2, B, F), jnp.float32),
        pltpu.VMEM((2, B, F), jnp.float32),
        pltpu.VMEM((ZCH, F), jnp.float32),
        pltpu.VMEM_SHARED((N, F), jnp.float32),
        pltpu.SemaphoreType.DMA,
        pltpu.SemaphoreType.DMA,
        pltpu.SemaphoreType.DMA,
        pltpu.SemaphoreType.DMA,
        pltpu.SemaphoreType.DMA,
        pltpu.SemaphoreType.DMA,
        pltpu.SemaphoreType.DMA,
        pltpu.SemaphoreType.DMA,
        pltpu.SemaphoreType.DMA,
        pltpu.SemaphoreType.DMA,
    ],
)
def _sc_segment(g_hbm, table_hbm, idx_i_hbm, idx_j_hbm, out_hbm,
                idx_i_v, idx_j_v, g_v, rows_v, zbuf,
                accum, semAi0, semAi1, semAj0, semAj1, semAg0, semAg1,
                semG0, semG1, semS0, semS1):
    _sc_body(g_hbm, table_hbm, idx_i_hbm, idx_j_hbm, out_hbm,
             idx_i_v, idx_j_v, g_v, rows_v, zbuf,
             accum, semAi0, semAi1, semAj0, semAj1, semAg0, semAg1,
             semG0, semG1, semS0, semS1)


def _tail_body(p_ref, x_ref, Wi_ref, bi_ref, Wr2a_ref, br2a_ref,
               Wr2b_ref, br2b_ref, Wd_ref, bd_ref, u_ref, o_ref):
    x = x_ref[...]
    xj = p_ref[0] + p_ref[1]
    msum = jnp.dot(x, Wi_ref[...], preferred_element_type=jnp.float32) \
        + bi_ref[...] + xj
    h = jnp.dot(msum, Wr2a_ref[...], preferred_element_type=jnp.float32) \
        + br2a_ref[...]
    mres = msum + jnp.dot(h, Wr2b_ref[...],
                          preferred_element_type=jnp.float32) + br2b_ref[...]
    o_ref[...] = u_ref[...] * x \
        + jnp.dot(mres, Wd_ref[...], preferred_element_type=jnp.float32) \
        + bd_ref[...]


def _tail(partials, x, Wi, bi, Wr2a, br2a, Wr2b, br2b, Wd, bd, u):
    return pl.pallas_call(
        _tail_body,
        out_shape=jax.ShapeDtypeStruct((N, F), jnp.float32),
    )(partials, x, Wi, bi.reshape(1, F), Wr2a, br2a.reshape(1, F),
      Wr2b, br2b.reshape(1, F), Wd, bd.reshape(1, F), u.reshape(1, F))


def kernel(x, rbf, idx_i, idx_j, Wk2f, Wi, bi, Wj, bj,
           Wr1a, br1a, Wr1b, br1b, Wr2a, br2a, Wr2b, br2b, Wd, bd, u):
    idx_i = idx_i.astype(jnp.int32)
    idx_j = idx_j.astype(jnp.int32)
    g = _compute_g(rbf, Wk2f)
    table = _compute_table(x, Wj, bj)
    partials = _sc_segment(g, table, idx_i, idx_j)
    return _tail(partials, x, Wi, bi, Wr2a, br2a, Wr2b, br2b, Wd, bd, u)

# --- scband reference (transcript-rebuilt; emitter-appended) ---
"""Pipeline reference for scband-interaction-layer-15702400434795 (READ-ONLY COPY).

The authoritative reference and input builder live on the scoring server;
editing this copy changes nothing except your own understanding.
"""

import jax, jax.numpy as jnp
import numpy as np

N = 10000
E = 320000
F = 128
K = 64

def setup_inputs(seed: int = 0) -> dict:
    key = jax.random.key(seed)
    ks = jax.random.split(key, 24)
    inp = {}
    inp["x"] = jax.random.normal(ks[0], (N, F), dtype=jnp.float32)
    inp["rbf"] = jax.random.uniform(ks[1], (E, K), dtype=jnp.float32)
    inp["idx_i"] = jax.random.randint(ks[2], (E,), 0, N, dtype=jnp.int64) if jax.config.jax_enable_x64 else jax.random.randint(ks[2], (E,), 0, N, dtype=jnp.int32)
    inp["idx_j"] = jax.random.randint(ks[3], (E,), 0, N, dtype=jnp.int64) if jax.config.jax_enable_x64 else jax.random.randint(ks[3], (E,), 0, N, dtype=jnp.int32)
    s = 0.05
    # k2f: DenseLayer(K, F, bias=False)
    inp["Wk2f"] = jax.random.normal(ks[4], (K, F), dtype=jnp.float32) * s
    # dense_i / dense_j: DenseLayer(F, F) with bias
    inp["Wi"] = jax.random.normal(ks[5], (F, F), dtype=jnp.float32) * s
    inp["bi"] = jnp.zeros((F,), dtype=jnp.float32)
    inp["Wj"] = jax.random.normal(ks[6], (F, F), dtype=jnp.float32) * s
    inp["bj"] = jnp.zeros((F,), dtype=jnp.float32)
    # 2 residual layers, each with two F->F dense layers
    inp["Wr1a"] = jax.random.normal(ks[7], (F, F), dtype=jnp.float32) * s
    inp["br1a"] = jnp.zeros((F,), dtype=jnp.float32)
    inp["Wr1b"] = jax.random.normal(ks[8], (F, F), dtype=jnp.float32) * s
    inp["br1b"] = jnp.zeros((F,), dtype=jnp.float32)
    inp["Wr2a"] = jax.random.normal(ks[9], (F, F), dtype=jnp.float32) * s
    inp["br2a"] = jnp.zeros((F,), dtype=jnp.float32)
    inp["Wr2b"] = jax.random.normal(ks[10], (F, F), dtype=jnp.float32) * s
    inp["br2b"] = jnp.zeros((F,), dtype=jnp.float32)
    # final dense: DenseLayer(F, F)
    inp["Wd"] = jax.random.normal(ks[11], (F, F), dtype=jnp.float32) * s
    inp["bd"] = jnp.zeros((F,), dtype=jnp.float32)
    # gating vector u initialized to ones (as in torch module)
    inp["u"] = jnp.ones((F,), dtype=jnp.float32)
    return inp

def reference(x, rbf, idx_i, idx_j, Wk2f, Wi, bi, Wj, bj,
              Wr1a, br1a, Wr1b, br1b, Wr2a, br2a, Wr2b, br2b,
              Wd, bd, u):
    # activation_fn is None and rate=0.0 -> xa = x (dropout is identity)
    xa = x
    # g = k2f(rbf)  (no bias)
    g = rbf @ Wk2f
    # xi = dense_i(xa)
    xi = xa @ Wi + bi
    # pxj = g * dense_j(xa)[idx_j]
    xj_all = xa @ Wj + bj
    pxj = g * jnp.take(xj_all, idx_j, axis=0)
    # xj = segment_sum(pxj, idx_i)
    xj = jax.ops.segment_sum(pxj, idx_i, num_segments=x.shape[0])
    message_sum = xi + xj
    # NOTE: original torch code applies each residual layer to message_sum
    # (not chained), so only the last layer's output survives. Faithful copy.
    res_params = [(Wr1a, br1a, Wr1b, br1b), (Wr2a, br2a, Wr2b, br2b)]
    message_res = message_sum
    for (Wa, ba, Wb, bb) in res_params:
        h = message_sum @ Wa + ba
        message_res = message_sum + (h @ Wb + bb)
    # x = u * x + dense(message_res)
    out = u * x + (message_res @ Wd + bd)
    return out

if __name__ == "__main__":
    import jax
    _d = setup_inputs()
    print(jax.jit(kernel)(*tuple(_d.values())))

</pallas_src>

<mosaic_0001>
#map = affine_map<(d0, d1) -> (0, 0)>
#map1 = affine_map<(d0, d1) -> (0)>
#map2 = affine_map<(d0, d1) -> (0, 0, 0)>
module attributes {stable_mosaic.version = 14 : i64} {
  func.func @_sc_segment(%arg0: i32, %arg1: i32, %arg2: memref<320000x128xf32, #tpu.memory_space<hbm>>, %arg3: memref<10000x128xf32, #tpu.memory_space<hbm>>, %arg4: memref<320000xi32, #tpu.memory_space<hbm>>, %arg5: memref<320000xi32, #tpu.memory_space<hbm>>, %arg6: memref<2x10000x128xf32, #tpu.memory_space<hbm>>, %arg7: memref<2x80xi32, #tpu.memory_space<vmem>>, %arg8: memref<2x80xi32, #tpu.memory_space<vmem>>, %arg9: memref<2x80x128xf32, #tpu.memory_space<vmem>>, %arg10: memref<2x80x128xf32, #tpu.memory_space<vmem>>, %arg11: memref<16x128xf32, #tpu.memory_space<vmem>>, %arg12: memref<10000x128xf32, #tpu.memory_space<vmem_shared>>, %arg13: memref<!tpu.dma_semaphore, #tpu.memory_space<semaphore_mem>>, %arg14: memref<!tpu.dma_semaphore, #tpu.memory_space<semaphore_mem>>, %arg15: memref<!tpu.dma_semaphore, #tpu.memory_space<semaphore_mem>>, %arg16: memref<!tpu.dma_semaphore, #tpu.memory_space<semaphore_mem>>, %arg17: memref<!tpu.dma_semaphore, #tpu.memory_space<semaphore_mem>>, %arg18: memref<!tpu.dma_semaphore, #tpu.memory_space<semaphore_mem>>, %arg19: memref<!tpu.dma_semaphore, #tpu.memory_space<semaphore_mem>>, %arg20: memref<!tpu.dma_semaphore, #tpu.memory_space<semaphore_mem>>, %arg21: memref<!tpu.dma_semaphore, #tpu.memory_space<semaphore_mem>>, %arg22: memref<!tpu.dma_semaphore, #tpu.memory_space<semaphore_mem>>) attributes {dimension_semantics = [#tpu.dimension_semantics<core_parallel>, #tpu.dimension_semantics<subcore_parallel>], iteration_bounds = array<i64: 2, 16>, scalar_prefetch = 0 : i64, scratch_operands = 16 : i64, tpu.core_type = #tpu.core_type<sc_vector_subcore>, window_params = [{transform_indices = #map}, {transform_indices = #map}, {transform_indices = #map1}, {transform_indices = #map1}, {transform_indices = #map2}]} {
    %mul3A = arith.constant 16 : i32
    %mul3A_0 = arith.muli %arg0, %mul3A : i32
    %add3A = arith.addi %mul3A_0, %arg1 : i32
    %broadcast_in_dim3A = arith.constant 0.000000e+00 : f32
    %broadcast_in_dim3A_1 = vector.broadcast %broadcast_in_dim3A : f32 to vector<16xf32>
    %swap3A = arith.constant 0 : i32
    %swap3A_2 = arith.index_cast %swap3A : i32 to index
    %swap3A_3 = arith.constant 0 : index
    %swap3A_4 = tpu.vector_load %arg11[%swap3A_2, %swap3A_3] {strides = array<i32>} : memref<16x128xf32, #tpu.memory_space<vmem>>, vector<1x16xf32>,
    %swap3A_5 = vector.shape_cast %swap3A_4 : vector<1x16xf32> to vector<16xf32>
    %swap3A_6 = vector.shape_cast %broadcast_in_dim3A_1 : vector<16xf32> to vector<1x16xf32>
    tpu.vector_store %arg11[%swap3A_2, %swap3A_3], %swap3A_6 {strides = array<i32>} : memref<16x128xf32, #tpu.memory_space<vmem>>, vector<1x16xf32>,
    %broadcast_in_dim3A_7 = arith.constant 0.000000e+00 : f32
    %broadcast_in_dim3A_8 = vector.broadcast %broadcast_in_dim3A_7 : f32 to vector<16xf32>
    %swap3A_9 = arith.constant 0 : i32
    %swap3A_10 = arith.index_cast %swap3A_9 : i32 to index
    %swap3A_11 = arith.constant 16 : index
    %swap3A_12 = tpu.vector_load %arg11[%swap3A_10, %swap3A_11] {strides = array<i32>} : memref<16x128xf32, #tpu.memory_space<vmem>>, vector<1x16xf32>,
    %swap3A_13 = vector.shape_cast %swap3A_12 : vector<1x16xf32> to vector<16xf32>
    %swap3A_14 = vector.shape_cast %broadcast_in_dim3A_8 : vector<16xf32> to vector<1x16xf32>
    tpu.vector_store %arg11[%swap3A_10, %swap3A_11], %swap3A_14 {strides = array<i32>} : memref<16x128xf32, #tpu.memory_space<vmem>>, vector<1x16xf32>,
    %broadcast_in_dim3A_15 = arith.constant 0.000000e+00 : f32
    %broadcast_in_dim3A_16 = vector.broadcast %broadcast_in_dim3A_15 : f32 to vector<16xf32>
    %swap3A_17 = arith.constant 0 : i32
    %swap3A_18 = arith.index_cast %swap3A_17 : i32 to index
    %swap3A_19 = arith.constant 32 : index
    %swap3A_20 = tpu.vector_load %arg11[%swap3A_18, %swap3A_19] {strides = array<i32>} : memref<16x128xf32, #tpu.memory_space<vmem>>, vector<1x16xf32>,
    %swap3A_21 = vector.shape_cast %swap3A_20 : vector<1x16xf32> to vector<16xf32>
    %swap3A_22 = vector.shape_cast %broadcast_in_dim3A_16 : vector<16xf32> to vector<1x16xf32>
    tpu.vector_store %arg11[%swap3A_18, %swap3A_19], %swap3A_22 {strides = array<i32>} : memref<16x128xf32, #tpu.memory_space<vmem>>, vector<1x16xf32>,
    %broadcast_in_dim3A_23 = arith.constant 0.000000e+00 : f32
    %broadcast_in_dim3A_24 = vector.broadcast %broadcast_in_dim3A_23 : f32 to vector<16xf32>
    %swap3A_25 = arith.constant 0 : i32
    %swap3A_26 = arith.index_cast %swap3A_25 : i32 to index
    %swap3A_27 = arith.constant 48 : index
    %swap3A_28 = tpu.vector_load %arg11[%swap3A_26, %swap3A_27] {strides = array<i32>} : memref<16x128xf32, #tpu.memory_space<vmem>>, vector<1x16xf32>,
    %swap3A_29 = vector.shape_cast %swap3A_28 : vector<1x16xf32> to vector<16xf32>
    %swap3A_30 = vector.shape_cast %broadcast_in_dim3A_24 : vector<16xf32> to vector<1x16xf32>
    tpu.vector_store %arg11[%swap3A_26, %swap3A_27], %swap3A_30 {strides = array<i32>} : memref<16x128xf32, #tpu.memory_space<vmem>>, vector<1x16xf32>,
    %broadcast_in_dim3A_31 = arith.constant 0.000000e+00 : f32
    %broadcast_in_dim3A_32 = vector.broadcast %broadcast_in_dim3A_31 : f32 to vector<16xf32>
    %swap3A_33 = arith.constant 0 : i32
    %swap3A_34 = arith.index_cast %swap3A_33 : i32 to index
    %swap3A_35 = arith.constant 64 : index
    %swap3A_36 = tpu.vector_load %arg11[%swap3A_34, %swap3A_35] {strides = array<i32>} : memref<16x128xf32, #tpu.memory_space<vmem>>, vector<1x16xf32>,
    %swap3A_37 = vector.shape_cast %swap3A_36 : vector<1x16xf32> to vector<16xf32>
    %swap3A_38 = vector.shape_cast %broadcast_in_dim3A_32 : vector<16xf32> to vector<1x16xf32>
    tpu.vector_store %arg11[%swap3A_34, %swap3A_35], %swap3A_38 {strides = array<i32>} : memref<16x128xf32, #tpu.memory_space<vmem>>, vector<1x16xf32>,
    %broadcast_in_dim3A_39 = arith.constant 0.000000e+00 : f32
    %broadcast_in_dim3A_40 = vector.broadcast %broadcast_in_dim3A_39 : f32 to vector<16xf32>
    %swap3A_41 = arith.constant 0 : i32
    %swap3A_42 = arith.index_cast %swap3A_41 : i32 to index
    %swap3A_43 = arith.constant 80 : index
    %swap3A_44 = tpu.vector_load %arg11[%swap3A_42, %swap3A_43] {strides = array<i32>} : memref<16x128xf32, #tpu.memory_space<vmem>>, vector<1x16xf32>,
    %swap3A_45 = vector.shape_cast %swap3A_44 : vector<1x16xf32> to vector<16xf32>
    %swap3A_46 = vector.shape_cast %broadcast_in_dim3A_40 : vector<16xf32> to vector<1x16xf32>
    tpu.vector_store %arg11[%swap3A_42, %swap3A_43], %swap3A_46 {strides = array<i32>} : memref<16x128xf32, #tpu.memory_space<vmem>>, vector<1x16xf32>,
    %broadcast_in_dim3A_47 = arith.constant 0.000000e+00 : f32
    %broadcast_in_dim3A_48 = vector.broadcast %broadcast_in_dim3A_47 : f32 to vector<16xf32>
    %swap3A_49 = arith.constant 0 : i32
    %swap3A_50 = arith.index_cast %swap3A_49 : i32 to index
    %swap3A_51 = arith.constant 96 : index
    %swap3A_52 = tpu.vector_load %arg11[%swap3A_50, %swap3A_51] {strides = array<i32>} : memref<16x128xf32, #tpu.memory_space<vmem>>, vector<1x16xf32>,
    %swap3A_53 = vector.shape_cast %swap3A_52 : vector<1x16xf32> to vector<16xf32>
    %swap3A_54 = vector.shape_cast %broadcast_in_dim3A_48 : vector<16xf32> to vector<1x16xf32>
    tpu.vector_store %arg11[%swap3A_50, %swap3A_51], %swap3A_54 {strides = array<i32>} : memref<16x128xf32, #tpu.memory_space<vmem>>, vector<1x16xf32>,
    %broadcast_in_dim3A_55 = arith.constant 0.000000e+00 : f32
    %broadcast_in_dim3A_56 = vector.broadcast %broadcast_in_dim3A_55 : f32 to vector<16xf32>
    %swap3A_57 = arith.constant 0 : i32
    %swap3A_58 = arith.index_cast %swap3A_57 : i32 to index
    %swap3A_59 = arith.constant 112 : index
    %swap3A_60 = tpu.vector_load %arg11[%swap3A_58, %swap3A_59] {strides = array<i32>} : memref<16x128xf32, #tpu.memory_space<vmem>>, vector<1x16xf32>,
    %swap3A_61 = vector.shape_cast %swap3A_60 : vector<1x16xf32> to vector<16xf32>
    %swap3A_62 = vector.shape_cast %broadcast_in_dim3A_56 : vector<16xf32> to vector<1x16xf32>
    tpu.vector_store %arg11[%swap3A_58, %swap3A_59], %swap3A_62 {strides = array<i32>} : memref<16x128xf32, #tpu.memory_space<vmem>>, vector<1x16xf32>,
    %broadcast_in_dim3A_63 = arith.constant 0.000000e+00 : f32
    %broadcast_in_dim3A_64 = vector.broadcast %broadcast_in_dim3A_63 : f32 to vector<16xf32>
    %swap3A_65 = arith.constant 1 : i32
    %swap3A_66 = arith.index_cast %swap3A_65 : i32 to index
    %swap3A_67 = arith.constant 0 : index
    %swap3A_68 = tpu.vector_load %arg11[%swap3A_66, %swap3A_67] {strides = array<i32>} : memref<16x128xf32, #tpu.memory_space<vmem>>, vector<1x16xf32>,
    %swap3A_69 = vector.shape_cast %swap3A_68 : vector<1x16xf32> to vector<16xf32>
    %swap3A_70 = vector.shape_cast %broadcast_in_dim3A_64 : vector<16xf32> to vector<1x16xf32>
    tpu.vector_store %arg11[%swap3A_66, %swap3A_67], %swap3A_70 {strides = array<i32>} : memref<16x128xf32, #tpu.memory_space<vmem>>, vector<1x16xf32>,
    %broadcast_in_dim3A_71 = arith.constant 0.000000e+00 : f32
    %broadcast_in_dim3A_72 = vector.broadcast %broadcast_in_dim3A_71 : f32 to vector<16xf32>
    %swap3A_73 = arith.constant 1 : i32
    %swap3A_74 = arith.index_cast %swap3A_73 : i32 to index
    %swap3A_75 = arith.constant 16 : index
    %swap3A_76 = tpu.vector_load %arg11[%swap3A_74, %swap3A_75] {strides = array<i32>} : memref<16x128xf32, #tpu.memory_space<vmem>>, vector<1x16xf32>,
    %swap3A_77 = vector.shape_cast %swap3A_76 : vector<1x16xf32> to vector<16xf32>
    %swap3A_78 = vector.shape_cast %broadcast_in_dim3A_72 : vector<16xf32> to vector<1x16xf32>
    tpu.vector_store %arg11[%swap3A_74, %swap3A_75], %swap3A_78 {strides = array<i32>} : memref<16x128xf32, #tpu.memory_space<vmem>>, vector<1x16xf32>,
    %broadcast_in_dim3A_79 = arith.constant 0.000000e+00 : f32
    %broadcast_in_dim3A_80 = vector.broadcast %broadcast_in_dim3A_79 : f32 to vector<16xf32>
    %swap3A_81 = arith.constant 1 : i32
    %swap3A_82 = arith.index_cast %swap3A_81 : i32 to index
    %swap3A_83 = arith.constant 32 : index
    %swap3A_84 = tpu.vector_load %arg11[%swap3A_82, %swap3A_83] {strides = array<i32>} : memref<16x128xf32, #tpu.memory_space<vmem>>, vector<1x16xf32>,
    %swap3A_85 = vector.shape_cast %swap3A_84 : vector<1x16xf32> to vector<16xf32>
    %swap3A_86 = vector.shape_cast %broadcast_in_dim3A_80 : vector<16xf32> to vector<1x16xf32>
    tpu.vector_store %arg11[%swap3A_82, %swap3A_83], %swap3A_86 {strides = array<i32>} : memref<16x128xf32, #tpu.memory_space<vmem>>, vector<1x16xf32>,
    %broadcast_in_dim3A_87 = arith.constant 0.000000e+00 : f32
    %broadcast_in_dim3A_88 = vector.broadcast %broadcast_in_dim3A_87 : f32 to vector<16xf32>
    %swap3A_89 = arith.constant 1 : i32
    %swap3A_90 = arith.index_cast %swap3A_89 : i32 to index
    %swap3A_91 = arith.constant 48 : index
    %swap3A_92 = tpu.vector_load %arg11[%swap3A_90, %swap3A_91] {strides = array<i32>} : memref<16x128xf32, #tpu.memory_space<vmem>>, vector<1x16xf32>,
    %swap3A_93 = vector.shape_cast %swap3A_92 : vector<1x16xf32> to vector<16xf32>
    %swap3A_94 = vector.shape_cast %broadcast_in_dim3A_88 : vector<16xf32> to vector<1x16xf32>
    tpu.vector_store %arg11[%swap3A_90, %swap3A_91], %swap3A_94 {strides = array<i32>} : memref<16x128xf32, #tpu.memory_space<vmem>>, vector<1x16xf32>,
    %broadcast_in_dim3A_95 = arith.constant 0.000000e+00 : f32
    %broadcast_in_dim3A_96 = vector.broadcast %broadcast_in_dim3A_95 : f32 to vector<16xf32>
    %swap3A_97 = arith.constant 1 : i32
    %swap3A_98 = arith.index_cast %swap3A_97 : i32 to index
    %swap3A_99 = arith.constant 64 : index
    %swap3A_100 = tpu.vector_load %arg11[%swap3A_98, %swap3A_99] {strides = array<i32>} : memref<16x128xf32, #tpu.memory_space<vmem>>, vector<1x16xf32>,
    %swap3A_101 = vector.shape_cast %swap3A_100 : vector<1x16xf32> to vector<16xf32>
    %swap3A_102 = vector.shape_cast %broadcast_in_dim3A_96 : vector<16xf32> to vector<1x16xf32>
    tpu.vector_store %arg11[%swap3A_98, %swap3A_99], %swap3A_102 {strides = array<i32>} : memref<16x128xf32, #tpu.memory_space<vmem>>, vector<1x16xf32>,
    %broadcast_in_dim3A_103 = arith.constant 0.000000e+00 : f32
    %broadcast_in_dim3A_104 = vector.broadcast %broadcast_in_dim3A_103 : f32 to vector<16xf32>
    %swap3A_105 = arith.constant 1 : i32
    %swap3A_106 = arith.index_cast %swap3A_105 : i32 to index
    %swap3A_107 = arith.constant 80 : index
    %swap3A_108 = tpu.vector_load %arg11[%swap3A_106, %swap3A_107] {strides = array<i32>} : memref<16x128xf32, #tpu.memory_space<vmem>>, vector<1x16xf32>,
    %swap3A_109 = vector.shape_cast %swap3A_108 : vector<1x16xf32> to vector<16xf32>
    %swap3A_110 = vector.shape_cast %broadcast_in_dim3A_104 : vector<16xf32> to vector<1x16xf32>
    tpu.vector_store %arg11[%swap3A_106, %swap3A_107], %swap3A_110 {strides = array<i32>} : memref<16x128xf32, #tpu.memory_space<vmem>>, vector<1x16xf32>,
    %broadcast_in_dim3A_111 = arith.constant 0.000000e+00 : f32
    %broadcast_in_dim3A_112 = vector.broadcast %broadcast_in_dim3A_111 : f32 to vector<16xf32>
    %swap3A_113 = arith.constant 1 : i32
    %swap3A_114 = arith.index_cast %swap3A_113 : i32 to index
    %swap3A_115 = arith.constant 96 : index
    %swap3A_116 = tpu.vector_load %arg11[%swap3A_114, %swap3A_115] {strides = array<i32>} : memref<16x128xf32, #tpu.memory_space<vmem>>, vector<1x16xf32>,
    %swap3A_117 = vector.shape_cast %swap3A_116 : vector<1x16xf32> to vector<16xf32>
    %swap3A_118 = vector.shape_cast %broadcast_in_dim3A_112 : vector<16xf32> to vector<1x16xf32>
    tpu.vector_store %arg11[%swap3A_114, %swap3A_115], %swap3A_118 {strides = array<i32>} : memref<16x128xf32, #tpu.memory_space<vmem>>, vector<1x16xf32>,
    %broadcast_in_dim3A_119 = arith.constant 0.000000e+00 : f32
    %broadcast_in_dim3A_120 = vector.broadcast %broadcast_in_dim3A_119 : f32 to vector<16xf32>
    %swap3A_121 = arith.constant 1 : i32
    %swap3A_122 = arith.index_cast %swap3A_121 : i32 to index
    %swap3A_123 = arith.constant 112 : index
    %swap3A_124 = tpu.vector_load %arg11[%swap3A_122, %swap3A_123] {strides = array<i32>} : memref<16x128xf32, #tpu.memory_space<vmem>>, vector<1x16xf32>,
    %swap3A_125 = vector.shape_cast %swap3A_124 : vector<1x16xf32> to vector<16xf32>
    %swap3A_126 = vector.shape_cast %broadcast_in_dim3A_120 : vector<16xf32> to vector<1x16xf32>
    tpu.vector_store %arg11[%swap3A_122, %swap3A_123], %swap3A_126 {strides = array<i32>} : memref<16x128xf32, #tpu.memory_space<vmem>>, vector<1x16xf32>,
    %broadcast_in_dim3A_127 = arith.constant 0.000000e+00 : f32
    %broadcast_in_dim3A_128 = vector.broadcast %broadcast_in_dim3A_127 : f32 to vector<16xf32>
    %swap3A_129 = arith.constant 2 : i32
    %swap3A_130 = arith.index_cast %swap3A_129 : i32 to index
    %swap3A_131 = arith.constant 0 : index
    %swap3A_132 = tpu.vector_load %arg11[%swap3A_130, %swap3A_131] {strides = array<i32>} : memref<16x128xf32, #tpu.memory_space<vmem>>, vector<1x16xf32>,
    %swap3A_133 = vector.shape_cast %swap3A_132 : vector<1x16xf32> to vector<16xf32>
    %swap3A_134 = vector.shape_cast %broadcast_in_dim3A_128 : vector<16xf32> to vector<1x16xf32>
    tpu.vector_store %arg11[%swap3A_130, %swap3A_131], %swap3A_134 {strides = array<i32>} : memref<16x128xf32, #tpu.memory_space<vmem>>, vector<1x16xf32>,
    %broadcast_in_dim3A_135 = arith.constant 0.000000e+00 : f32
    %broadcast_in_dim3A_136 = vector.broadcast %broadcast_in_dim3A_135 : f32 to vector<16xf32>
    %swap3A_137 = arith.constant 2 : i32
    %swap3A_138 = arith.index_cast %swap3A_137 : i32 to index
    %swap3A_139 = arith.constant 16 : index
    %swap3A_140 = tpu.vector_load %arg11[%swap3A_138, %swap3A_139] {strides = array<i32>} : memref<16x128xf32, #tpu.memory_space<vmem>>, vector<1x16xf32>,
    %swap3A_141 = vector.shape_cast %swap3A_140 : vector<1x16xf32> to vector<16xf32>
    %swap3A_142 = vector.shape_cast %broadcast_in_dim3A_136 : vector<16xf32> to vector<1x16xf32>
    tpu.vector_store %arg11[%swap3A_138, %swap3A_139], %swap3A_142 {strides = array<i32>} : memref<16x128xf32, #tpu.memory_space<vmem>>, vector<1x16xf32>,
    %broadcast_in_dim3A_143 = arith.constant 0.000000e+00 : f32
    %broadcast_in_dim3A_144 = vector.broadcast %broadcast_in_dim3A_143 : f32 to vector<16xf32>
    %swap3A_145 = arith.constant 2 : i32
    %swap3A_146 = arith.index_cast %swap3A_145 : i32 to index
    %swap3A_147 = arith.constant 32 : index
    %swap3A_148 = tpu.vector_load %arg11[%swap3A_146, %swap3A_147] {strides = array<i32>} : memref<16x128xf32, #tpu.memory_space<vmem>>, vector<1x16xf32>,
    %swap3A_149 = vector.shape_cast %swap3A_148 : vector<1x16xf32> to vector<16xf32>
    %swap3A_150 = vector.shape_cast %broadcast_in_dim3A_144 : vector<16xf32> to vector<1x16xf32>
    tpu.vector_store %arg11[%swap3A_146, %swap3A_147], %swap3A_150 {strides = array<i32>} : memref<16x128xf32, #tpu.memory_space<vmem>>, vector<1x16xf32>,
    %broadcast_in_dim3A_151 = arith.constant 0.000000e+00 : f32
    %broadcast_in_dim3A_152 = vector.broadcast %broadcast_in_dim3A_151 : f32 to vector<16xf32>
    %swap3A_153 = arith.constant 2 : i32
    %swap3A_154 = arith.index_cast %swap3A_153 : i32 to index
    %swap3A_155 = arith.constant 48 : index
    %swap3A_156 = tpu.vector_load %arg11[%swap3A_154, %swap3A_155] {strides = array<i32>} : memref<16x128xf32, #tpu.memory_space<vmem>>, vector<1x16xf32>,
    %swap3A_157 = vector.shape_cast %swap3A_156 : vector<1x16xf32> to vector<16xf32>
    %swap3A_158 = vector.shape_cast %broadcast_in_dim3A_152 : vector<16xf32> to vector<1x16xf32>
    tpu.vector_store %arg11[%swap3A_154, %swap3A_155], %swap3A_158 {strides = array<i32>} : memref<16x128xf32, #tpu.memory_space<vmem>>, vector<1x16xf32>,
    %broadcast_in_dim3A_159 = arith.constant 0.000000e+00 : f32
    %broadcast_in_dim3A_160 = vector.broadcast %broadcast_in_dim3A_159 : f32 to vector<16xf32>
    %swap3A_161 = arith.constant 2 : i32
    %swap3A_162 = arith.index_cast %swap3A_161 : i32 to index
    %swap3A_163 = arith.constant 64 : index
    %swap3A_164 = tpu.vector_load %arg11[%swap3A_162, %swap3A_163] {strides = array<i32>} : memref<16x128xf32, #tpu.memory_space<vmem>>, vector<1x16xf32>,
    %swap3A_165 = vector.shape_cast %swap3A_164 : vector<1x16xf32> to vector<16xf32>
    %swap3A_166 = vector.shape_cast %broadcast_in_dim3A_160 : vector<16xf32> to vector<1x16xf32>
    tpu.vector_store %arg11[%swap3A_162, %swap3A_163], %swap3A_166 {strides = array<i32>} : memref<16x128xf32, #tpu.memory_space<vmem>>, vector<1x16xf32>,
    %broadcast_in_dim3A_167 = arith.constant 0.000000e+00 : f32
    %broadcast_in_dim3A_168 = vector.broadcast %broadcast_in_dim3A_167 : f32 to vector<16xf32>
    %swap3A_169 = arith.constant 2 : i32
    %swap3A_170 = arith.index_cast %swap3A_169 : i32 to index
    %swap3A_171 = arith.constant 80 : index
    %swap3A_172 = tpu.vector_load %arg11[%swap3A_170, %swap3A_171] {strides = array<i32>} : memref<16x128xf32, #tpu.memory_space<vmem>>, vector<1x16xf32>,
    %swap3A_173 = vector.shape_cast %swap3A_172 : vector<1x16xf32> to vector<16xf32>
    %swap3A_174 = vector.shape_cast %broadcast_in_dim3A_168 : vector<16xf32> to vector<1x16xf32>
    tpu.vector_store %arg11[%swap3A_170, %swap3A_171], %swap3A_174 {strides = array<i32>} : memref<16x128xf32, #tpu.memory_space<vmem>>, vector<1x16xf32>,
    %broadcast_in_dim3A_175 = arith.constant 0.000000e+00 : f32
    %broadcast_in_dim3A_176 = vector.broadcast %broadcast_in_dim3A_175 : f32 to vector<16xf32>
    %swap3A_177 = arith.constant 2 : i32
    %swap3A_178 = arith.index_cast %swap3A_177 : i32 to index
    %swap3A_179 = arith.constant 96 : index
    %swap3A_180 = tpu.vector_load %arg11[%swap3A_178, %swap3A_179] {strides = array<i32>} : memref<16x128xf32, #tpu.memory_space<vmem>>, vector<1x16xf32>,
    %swap3A_181 = vector.shape_cast %swap3A_180 : vector<1x16xf32> to vector<16xf32>
    %swap3A_182 = vector.shape_cast %broadcast_in_dim3A_176 : vector<16xf32> to vector<1x16xf32>
    tpu.vector_store %arg11[%swap3A_178, %swap3A_179], %swap3A_182 {strides = array<i32>} : memref<16x128xf32, #tpu.memory_space<vmem>>, vector<1x16xf32>,
    %broadcast_in_dim3A_183 = arith.constant 0.000000e+00 : f32
    %broadcast_in_dim3A_184 = vector.broadcast %broadcast_in_dim3A_183 : f32 to vector<16xf32>
    %swap3A_185 = arith.constant 2 : i32
    %swap3A_186 = arith.index_cast %swap3A_185 : i32 to index
    %swap3A_187 = arith.constant 112 : index
    %swap3A_188 = tpu.vector_load %arg11[%swap3A_186, %swap3A_187] {strides = array<i32>} : memref<16x128xf32, #tpu.memory_space<vmem>>, vector<1x16xf32>,
    %swap3A_189 = vector.shape_cast %swap3A_188 : vector<1x16xf32> to vector<16xf32>
    %swap3A_190 = vector.shape_cast %broadcast_in_dim3A_184 : vector<16xf32> to vector<1x16xf32>
    tpu.vector_store %arg11[%swap3A_186, %swap3A_187], %swap3A_190 {strides = array<i32>} : memref<16x128xf32, #tpu.memory_space<vmem>>, vector<1x16xf32>,
    %broadcast_in_dim3A_191 = arith.constant 0.000000e+00 : f32
    %broadcast_in_dim3A_192 = vector.broadcast %broadcast_in_dim3A_191 : f32 to vector<16xf32>
    %swap3A_193 = arith.constant 3 : i32
    %swap3A_194 = arith.index_cast %swap3A_193 : i32 to index
    %swap3A_195 = arith.constant 0 : index
    %swap3A_196 = tpu.vector_load %arg11[%swap3A_194, %swap3A_195] {strides = array<i32>} : memref<16x128xf32, #tpu.memory_space<vmem>>, vector<1x16xf32>,
    %swap3A_197 = vector.shape_cast %swap3A_196 : vector<1x16xf32> to vector<16xf32>
    %swap3A_198 = vector.shape_cast %broadcast_in_dim3A_192 : vector<16xf32> to vector<1x16xf32>
    tpu.vector_store %arg11[%swap3A_194, %swap3A_195], %swap3A_198 {strides = array<i32>} : memref<16x128xf32, #tpu.memory_space<vmem>>, vector<1x16xf32>,
    %broadcast_in_dim3A_199 = arith.constant 0.000000e+00 : f32
    %broadcast_in_dim3A_200 = vector.broadcast %broadcast_in_dim3A_199 : f32 to vector<16xf32>
    %swap3A_201 = arith.constant 3 : i32
    %swap3A_202 = arith.index_cast %swap3A_201 : i32 to index
    %swap3A_203 = arith.constant 16 : index
    %swap3A_204 = tpu.vector_load %arg11[%swap3A_202, %swap3A_203] {strides = array<i32>} : memref<16x128xf32, #tpu.memory_space<vmem>>, vector<1x16xf32>,
    %swap3A_205 = vector.shape_cast %swap3A_204 : vector<1x16xf32> to vector<16xf32>
    %swap3A_206 = vector.shape_cast %broadcast_in_dim3A_200 : vector<16xf32> to vector<1x16xf32>
    tpu.vector_store %arg11[%swap3A_202, %swap3A_203], %swap3A_206 {strides = array<i32>} : memref<16x128xf32, #tpu.memory_space<vmem>>, vector<1x16xf32>,
    %broadcast_in_dim3A_207 = arith.constant 0.000000e+00 : f32
    %broadcast_in_dim3A_208 = vector.broadcast %broadcast_in_dim3A_207 : f32 to vector<16xf32>
    %swap3A_209 = arith.constant 3 : i32
    %swap3A_210 = arith.index_cast %swap3A_209 : i32 to index
    %swap3A_211 = arith.constant 32 : index
    %swap3A_212 = tpu.vector_load %arg11[%swap3A_210, %swap3A_211] {strides = array<i32>} : memref<16x128xf32, #tpu.memory_space<vmem>>, vector<1x16xf32>,
    %swap3A_213 = vector.shape_cast %swap3A_212 : vector<1x16xf32> to vector<16xf32>
    %swap3A_214 = vector.shape_cast %broadcast_in_dim3A_208 : vector<16xf32> to vector<1x16xf32>
    tpu.vector_store %arg11[%swap3A_210, %swap3A_211], %swap3A_214 {strides = array<i32>} : memref<16x128xf32, #tpu.memory_space<vmem>>, vector<1x16xf32>,
    %broadcast_in_dim3A_215 = arith.constant 0.000000e+00 : f32
    %broadcast_in_dim3A_216 = vector.broadcast %broadcast_in_dim3A_215 : f32 to vector<16xf32>
    %swap3A_217 = arith.constant 3 : i32
    %swap3A_218 = arith.index_cast %swap3A_217 : i32 to index
    %swap3A_219 = arith.constant 48 : index
    %swap3A_220 = tpu.vector_load %arg11[%swap3A_218, %swap3A_219] {strides = array<i32>} : memref<16x128xf32, #tpu.memory_space<vmem>>, vector<1x16xf32>,
    %swap3A_221 = vector.shape_cast %swap3A_220 : vector<1x16xf32> to vector<16xf32>
    %swap3A_222 = vector.shape_cast %broadcast_in_dim3A_216 : vector<16xf32> to vector<1x16xf32>
    tpu.vector_store %arg11[%swap3A_218, %swap3A_219], %swap3A_222 {strides = array<i32>} : memref<16x128xf32, #tpu.memory_space<vmem>>, vector<1x16xf32>,
    %broadcast_in_dim3A_223 = arith.constant 0.000000e+00 : f32
    %broadcast_in_dim3A_224 = vector.broadcast %broadcast_in_dim3A_223 : f32 to vector<16xf32>
    %swap3A_225 = arith.constant 3 : i32
    %swap3A_226 = arith.index_cast %swap3A_225 : i32 to index
    %swap3A_227 = arith.constant 64 : index
    %swap3A_228 = tpu.vector_load %arg11[%swap3A_226, %swap3A_227] {strides = array<i32>} : memref<16x128xf32, #tpu.memory_space<vmem>>, vector<1x16xf32>,
    %swap3A_229 = vector.shape_cast %swap3A_228 : vector<1x16xf32> to vector<16xf32>
    %swap3A_230 = vector.shape_cast %broadcast_in_dim3A_224 : vector<16xf32> to vector<1x16xf32>
    tpu.vector_store %arg11[%swap3A_226, %swap3A_227], %swap3A_230 {strides = array<i32>} : memref<16x128xf32, #tpu.memory_space<vmem>>, vector<1x16xf32>,
    %broadcast_in_dim3A_231 = arith.constant 0.000000e+00 : f32
    %broadcast_in_dim3A_232 = vector.broadcast %broadcast_in_dim3A_231 : f32 to vector<16xf32>
    %swap3A_233 = arith.constant 3 : i32
    %swap3A_234 = arith.index_cast %swap3A_233 : i32 to index
    %swap3A_235 = arith.constant 80 : index
    %swap3A_236 = tpu.vector_load %arg11[%swap3A_234, %swap3A_235] {strides = array<i32>} : memref<16x128xf32, #tpu.memory_space<vmem>>, vector<1x16xf32>,
    %swap3A_237 = vector.shape_cast %swap3A_236 : vector<1x16xf32> to vector<16xf32>
    %swap3A_238 = vector.shape_cast %broadcast_in_dim3A_232 : vector<16xf32> to vector<1x16xf32>
    tpu.vector_store %arg11[%swap3A_234, %swap3A_235], %swap3A_238 {strides = array<i32>} : memref<16x128xf32, #tpu.memory_space<vmem>>, vector<1x16xf32>,
    %broadcast_in_dim3A_239 = arith.constant 0.000000e+00 : f32
    %broadcast_in_dim3A_240 = vector.broadcast %broadcast_in_dim3A_239 : f32 to vector<16xf32>
    %swap3A_241 = arith.constant 3 : i32
    %swap3A_242 = arith.index_cast %swap3A_241 : i32 to index
    %swap3A_243 = arith.constant 96 : index
    %swap3A_244 = tpu.vector_load %arg11[%swap3A_242, %swap3A_243] {strides = array<i32>} : memref<16x128xf32, #tpu.memory_space<vmem>>, vector<1x16xf32>,
    %swap3A_245 = vector.shape_cast %swap3A_244 : vector<1x16xf32> to vector<16xf32>
    %swap3A_246 = vector.shape_cast %broadcast_in_dim3A_240 : vector<16xf32> to vector<1x16xf32>
    tpu.vector_store %arg11[%swap3A_242, %swap3A_243], %swap3A_246 {strides = array<i32>} : memref<16x128xf32, #tpu.memory_space<vmem>>, vector<1x16xf32>,
    %broadcast_in_dim3A_247 = arith.constant 0.000000e+00 : f32
    %broadcast_in_dim3A_248 = vector.broadcast %broadcast_in_dim3A_247 : f32 to vector<16xf32>
    %swap3A_249 = arith.constant 3 : i32
    %swap3A_250 = arith.index_cast %swap3A_249 : i32 to index
    %swap3A_251 = arith.constant 112 : index
    %swap3A_252 = tpu.vector_load %arg11[%swap3A_250, %swap3A_251] {strides = array<i32>} : memref<16x128xf32, #tpu.memory_space<vmem>>, vector<1x16xf32>,
    %swap3A_253 = vector.shape_cast %swap3A_252 : vector<1x16xf32> to vector<16xf32>
    %swap3A_254 = vector.shape_cast %broadcast_in_dim3A_248 : vector<16xf32> to vector<1x16xf32>
    tpu.vector_store %arg11[%swap3A_250, %swap3A_251], %swap3A_254 {strides = array<i32>} : memref<16x128xf32, #tpu.memory_space<vmem>>, vector<1x16xf32>,
    %broadcast_in_dim3A_255 = arith.constant 0.000000e+00 : f32
    %broadcast_in_dim3A_256 = vector.broadcast %broadcast_in_dim3A_255 : f32 to vector<16xf32>
    %swap3A_257 = arith.constant 4 : i32
    %swap3A_258 = arith.index_cast %swap3A_257 : i32 to index
    %swap3A_259 = arith.constant 0 : index
    %swap3A_260 = tpu.vector_load %arg11[%swap3A_258, %swap3A_259] {strides = array<i32>} : memref<16x128xf32, #tpu.memory_space<vmem>>, vector<1x16xf32>,
    %swap3A_261 = vector.shape_cast %swap3A_260 : vector<1x16xf32> to vector<16xf32>
    %swap3A_262 = vector.shape_cast %broadcast_in_dim3A_256 : vector<16xf32> to vector<1x16xf32>
    tpu.vector_store %arg11[%swap3A_258, %swap3A_259], %swap3A_262 {strides = array<i32>} : memref<16x128xf32, #tpu.memory_space<vmem>>, vector<1x16xf32>,
    %broadcast_in_dim3A_263 = arith.constant 0.000000e+00 : f32
    %broadcast_in_dim3A_264 = vector.broadcast %broadcast_in_dim3A_263 : f32 to vector<16xf32>
    %swap3A_265 = arith.constant 4 : i32
    %swap3A_266 = arith.index_cast %swap3A_265 : i32 to index
    %swap3A_267 = arith.constant 16 : index
    %swap3A_268 = tpu.vector_load %arg11[%swap3A_266, %swap3A_267] {strides = array<i32>} : memref<16x128xf32, #tpu.memory_space<vmem>>, vector<1x16xf32>,
    %swap3A_269 = vector.shape_cast %swap3A_268 : vector<1x16xf32> to vector<16xf32>
    %swap3A_270 = vector.shape_cast %broadcast_in_dim3A_264 : vector<16xf32> to vector<1x16xf32>
    tpu.vector_store %arg11[%swap3A_266, %swap3A_267], %swap3A_270 {strides = array<i32>} : memref<16x128xf32, #tpu.memory_space<vmem>>, vector<1x16xf32>,
    %broadcast_in_dim3A_271 = arith.constant 0.000000e+00 : f32
    %broadcast_in_dim3A_272 = vector.broadcast %broadcast_in_dim3A_271 : f32 to vector<16xf32>
    %swap3A_273 = arith.constant 4 : i32
    %swap3A_274 = arith.index_cast %swap3A_273 : i32 to index
    %swap3A_275 = arith.constant 32 : index
    %swap3A_276 = tpu.vector_load %arg11[%swap3A_274, %swap3A_275] {strides = array<i32>} : memref<16x128xf32, #tpu.memory_space<vmem>>, vector<1x16xf32>,
    %swap3A_277 = vector.shape_cast %swap3A_276 : vector<1x16xf32> to vector<16xf32>
    %swap3A_278 = vector.shape_cast %broadcast_in_dim3A_272 : vector<16xf32> to vector<1x16xf32>
    tpu.vector_store %arg11[%swap3A_274, %swap3A_275], %swap3A_278 {strides = array<i32>} : memref<16x128xf32, #tpu.memory_space<vmem>>, vector<1x16xf32>,
    %broadcast_in_dim3A_279 = arith.constant 0.000000e+00 : f32
    %broadcast_in_dim3A_280 = vector.broadcast %broadcast_in_dim3A_279 : f32 to vector<16xf32>
    %swap3A_281 = arith.constant 4 : i32
    %swap3A_282 = arith.index_cast %swap3A_281 : i32 to index
    %swap3A_283 = arith.constant 48 : index
    %swap3A_284 = tpu.vector_load %arg11[%swap3A_282, %swap3A_283] {strides = array<i32>} : memref<16x128xf32, #tpu.memory_space<vmem>>, vector<1x16xf32>,
    %swap3A_285 = vector.shape_cast %swap3A_284 : vector<1x16xf32> to vector<16xf32>
    %swap3A_286 = vector.shape_cast %broadcast_in_dim3A_280 : vector<16xf32> to vector<1x16xf32>
    tpu.vector_store %arg11[%swap3A_282, %swap3A_283], %swap3A_286 {strides = array<i32>} : memref<16x128xf32, #tpu.memory_space<vmem>>, vector<1x16xf32>,
    %broadcast_in_dim3A_287 = arith.constant 0.000000e+00 : f32
    %broadcast_in_dim3A_288 = vector.broadcast %broadcast_in_dim3A_287 : f32 to vector<16xf32>
    %swap3A_289 = arith.constant 4 : i32
    %swap3A_290 = arith.index_cast %swap3A_289 : i32 to index
    %swap3A_291 = arith.constant 64 : index
    %swap3A_292 = tpu.vector_load %arg11[%swap3A_290, %swap3A_291] {strides = array<i32>} : memref<16x128xf32, #tpu.memory_space<vmem>>, vector<1x16xf32>,
    %swap3A_293 = vector.shape_cast %swap3A_292 : vector<1x16xf32> to vector<16xf32>
    %swap3A_294 = vector.shape_cast %broadcast_in_dim3A_288 : vector<16xf32> to vector<1x16xf32>
    tpu.vector_store %arg11[%swap3A_290, %swap3A_291], %swap3A_294 {strides = array<i32>} : memref<16x128xf32, #tpu.memory_space<vmem>>, vector<1x16xf32>,
    %broadcast_in_dim3A_295 = arith.constant 0.000000e+00 : f32
    %broadcast_in_dim3A_296 = vector.broadcast %broadcast_in_dim3A_295 : f32 to vector<16xf32>
    %swap3A_297 = arith.constant 4 : i32
    %swap3A_298 = arith.index_cast %swap3A_297 : i32 to index
    %swap3A_299 = arith.constant 80 : index
    %swap3A_300 = tpu.vector_load %arg11[%swap3A_298, %swap3A_299] {strides = array<i32>} : memref<16x128xf32, #tpu.memory_space<vmem>>, vector<1x16xf32>,
    %swap3A_301 = vector.shape_cast %swap3A_300 : vector<1x16xf32> to vector<16xf32>
    %swap3A_302 = vector.shape_cast %broadcast_in_dim3A_296 : vector<16xf32> to vector<1x16xf32>
    tpu.vector_store %arg11[%swap3A_298, %swap3A_299], %swap3A_302 {strides = array<i32>} : memref<16x128xf32, #tpu.memory_space<vmem>>, vector<1x16xf32>,
    %broadcast_in_dim3A_303 = arith.constant 0.000000e+00 : f32
    %broadcast_in_dim3A_304 = vector.broadcast %broadcast_in_dim3A_303 : f32 to vector<16xf32>
    %swap3A_305 = arith.constant 4 : i32
    %swap3A_306 = arith.index_cast %swap3A_305 : i32 to index
    %swap3A_307 = arith.constant 96 : index
    %swap3A_308 = tpu.vector_load %arg11[%swap3A_306, %swap3A_307] {strides = array<i32>} : memref<16x128xf32, #tpu.memory_space<vmem>>, vector<1x16xf32>,
    %swap3A_309 = vector.shape_cast %swap3A_308 : vector<1x16xf32> to vector<16xf32>
    %swap3A_310 = vector.shape_cast %broadcast_in_dim3A_304 : vector<16xf32> to vector<1x16xf32>
    tpu.vector_store %arg11[%swap3A_306, %swap3A_307], %swap3A_310 {strides = array<i32>} : memref<16x128xf32, #tpu.memory_space<vmem>>, vector<1x16xf32>,
    %broadcast_in_dim3A_311 = arith.constant 0.000000e+00 : f32
    %broadcast_in_dim3A_312 = vector.broadcast %broadcast_in_dim3A_311 : f32 to vector<16xf32>
    %swap3A_313 = arith.constant 4 : i32
    %swap3A_314 = arith.index_cast %swap3A_313 : i32 to index
    %swap3A_315 = arith.constant 112 : index
    %swap3A_316 = tpu.vector_load %arg11[%swap3A_314, %swap3A_315] {strides = array<i32>} : memref<16x128xf32, #tpu.memory_space<vmem>>, vector<1x16xf32>,
    %swap3A_317 = vector.shape_cast %swap3A_316 : vector<1x16xf32> to vector<16xf32>
    %swap3A_318 = vector.shape_cast %broadcast_in_dim3A_312 : vector<16xf32> to vector<1x16xf32>
    tpu.vector_store %arg11[%swap3A_314, %swap3A_315], %swap3A_318 {strides = array<i32>} : memref<16x128xf32, #tpu.memory_space<vmem>>, vector<1x16xf32>,
    %broadcast_in_dim3A_319 = arith.constant 0.000000e+00 : f32
    %broadcast_in_dim3A_320 = vector.broadcast %broadcast_in_dim3A_319 : f32 to vector<16xf32>
    %swap3A_321 = arith.constant 5 : i32
    %swap3A_322 = arith.index_cast %swap3A_321 : i32 to index
    %swap3A_323 = arith.constant 0 : index
    %swap3A_324 = tpu.vector_load %arg11[%swap3A_322, %swap3A_323] {strides = array<i32>} : memref<16x128xf32, #tpu.memory_space<vmem>>, vector<1x16xf32>,
    %swap3A_325 = vector.shape_cast %swap3A_324 : vector<1x16xf32> to vector<16xf32>
    %swap3A_326 = vector.shape_cast %broadcast_in_dim3A_320 : vector<16xf32> to vector<1x16xf32>
    tpu.vector_store %arg11[%swap3A_322, %swap3A_323], %swap3A_326 {strides = array<i32>} : memref<16x128xf32, #tpu.memory_space<vmem>>, vector<1x16xf32>,
    %broadcast_in_dim3A_327 = arith.constant 0.000000e+00 : f32
    %broadcast_in_dim3A_328 = vector.broadcast %broadcast_in_dim3A_327 : f32 to vector<16xf32>
    %swap3A_329 = arith.constant 5 : i32
    %swap3A_330 = arith.index_cast %swap3A_329 : i32 to index
    %swap3A_331 = arith.constant 16 : index
    %swap3A_332 = tpu.vector_load %arg11[%swap3A_330, %swap3A_331] {strides = array<i32>} : memref<16x128xf32, #tpu.memory_space<vmem>>, vector<1x16xf32>,
    %swap3A_333 = vector.shape_cast %swap3A_332 : vector<1x16xf32> to vector<16xf32>
    %swap3A_334 = vector.shape_cast %broadcast_in_dim3A_328 : vector<16xf32> to vector<1x16xf32>
    tpu.vector_store %arg11[%swap3A_330, %swap3A_331], %swap3A_334 {strides = array<i32>} : memref<16x128xf32, #tpu.memory_space<vmem>>, vector<1x16xf32>,
    %broadcast_in_dim3A_335 = arith.constant 0.000000e+00 : f32
    %broadcast_in_dim3A_336 = vector.broadcast %broadcast_in_dim3A_335 : f32 to vector<16xf32>
    %swap3A_337 = arith.constant 5 : i32
    %swap3A_338 = arith.index_cast %swap3A_337 : i32 to index
    %swap3A_339 = arith.constant 32 : index
    %swap3A_340 = tpu.vector_load %arg11[%swap3A_338, %swap3A_339] {strides = array<i32>} : memref<16x128xf32, #tpu.memory_space<vmem>>, vector<1x16xf32>,
    %swap3A_341 = vector.shape_cast %swap3A_340 : vector<1x16xf32> to vector<16xf32>
    %swap3A_342 = vector.shape_cast %broadcast_in_dim3A_336 : vector<16xf32> to vector<1x16xf32>
    tpu.vector_store %arg11[%swap3A_338, %swap3A_339], %swap3A_342 {strides = array<i32>} : memref<16x128xf32, #tpu.memory_space<vmem>>, vector<1x16xf32>,
    %broadcast_in_dim3A_343 = arith.constant 0.000000e+00 : f32
    %broadcast_in_dim3A_344 = vector.broadcast %broadcast_in_dim3A_343 : f32 to vector<16xf32>
    %swap3A_345 = arith.constant 5 : i32
    %swap3A_346 = arith.index_cast %swap3A_345 : i32 to index
    %swap3A_347 = arith.constant 48 : index
    %swap3A_348 = tpu.vector_load %arg11[%swap3A_346, %swap3A_347] {strides = array<i32>} : memref<16x128xf32, #tpu.memory_space<vmem>>, vector<1x16xf32>,
    %swap3A_349 = vector.shape_cast %swap3A_348 : vector<1x16xf32> to vector<16xf32>
    %swap3A_350 = vector.shape_cast %broadcast_in_dim3A_344 : vector<16xf32> to vector<1x16xf32>
    tpu.vector_store %arg11[%swap3A_346, %swap3A_347], %swap3A_350 {strides = array<i32>} : memref<16x128xf32, #tpu.memory_space<vmem>>, vector<1x16xf32>,
    %broadcast_in_dim3A_351 = arith.constant 0.000000e+00 : f32
    %broadcast_in_dim3A_352 = vector.broadcast %broadcast_in_dim3A_351 : f32 to vector<16xf32>
    %swap3A_353 = arith.constant 5 : i32
    %swap3A_354 = arith.index_cast %swap3A_353 : i32 to index
    %swap3A_355 = arith.constant 64 : index
    %swap3A_356 = tpu.vector_load %arg11[%swap3A_354, %swap3A_355] {strides = array<i32>} : memref<16x128xf32, #tpu.memory_space<vmem>>, vector<1x16xf32>,
    %swap3A_357 = vector.shape_cast %swap3A_356 : vector<1x16xf32> to vector<16xf32>
    %swap3A_358 = vector.shape_cast %broadcast_in_dim3A_352 : vector<16xf32> to vector<1x16xf32>
    tpu.vector_store %arg11[%swap3A_354, %swap3A_355], %swap3A_358 {strides = array<i32>} : memref<16x128xf32, #tpu.memory_space<vmem>>, vector<1x16xf32>,
    %broadcast_in_dim3A_359 = arith.constant 0.000000e+00 : f32
    %broadcast_in_dim3A_360 = vector.broadcast %broadcast_in_dim3A_359 : f32 to vector<16xf32>
    %swap3A_361 = arith.constant 5 : i32
    %swap3A_362 = arith.index_cast %swap3A_361 : i32 to index
    %swap3A_363 = arith.constant 80 : index
    %swap3A_364 = tpu.vector_load %arg11[%swap3A_362, %swap3A_363] {strides = array<i32>} : memref<16x128xf32, #tpu.memory_space<vmem>>, vector<1x16xf32>,
    %swap3A_365 = vector.shape_cast %swap3A_364 : vector<1x16xf32> to vector<16xf32>
    %swap3A_366 = vector.shape_cast %broadcast_in_dim3A_360 : vector<16xf32> to vector<1x16xf32>
    tpu.vector_store %arg11[%swap3A_362, %swap3A_363], %swap3A_366 {strides = array<i32>} : memref<16x128xf32, #tpu.memory_space<vmem>>, vector<1x16xf32>,
    %broadcast_in_dim3A_367 = arith.constant 0.000000e+00 : f32
    %broadcast_in_dim3A_368 = vector.broadcast %broadcast_in_dim3A_367 : f32 to vector<16xf32>
    %swap3A_369 = arith.constant 5 : i32
    %swap3A_370 = arith.index_cast %swap3A_369 : i32 to index
    %swap3A_371 = arith.constant 96 : index
    %swap3A_372 = tpu.vector_load %arg11[%swap3A_370, %swap3A_371] {strides = array<i32>} : memref<16x128xf32, #tpu.memory_space<vmem>>, vector<1x16xf32>,
    %swap3A_373 = vector.shape_cast %swap3A_372 : vector<1x16xf32> to vector<16xf32>
    %swap3A_374 = vector.shape_cast %broadcast_in_dim3A_368 : vector<16xf32> to vector<1x16xf32>
    tpu.vector_store %arg11[%swap3A_370, %swap3A_371], %swap3A_374 {strides = array<i32>} : memref<16x128xf32, #tpu.memory_space<vmem>>, vector<1x16xf32>,
    %broadcast_in_dim3A_375 = arith.constant 0.000000e+00 : f32
    %broadcast_in_dim3A_376 = vector.broadcast %broadcast_in_dim3A_375 : f32 to vector<16xf32>
    %swap3A_377 = arith.constant 5 : i32
    %swap3A_378 = arith.index_cast %swap3A_377 : i32 to index
    %swap3A_379 = arith.constant 112 : index
    %swap3A_380 = tpu.vector_load %arg11[%swap3A_378, %swap3A_379] {strides = array<i32>} : memref<16x128xf32, #tpu.memory_space<vmem>>, vector<1x16xf32>,
    %swap3A_381 = vector.shape_cast %swap3A_380 : vector<1x16xf32> to vector<16xf32>
    %swap3A_382 = vector.shape_cast %broadcast_in_dim3A_376 : vector<16xf32> to vector<1x16xf32>
    tpu.vector_store %arg11[%swap3A_378, %swap3A_379], %swap3A_382 {strides = array<i32>} : memref<16x128xf32, #tpu.memory_space<vmem>>, vector<1x16xf32>,
    %broadcast_in_dim3A_383 = arith.constant 0.000000e+00 : f32
    %broadcast_in_dim3A_384 = vector.broadcast %broadcast_in_dim3A_383 : f32 to vector<16xf32>
    %swap3A_385 = arith.constant 6 : i32
    %swap3A_386 = arith.index_cast %swap3A_385 : i32 to index
    %swap3A_387 = arith.constant 0 : index
    %swap3A_388 = tpu.vector_load %arg11[%swap3A_386, %swap3A_387] {strides = array<i32>} : memref<16x128xf32, #tpu.memory_space<vmem>>, vector<1x16xf32>,
    %swap3A_389 = vector.shape_cast %swap3A_388 : vector<1x16xf32> to vector<16xf32>
    %swap3A_390 = vector.shape_cast %broadcast_in_dim3A_384 : vector<16xf32> to vector<1x16xf32>
    tpu.vector_store %arg11[%swap3A_386, %swap3A_387], %swap3A_390 {strides = array<i32>} : memref<16x128xf32, #tpu.memory_space<vmem>>, vector<1x16xf32>,
    %broadcast_in_dim3A_391 = arith.constant 0.000000e+00 : f32
    %broadcast_in_dim3A_392 = vector.broadcast %broadcast_in_dim3A_391 : f32 to vector<16xf32>
    %swap3A_393 = arith.constant 6 : i32
    %swap3A_394 = arith.index_cast %swap3A_393 : i32 to index
    %swap3A_395 = arith.constant 16 : index
    %swap3A_396 = tpu.vector_load %arg11[%swap3A_394, %swap3A_395] {strides = array<i32>} : memref<16x128xf32, #tpu.memory_space<vmem>>, vector<1x16xf32>,
    %swap3A_397 = vector.shape_cast %swap3A_396 : vector<1x16xf32> to vector<16xf32>
    %swap3A_398 = vector.shape_cast %broadcast_in_dim3A_392 : vector<16xf32> to vector<1x16xf32>
    tpu.vector_store %arg11[%swap3A_394, %swap3A_395], %swap3A_398 {strides = array<i32>} : memref<16x128xf32, #tpu.memory_space<vmem>>, vector<1x16xf32>,
    %broadcast_in_dim3A_399 = arith.constant 0.000000e+00 : f32
    %broadcast_in_dim3A_400 = vector.broadcast %broadcast_in_dim3A_399 : f32 to vector<16xf32>
    %swap3A_401 = arith.constant 6 : i32
    %swap3A_402 = arith.index_cast %swap3A_401 : i32 to index
    %swap3A_403 = arith.constant 32 : index
    %swap3A_404 = tpu.vector_load %arg11[%swap3A_402, %swap3A_403] {strides = array<i32>} : memref<16x128xf32, #tpu.memory_space<vmem>>, vector<1x16xf32>,
    %swap3A_405 = vector.shape_cast %swap3A_404 : vector<1x16xf32> to vector<16xf32>
    %swap3A_406 = vector.shape_cast %broadcast_in_dim3A_400 : vector<16xf32> to vector<1x16xf32>
    tpu.vector_store %arg11[%swap3A_402, %swap3A_403], %swap3A_406 {strides = array<i32>} : memref<16x128xf32, #tpu.memory_space<vmem>>, vector<1x16xf32>,
    %broadcast_in_dim3A_407 = arith.constant 0.000000e+00 : f32
    %broadcast_in_dim3A_408 = vector.broadcast %broadcast_in_dim3A_407 : f32 to vector<16xf32>
    %swap3A_409 = arith.constant 6 : i32
    %swap3A_410 = arith.index_cast %swap3A_409 : i32 to index
    %swap3A_411 = arith.constant 48 : index
    %swap3A_412 = tpu.vector_load %arg11[%swap3A_410, %swap3A_411] {strides = array<i32>} : memref<16x128xf32, #tpu.memory_space<vmem>>, vector<1x16xf32>,
    %swap3A_413 = vector.shape_cast %swap3A_412 : vector<1x16xf32> to vector<16xf32>
    %swap3A_414 = vector.shape_cast %broadcast_in_dim3A_408 : vector<16xf32> to vector<1x16xf32>
    tpu.vector_store %arg11[%swap3A_410, %swap3A_411], %swap3A_414 {strides = array<i32>} : memref<16x128xf32, #tpu.memory_space<vmem>>, vector<1x16xf32>,
    %broadcast_in_dim3A_415 = arith.constant 0.000000e+00 : f32
    %broadcast_in_dim3A_416 = vector.broadcast %broadcast_in_dim3A_415 : f32 to vector<16xf32>
    %swap3A_417 = arith.constant 6 : i32
    %swap3A_418 = arith.index_cast %swap3A_417 : i32 to index
    %swap3A_419 = arith.constant 64 : index
    %swap3A_420 = tpu.vector_load %arg11[%swap3A_418, %swap3A_419] {strides = array<i32>} : memref<16x128xf32, #tpu.memory_space<vmem>>, vector<1x16xf32>,
    %swap3A_421 = vector.shape_cast %swap3A_420 : vector<1x16xf32> to vector<16xf32>
    %swap3A_422 = vector.shape_cast %broadcast_in_dim3A_416 : vector<16xf32> to vector<1x16xf32>
    tpu.vector_store %arg11[%swap3A_418, %swap3A_419], %swap3A_422 {strides = array<i32>} : memref<16x128xf32, #tpu.memory_space<vmem>>, vector<1x16xf32>,
    %broadcast_in_dim3A_423 = arith.constant 0.000000e+00 : f32
    %broadcast_in_dim3A_424 = vector.broadcast %broadcast_in_dim3A_423 : f32 to vector<16xf32>
    %swap3A_425 = arith.constant 6 : i32
    %swap3A_426 = arith.index_cast %swap3A_425 : i32 to index
    %swap3A_427 = arith.constant 80 : index
    %swap3A_428 = tpu.vector_load %arg11[%swap3A_426, %swap3A_427] {strides = array<i32>} : memref<16x128xf32, #tpu.memory_space<vmem>>, vector<1x16xf32>,
    %swap3A_429 = vector.shape_cast %swap3A_428 : vector<1x16xf32> to vector<16xf32>
    %swap3A_430 = vector.shape_cast %broadcast_in_dim3A_424 : vector<16xf32> to vector<1x16xf32>
    tpu.vector_store %arg11[%swap3A_426, %swap3A_427], %swap3A_430 {strides = array<i32>} : memref<16x128xf32, #tpu.memory_space<vmem>>, vector<1x16xf32>,
    %broadcast_in_dim3A_431 = arith.constant 0.000000e+00 : f32
    %broadcast_in_dim3A_432 = vector.broadcast %broadcast_in_dim3A_431 : f32 to vector<16xf32>
    %swap3A_433 = arith.constant 6 : i32
    %swap3A_434 = arith.index_cast %swap3A_433 : i32 to index
    %swap3A_435 = arith.constant 96 : index
    %swap3A_436 = tpu.vector_load %arg11[%swap3A_434, %swap3A_435] {strides = array<i32>} : memref<16x128xf32, #tpu.memory_space<vmem>>, vector<1x16xf32>,
    %swap3A_437 = vector.shape_cast %swap3A_436 : vector<1x16xf32> to vector<16xf32>
    %swap3A_438 = vector.shape_cast %broadcast_in_dim3A_432 : vector<16xf32> to vector<1x16xf32>
    tpu.vector_store %arg11[%swap3A_434, %swap3A_435], %swap3A_438 {strides = array<i32>} : memref<16x128xf32, #tpu.memory_space<vmem>>, vector<1x16xf32>,
    %broadcast_in_dim3A_439 = arith.constant 0.000000e+00 : f32
    %broadcast_in_dim3A_440 = vector.broadcast %broadcast_in_dim3A_439 : f32 to vector<16xf32>
    %swap3A_441 = arith.constant 6 : i32
    %swap3A_442 = arith.index_cast %swap3A_441 : i32 to index
    %swap3A_443 = arith.constant 112 : index
    %swap3A_444 = tpu.vector_load %arg11[%swap3A_442, %swap3A_443] {strides = array<i32>} : memref<16x128xf32, #tpu.memory_space<vmem>>, vector<1x16xf32>,
    %swap3A_445 = vector.shape_cast %swap3A_444 : vector<1x16xf32> to vector<16xf32>
    %swap3A_446 = vector.shape_cast %broadcast_in_dim3A_440 : vector<16xf32> to vector<1x16xf32>
    tpu.vector_store %arg11[%swap3A_442, %swap3A_443], %swap3A_446 {strides = array<i32>} : memref<16x128xf32, #tpu.memory_space<vmem>>, vector<1x16xf32>,
    %broadcast_in_dim3A_447 = arith.constant 0.000000e+00 : f32
    %broadcast_in_dim3A_448 = vector.broadcast %broadcast_in_dim3A_447 : f32 to vector<16xf32>
    %swap3A_449 = arith.constant 7 : i32
    %swap3A_450 = arith.index_cast %swap3A_449 : i32 to index
    %swap3A_451 = arith.constant 0 : index
    %swap3A_452 = tpu.vector_load %arg11[%swap3A_450, %swap3A_451] {strides = array<i32>} : memref<16x128xf32, #tpu.memory_space<vmem>>, vector<1x16xf32>,
    %swap3A_453 = vector.shape_cast %swap3A_452 : vector<1x16xf32> to vector<16xf32>
    %swap3A_454 = vector.shape_cast %broadcast_in_dim3A_448 : vector<16xf32> to vector<1x16xf32>
    tpu.vector_store %arg11[%swap3A_450, %swap3A_451], %swap3A_454 {strides = array<i32>} : memref<16x128xf32, #tpu.memory_space<vmem>>, vector<1x16xf32>,
    %broadcast_in_dim3A_455 = arith.constant 0.000000e+00 : f32
    %broadcast_in_dim3A_456 = vector.broadcast %broadcast_in_dim3A_455 : f32 to vector<16xf32>
    %swap3A_457 = arith.constant 7 : i32
    %swap3A_458 = arith.index_cast %swap3A_457 : i32 to index
    %swap3A_459 = arith.constant 16 : index
    %swap3A_460 = tpu.vector_load %arg11[%swap3A_458, %swap3A_459] {strides = array<i32>} : memref<16x128xf32, #tpu.memory_space<vmem>>, vector<1x16xf32>,
    %swap3A_461 = vector.shape_cast %swap3A_460 : vector<1x16xf32> to vector<16xf32>
    %swap3A_462 = vector.shape_cast %broadcast_in_dim3A_456 : vector<16xf32> to vector<1x16xf32>
    tpu.vector_store %arg11[%swap3A_458, %swap3A_459], %swap3A_462 {strides = array<i32>} : memref<16x128xf32, #tpu.memory_space<vmem>>, vector<1x16xf32>,
    %broadcast_in_dim3A_463 = arith.constant 0.000000e+00 : f32
    %broadcast_in_dim3A_464 = vector.broadcast %broadcast_in_dim3A_463 : f32 to vector<16xf32>
    %swap3A_465 = arith.constant 7 : i32
    %swap3A_466 = arith.index_cast %swap3A_465 : i32 to index
    %swap3A_467 = arith.constant 32 : index
    %swap3A_468 = tpu.vector_load %arg11[%swap3A_466, %swap3A_467] {strides = array<i32>} : memref<16x128xf32, #tpu.memory_space<vmem>>, vector<1x16xf32>,
    %swap3A_469 = vector.shape_cast %swap3A_468 : vector<1x16xf32> to vector<16xf32>
    %swap3A_470 = vector.shape_cast %broadcast_in_dim3A_464 : vector<16xf32> to vector<1x16xf32>
    tpu.vector_store %arg11[%swap3A_466, %swap3A_467], %swap3A_470 {strides = array<i32>} : memref<16x128xf32, #tpu.memory_space<vmem>>, vector<1x16xf32>,
    %broadcast_in_dim3A_471 = arith.constant 0.000000e+00 : f32
    %broadcast_in_dim3A_472 = vector.broadcast %broadcast_in_dim3A_471 : f32 to vector<16xf32>
    %swap3A_473 = arith.constant 7 : i32
    %swap3A_474 = arith.index_cast %swap3A_473 : i32 to index
    %swap3A_475 = arith.constant 48 : index
    %swap3A_476 = tpu.vector_load %arg11[%swap3A_474, %swap3A_475] {strides = array<i32>} : memref<16x128xf32, #tpu.memory_space<vmem>>, vector<1x16xf32>,
    %swap3A_477 = vector.shape_cast %swap3A_476 : vector<1x16xf32> to vector<16xf32>
    %swap3A_478 = vector.shape_cast %broadcast_in_dim3A_472 : vector<16xf32> to vector<1x16xf32>
    tpu.vector_store %arg11[%swap3A_474, %swap3A_475], %swap3A_478 {strides = array<i32>} : memref<16x128xf32, #tpu.memory_space<vmem>>, vector<1x16xf32>,
    %broadcast_in_dim3A_479 = arith.constant 0.000000e+00 : f32
    %broadcast_in_dim3A_480 = vector.broadcast %broadcast_in_dim3A_479 : f32 to vector<16xf32>
    %swap3A_481 = arith.constant 7 : i32
    %swap3A_482 = arith.index_cast %swap3A_481 : i32 to index
    %swap3A_483 = arith.constant 64 : index
    %swap3A_484 = tpu.vector_load %arg11[%swap3A_482, %swap3A_483] {strides = array<i32>} : memref<16x128xf32, #tpu.memory_space<vmem>>, vector<1x16xf32>,
    %swap3A_485 = vector.shape_cast %swap3A_484 : vector<1x16xf32> to vector<16xf32>
    %swap3A_486 = vector.shape_cast %broadcast_in_dim3A_480 : vector<16xf32> to vector<1x16xf32>
    tpu.vector_store %arg11[%swap3A_482, %swap3A_483], %swap3A_486 {strides = array<i32>} : memref<16x128xf32, #tpu.memory_space<vmem>>, vector<1x16xf32>,
    %broadcast_in_dim3A_487 = arith.constant 0.000000e+00 : f32
    %broadcast_in_dim3A_488 = vector.broadcast %broadcast_in_dim3A_487 : f32 to vector<16xf32>
    %swap3A_489 = arith.constant 7 : i32
    %swap3A_490 = arith.index_cast %swap3A_489 : i32 to index
    %swap3A_491 = arith.constant 80 : index
    %swap3A_492 = tpu.vector_load %arg11[%swap3A_490, %swap3A_491] {strides = array<i32>} : memref<16x128xf32, #tpu.memory_space<vmem>>, vector<1x16xf32>,
    %swap3A_493 = vector.shape_cast %swap3A_492 : vector<1x16xf32> to vector<16xf32>
    %swap3A_494 = vector.shape_cast %broadcast_in_dim3A_488 : vector<16xf32> to vector<1x16xf32>
    tpu.vector_store %arg11[%swap3A_490, %swap3A_491], %swap3A_494 {strides = array<i32>} : memref<16x128xf32, #tpu.memory_space<vmem>>, vector<1x16xf32>,
    %broadcast_in_dim3A_495 = arith.constant 0.000000e+00 : f32
    %broadcast_in_dim3A_496 = vector.broadcast %broadcast_in_dim3A_495 : f32 to vector<16xf32>
    %swap3A_497 = arith.constant 7 : i32
    %swap3A_498 = arith.index_cast %swap3A_497 : i32 to index
    %swap3A_499 = arith.constant 96 : index
    %swap3A_500 = tpu.vector_load %arg11[%swap3A_498, %swap3A_499] {strides = array<i32>} : memref<16x128xf32, #tpu.memory_space<vmem>>, vector<1x16xf32>,
    %swap3A_501 = vector.shape_cast %swap3A_500 : vector<1x16xf32> to vector<16xf32>
    %swap3A_502 = vector.shape_cast %broadcast_in_dim3A_496 : vector<16xf32> to vector<1x16xf32>
    tpu.vector_store %arg11[%swap3A_498, %swap3A_499], %swap3A_502 {strides = array<i32>} : memref<16x128xf32, #tpu.memory_space<vmem>>, vector<1x16xf32>,
    %broadcast_in_dim3A_503 = arith.constant 0.000000e+00 : f32
    %broadcast_in_dim3A_504 = vector.broadcast %broadcast_in_dim3A_503 : f32 to vector<16xf32>
    %swap3A_505 = arith.constant 7 : i32
    %swap3A_506 = arith.index_cast %swap3A_505 : i32 to index
    %swap3A_507 = arith.constant 112 : index
    %swap3A_508 = tpu.vector_load %arg11[%swap3A_506, %swap3A_507] {strides = array<i32>} : memref<16x128xf32, #tpu.memory_space<vmem>>, vector<1x16xf32>,
    %swap3A_509 = vector.shape_cast %swap3A_508 : vector<1x16xf32> to vector<16xf32>
    %swap3A_510 = vector.shape_cast %broadcast_in_dim3A_504 : vector<16xf32> to vector<1x16xf32>
    tpu.vector_store %arg11[%swap3A_506, %swap3A_507], %swap3A_510 {strides = array<i32>} : memref<16x128xf32, #tpu.memory_space<vmem>>, vector<1x16xf32>,
    %broadcast_in_dim3A_511 = arith.constant 0.000000e+00 : f32
    %broadcast_in_dim3A_512 = vector.broadcast %broadcast_in_dim3A_511 : f32 to vector<16xf32>
    %swap3A_513 = arith.constant 8 : i32
    %swap3A_514 = arith.index_cast %swap3A_513 : i32 to index
    %swap3A_515 = arith.constant 0 : index
    %swap3A_516 = tpu.vector_load %arg11[%swap3A_514, %swap3A_515] {strides = array<i32>} : memref<16x128xf32, #tpu.memory_space<vmem>>, vector<1x16xf32>,
    %swap3A_517 = vector.shape_cast %swap3A_516 : vector<1x16xf32> to vector<16xf32>
    %swap3A_518 = vector.shape_cast %broadcast_in_dim3A_512 : vector<16xf32> to vector<1x16xf32>
    tpu.vector_store %arg11[%swap3A_514, %swap3A_515], %swap3A_518 {strides = array<i32>} : memref<16x128xf32, #tpu.memory_space<vmem>>, vector<1x16xf32>,
    %broadcast_in_dim3A_519 = arith.constant 0.000000e+00 : f32
    %broadcast_in_dim3A_520 = vector.broadcast %broadcast_in_dim3A_519 : f32 to vector<16xf32>
    %swap3A_521 = arith.constant 8 : i32
    %swap3A_522 = arith.index_cast %swap3A_521 : i32 to index
    %swap3A_523 = arith.constant 16 : index
    %swap3A_524 = tpu.vector_load %arg11[%swap3A_522, %swap3A_523] {strides = array<i32>} : memref<16x128xf32, #tpu.memory_space<vmem>>, vector<1x16xf32>,
    %swap3A_525 = vector.shape_cast %swap3A_524 : vector<1x16xf32> to vector<16xf32>
    %swap3A_526 = vector.shape_cast %broadcast_in_dim3A_520 : vector<16xf32> to vector<1x16xf32>
    tpu.vector_store %arg11[%swap3A_522, %swap3A_523], %swap3A_526 {strides = array<i32>} : memref<16x128xf32, #tpu.memory_space<vmem>>, vector<1x16xf32>,
    %broadcast_in_dim3A_527 = arith.constant 0.000000e+00 : f32
    %broadcast_in_dim3A_528 = vector.broadcast %broadcast_in_dim3A_527 : f32 to vector<16xf32>
    %swap3A_529 = arith.constant 8 : i32
    %swap3A_530 = arith.index_cast %swap3A_529 : i32 to index
    %swap3A_531 = arith.constant 32 : index
    %swap3A_532 = tpu.vector_load %arg11[%swap3A_530, %swap3A_531] {strides = array<i32>} : memref<16x128xf32, #tpu.memory_space<vmem>>, vector<1x16xf32>,
    %swap3A_533 = vector.shape_cast %swap3A_532 : vector<1x16xf32> to vector<16xf32>
    %swap3A_534 = vector.shape_cast %broadcast_in_dim3A_528 : vector<16xf32> to vector<1x16xf32>
    tpu.vector_store %arg11[%swap3A_530, %swap3A_531], %swap3A_534 {strides = array<i32>} : memref<16x128xf32, #tpu.memory_space<vmem>>, vector<1x16xf32>,
    %broadcast_in_dim3A_535 = arith.constant 0.000000e+00 : f32
    %broadcast_in_dim3A_536 = vector.broadcast %broadcast_in_dim3A_535 : f32 to vector<16xf32>
    %swap3A_537 = arith.constant 8 : i32
    %swap3A_538 = arith.index_cast %swap3A_537 : i32 to index
    %swap3A_539 = arith.constant 48 : index
    %swap3A_540 = tpu.vector_load %arg11[%swap3A_538, %swap3A_539] {strides = array<i32>} : memref<16x128xf32, #tpu.memory_space<vmem>>, vector<1x16xf32>,
    %swap3A_541 = vector.shape_cast %swap3A_540 : vector<1x16xf32> to vector<16xf32>
    %swap3A_542 = vector.shape_cast %broadcast_in_dim3A_536 : vector<16xf32> to vector<1x16xf32>
    tpu.vector_store %arg11[%swap3A_538, %swap3A_539], %swap3A_542 {strides = array<i32>} : memref<16x128xf32, #tpu.memory_space<vmem>>, vector<1x16xf32>,
    %broadcast_in_dim3A_543 = arith.constant 0.000000e+00 : f32
    %broadcast_in_dim3A_544 = vector.broadcast %broadcast_in_dim3A_543 : f32 to vector<16xf32>
    %swap3A_545 = arith.constant 8 : i32
    %swap3A_546 = arith.index_cast %swap3A_545 : i32 to index
    %swap3A_547 = arith.constant 64 : index
    %swap3A_548 = tpu.vector_load %arg11[%swap3A_546, %swap3A_547] {strides = array<i32>} : memref<16x128xf32, #tpu.memory_space<vmem>>, vector<1x16xf32>,
    %swap3A_549 = vector.shape_cast %swap3A_548 : vector<1x16xf32> to vector<16xf32>
    %swap3A_550 = vector.shape_cast %broadcast_in_dim3A_544 : vector<16xf32> to vector<1x16xf32>
    tpu.vector_store %arg11[%swap3A_546, %swap3A_547], %swap3A_550 {strides = array<i32>} : memref<16x128xf32, #tpu.memory_space<vmem>>, vector<1x16xf32>,
    %broadcast_in_dim3A_551 = arith.constant 0.000000e+00 : f32
    %broadcast_in_dim3A_552 = vector.broadcast %broadcast_in_dim3A_551 : f32 to vector<16xf32>
    %swap3A_553 = arith.constant 8 : i32
    %swap3A_554 = arith.index_cast %swap3A_553 : i32 to index
    %swap3A_555 = arith.constant 80 : index
    %swap3A_556 = tpu.vector_load %arg11[%swap3A_554, %swap3A_555] {strides = array<i32>} : memref<16x128xf32, #tpu.memory_space<vmem>>, vector<1x16xf32>,
    %swap3A_557 = vector.shape_cast %swap3A_556 : vector<1x16xf32> to vector<16xf32>
    %swap3A_558 = vector.shape_cast %broadcast_in_dim3A_552 : vector<16xf32> to vector<1x16xf32>
    tpu.vector_store %arg11[%swap3A_554, %swap3A_555], %swap3A_558 {strides = array<i32>} : memref<16x128xf32, #tpu.memory_space<vmem>>, vector<1x16xf32>,
    %broadcast_in_dim3A_559 = arith.constant 0.000000e+00 : f32
    %broadcast_in_dim3A_560 = vector.broadcast %broadcast_in_dim3A_559 : f32 to vector<16xf32>
    %swap3A_561 = arith.constant 8 : i32
    %swap3A_562 = arith.index_cast %swap3A_561 : i32 to index
    %swap3A_563 = arith.constant 96 : index
    %swap3A_564 = tpu.vector_load %arg11[%swap3A_562, %swap3A_563] {strides = array<i32>} : memref<16x128xf32, #tpu.memory_space<vmem>>, vector<1x16xf32>,
    %swap3A_565 = vector.shape_cast %swap3A_564 : vector<1x16xf32> to vector<16xf32>
    %swap3A_566 = vector.shape_cast %broadcast_in_dim3A_560 : vector<16xf32> to vector<1x16xf32>
    tpu.vector_store %arg11[%swap3A_562, %swap3A_563], %swap3A_566 {strides = array<i32>} : memref<16x128xf32, #tpu.memory_space<vmem>>, vector<1x16xf32>,
    %broadcast_in_dim3A_567 = arith.constant 0.000000e+00 : f32
    %broadcast_in_dim3A_568 = vector.broadcast %broadcast_in_dim3A_567 : f32 to vector<16xf32>
    %swap3A_569 = arith.constant 8 : i32
    %swap3A_570 = arith.index_cast %swap3A_569 : i32 to index
    %swap3A_571 = arith.constant 112 : index
    %swap3A_572 = tpu.vector_load %arg11[%swap3A_570, %swap3A_571] {strides = array<i32>} : memref<16x128xf32, #tpu.memory_space<vmem>>, vector<1x16xf32>,
    %swap3A_573 = vector.shape_cast %swap3A_572 : vector<1x16xf32> to vector<16xf32>
    %swap3A_574 = vector.shape_cast %broadcast_in_dim3A_568 : vector<16xf32> to vector<1x16xf32>
    tpu.vector_store %arg11[%swap3A_570, %swap3A_571], %swap3A_574 {strides = array<i32>} : memref<16x128xf32, #tpu.memory_space<vmem>>, vector<1x16xf32>,
    %broadcast_in_dim3A_575 = arith.constant 0.000000e+00 : f32
    %broadcast_in_dim3A_576 = vector.broadcast %broadcast_in_dim3A_575 : f32 to vector<16xf32>
    %swap3A_577 = arith.constant 9 : i32
    %swap3A_578 = arith.index_cast %swap3A_577 : i32 to index
    %swap3A_579 = arith.constant 0 : index
    %swap3A_580 = tpu.vector_load %arg11[%swap3A_578, %swap3A_579] {strides = array<i32>} : memref<16x128xf32, #tpu.memory_space<vmem>>, vector<1x16xf32>,
    %swap3A_581 = vector.shape_cast %swap3A_580 : vector<1x16xf32> to vector<16xf32>
    %swap3A_582 = vector.shape_cast %broadcast_in_dim3A_576 : vector<16xf32> to vector<1x16xf32>
    tpu.vector_store %arg11[%swap3A_578, %swap3A_579], %swap3A_582 {strides = array<i32>} : memref<16x128xf32, #tpu.memory_space<vmem>>, vector<1x16xf32>,
    %broadcast_in_dim3A_583 = arith.constant 0.000000e+00 : f32
    %broadcast_in_dim3A_584 = vector.broadcast %broadcast_in_dim3A_583 : f32 to vector<16xf32>
    %swap3A_585 = arith.constant 9 : i32
    %swap3A_586 = arith.index_cast %swap3A_585 : i32 to index
    %swap3A_587 = arith.constant 16 : index
    %swap3A_588 = tpu.vector_load %arg11[%swap3A_586, %swap3A_587] {strides = array<i32>} : memref<16x128xf32, #tpu.memory_space<vmem>>, vector<1x16xf32>,
    %swap3A_589 = vector.shape_cast %swap3A_588 : vector<1x16xf32> to vector<16xf32>
    %swap3A_590 = vector.shape_cast %broadcast_in_dim3A_584 : vector<16xf32> to vector<1x16xf32>
    tpu.vector_store %arg11[%swap3A_586, %swap3A_587], %swap3A_590 {strides = array<i32>} : memref<16x128xf32, #tpu.memory_space<vmem>>, vector<1x16xf32>,
    %broadcast_in_dim3A_591 = arith.constant 0.000000e+00 : f32
    %broadcast_in_dim3A_592 = vector.broadcast %broadcast_in_dim3A_591 : f32 to vector<16xf32>
    %swap3A_593 = arith.constant 9 : i32
    %swap3A_594 = arith.index_cast %swap3A_593 : i32 to index
    %swap3A_595 = arith.constant 32 : index
    %swap3A_596 = tpu.vector_load %arg11[%swap3A_594, %swap3A_595] {strides = array<i32>} : memref<16x128xf32, #tpu.memory_space<vmem>>, vector<1x16xf32>,
    %swap3A_597 = vector.shape_cast %swap3A_596 : vector<1x16xf32> to vector<16xf32>
    %swap3A_598 = vector.shape_cast %broadcast_in_dim3A_592 : vector<16xf32> to vector<1x16xf32>
    tpu.vector_store %arg11[%swap3A_594, %swap3A_595], %swap3A_598 {strides = array<i32>} : memref<16x128xf32, #tpu.memory_space<vmem>>, vector<1x16xf32>,
    %broadcast_in_dim3A_599 = arith.constant 0.000000e+00 : f32
    %broadcast_in_dim3A_600 = vector.broadcast %broadcast_in_dim3A_599 : f32 to vector<16xf32>
    %swap3A_601 = arith.constant 9 : i32
    %swap3A_602 = arith.index_cast %swap3A_601 : i32 to index
    %swap3A_603 = arith.constant 48 : index
    %swap3A_604 = tpu.vector_load %arg11[%swap3A_602, %swap3A_603] {strides = array<i32>} : memref<16x128xf32, #tpu.memory_space<vmem>>, vector<1x16xf32>,
    %swap3A_605 = vector.shape_cast %swap3A_604 : vector<1x16xf32> to vector<16xf32>
    %swap3A_606 = vector.shape_cast %broadcast_in_dim3A_600 : vector<16xf32> to vector<1x16xf32>
    tpu.vector_store %arg11[%swap3A_602, %swap3A_603], %swap3A_606 {strides = array<i32>} : memref<16x128xf32, #tpu.memory_space<vmem>>, vector<1x16xf32>,
    %broadcast_in_dim3A_607 = arith.constant 0.000000e+00 : f32
    %broadcast_in_dim3A_608 = vector.broadcast %broadcast_in_dim3A_607 : f32 to vector<16xf32>
    %swap3A_609 = arith.constant 9 : i32
    %swap3A_610 = arith.index_cast %swap3A_609 : i32 to index
    %swap3A_611 = arith.constant 64 : index
    %swap3A_612 = tpu.vector_load %arg11[%swap3A_610, %swap3A_611] {strides = array<i32>} : memref<16x128xf32, #tpu.memory_space<vmem>>, vector<1x16xf32>,
    %swap3A_613 = vector.shape_cast %swap3A_612 : vector<1x16xf32> to vector<16xf32>
    %swap3A_614 = vector.shape_cast %broadcast_in_dim3A_608 : vector<16xf32> to vector<1x16xf32>
    tpu.vector_store %arg11[%swap3A_610, %swap3A_611], %swap3A_614 {strides = array<i32>} : memref<16x128xf32, #tpu.memory_space<vmem>>, vector<1x16xf32>,
    %broadcast_in_dim3A_615 = arith.constant 0.000000e+00 : f32
    %broadcast_in_dim3A_616 = vector.broadcast %broadcast_in_dim3A_615 : f32 to vector<16xf32>
    %swap3A_617 = arith.constant 9 : i32
    %swap3A_618 = arith.index_cast %swap3A_617 : i32 to index
    %swap3A_619 = arith.constant 80 : index
    %swap3A_620 = tpu.vector_load %arg11[%swap3A_618, %swap3A_619] {strides = array<i32>} : memref<16x128xf32, #tpu.memory_space<vmem>>, vector<1x16xf32>,
    %swap3A_621 = vector.shape_cast %swap3A_620 : vector<1x16xf32> to vector<16xf32>
    %swap3A_622 = vector.shape_cast %broadcast_in_dim3A_616 : vector<16xf32> to vector<1x16xf32>
    tpu.vector_store %arg11[%swap3A_618, %swap3A_619], %swap3A_622 {strides = array<i32>} : memref<16x128xf32, #tpu.memory_space<vmem>>, vector<1x16xf32>,
    %broadcast_in_dim3A_623 = arith.constant 0.000000e+00 : f32
    %broadcast_in_dim3A_624 = vector.broadcast %broadcast_in_dim3A_623 : f32 to vector<16xf32>
    %swap3A_625 = arith.constant 9 : i32
    %swap3A_626 = arith.index_cast %swap3A_625 : i32 to index
    %swap3A_627 = arith.constant 96 : index
    %swap3A_628 = tpu.vector_load %arg11[%swap3A_626, %swap3A_627] {strides = array<i32>} : memref<16x128xf32, #tpu.memory_space<vmem>>, vector<1x16xf32>,
    %swap3A_629 = vector.shape_cast %swap3A_628 : vector<1x16xf32> to vector<16xf32>
    %swap3A_630 = vector.shape_cast %broadcast_in_dim3A_624 : vector<16xf32> to vector<1x16xf32>
    tpu.vector_store %arg11[%swap3A_626, %swap3A_627], %swap3A_630 {strides = array<i32>} : memref<16x128xf32, #tpu.memory_space<vmem>>, vector<1x16xf32>,
    %broadcast_in_dim3A_631 = arith.constant 0.000000e+00 : f32
    %broadcast_in_dim3A_632 = vector.broadcast %broadcast_in_dim3A_631 : f32 to vector<16xf32>
    %swap3A_633 = arith.constant 9 : i32
    %swap3A_634 = arith.index_cast %swap3A_633 : i32 to index
    %swap3A_635 = arith.constant 112 : index
    %swap3A_636 = tpu.vector_load %arg11[%swap3A_634, %swap3A_635] {strides = array<i32>} : memref<16x128xf32, #tpu.memory_space<vmem>>, vector<1x16xf32>,
    %swap3A_637 = vector.shape_cast %swap3A_636 : vector<1x16xf32> to vector<16xf32>
    %swap3A_638 = vector.shape_cast %broadcast_in_dim3A_632 : vector<16xf32> to vector<1x16xf32>
    tpu.vector_store %arg11[%swap3A_634, %swap3A_635], %swap3A_638 {strides = array<i32>} : memref<16x128xf32, #tpu.memory_space<vmem>>, vector<1x16xf32>,
    %broadcast_in_dim3A_639 = arith.constant 0.000000e+00 : f32
    %broadcast_in_dim3A_640 = vector.broadcast %broadcast_in_dim3A_639 : f32 to vector<16xf32>
    %swap3A_641 = arith.constant 10 : i32
    %swap3A_642 = arith.index_cast %swap3A_641 : i32 to index
    %swap3A_643 = arith.constant 0 : index
    %swap3A_644 = tpu.vector_load %arg11[%swap3A_642, %swap3A_643] {strides = array<i32>} : memref<16x128xf32, #tpu.memory_space<vmem>>, vector<1x16xf32>,
    %swap3A_645 = vector.shape_cast %swap3A_644 : vector<1x16xf32> to vector<16xf32>
    %swap3A_646 = vector.shape_cast %broadcast_in_dim3A_640 : vector<16xf32> to vector<1x16xf32>
    tpu.vector_store %arg11[%swap3A_642, %swap3A_643], %swap3A_646 {strides = array<i32>} : memref<16x128xf32, #tpu.memory_space<vmem>>, vector<1x16xf32>,
    %broadcast_in_dim3A_647 = arith.constant 0.000000e+00 : f32
    %broadcast_in_dim3A_648 = vector.broadcast %broadcast_in_dim3A_647 : f32 to vector<16xf32>
    %swap3A_649 = arith.constant 10 : i32
    %swap3A_650 = arith.index_cast %swap3A_649 : i32 to index
    %swap3A_651 = arith.constant 16 : index
    %swap3A_652 = tpu.vector_load %arg11[%swap3A_650, %swap3A_651] {strides = array<i32>} : memref<16x128xf32, #tpu.memory_space<vmem>>, vector<1x16xf32>,
    %swap3A_653 = vector.shape_cast %swap3A_652 : vector<1x16xf32> to vector<16xf32>
    %swap3A_654 = vector.shape_cast %broadcast_in_dim3A_648 : vector<16xf32> to vector<1x16xf32>
    tpu.vector_store %arg11[%swap3A_650, %swap3A_651], %swap3A_654 {strides = array<i32>} : memref<16x128xf32, #tpu.memory_space<vmem>>, vector<1x16xf32>,
    %broadcast_in_dim3A_655 = arith.constant 0.000000e+00 : f32
    %broadcast_in_dim3A_656 = vector.broadcast %broadcast_in_dim3A_655 : f32 to vector<16xf32>
    %swap3A_657 = arith.constant 10 : i32
    %swap3A_658 = arith.index_cast %swap3A_657 : i32 to index
    %swap3A_659 = arith.constant 32 : index
    %swap3A_660 = tpu.vector_load %arg11[%swap3A_658, %swap3A_659] {strides = array<i32>} : memref<16x128xf32, #tpu.memory_space<vmem>>, vector<1x16xf32>,
    %swap3A_661 = vector.shape_cast %swap3A_660 : vector<1x16xf32> to vector<16xf32>
    %swap3A_662 = vector.shape_cast %broadcast_in_dim3A_656 : vector<16xf32> to vector<1x16xf32>
    tpu.vector_store %arg11[%swap3A_658, %swap3A_659], %swap3A_662 {strides = array<i32>} : memref<16x128xf32, #tpu.memory_space<vmem>>, vector<1x16xf32>,
    %broadcast_in_dim3A_663 = arith.constant 0.000000e+00 : f32
    %broadcast_in_dim3A_664 = vector.broadcast %broadcast_in_dim3A_663 : f32 to vector<16xf32>
    %swap3A_665 = arith.constant 10 : i32
    %swap3A_666 = arith.index_cast %swap3A_665 : i32 to index
    %swap3A_667 = arith.constant 48 : index
    %swap3A_668 = tpu.vector_load %arg11[%swap3A_666, %swap3A_667] {strides = array<i32>} : memref<16x128xf32, #tpu.memory_space<vmem>>, vector<1x16xf32>,
    %swap3A_669 = vector.shape_cast %swap3A_668 : vector<1x16xf32> to vector<16xf32>
    %swap3A_670 = vector.shape_cast %broadcast_in_dim3A_664 : vector<16xf32> to vector<1x16xf32>
    tpu.vector_store %arg11[%swap3A_666, %swap3A_667], %swap3A_670 {strides = array<i32>} : memref<16x128xf32, #tpu.memory_space<vmem>>, vector<1x16xf32>,
    %broadcast_in_dim3A_671 = arith.constant 0.000000e+00 : f32
    %broadcast_in_dim3A_672 = vector.broadcast %broadcast_in_dim3A_671 : f32 to vector<16xf32>
    %swap3A_673 = arith.constant 10 : i32
    %swap3A_674 = arith.index_cast %swap3A_673 : i32 to index
    %swap3A_675 = arith.constant 64 : index
    %swap3A_676 = tpu.vector_load %arg11[%swap3A_674, %swap3A_675] {strides = array<i32>} : memref<16x128xf32, #tpu.memory_space<vmem>>, vector<1x16xf32>,
    %swap3A_677 = vector.shape_cast %swap3A_676 : vector<1x16xf32> to vector<16xf32>
    %swap3A_678 = vector.shape_cast %broadcast_in_dim3A_672 : vector<16xf32> to vector<1x16xf32>
    tpu.vector_store %arg11[%swap3A_674, %swap3A_675], %swap3A_678 {strides = array<i32>} : memref<16x128xf32, #tpu.memory_space<vmem>>, vector<1x16xf32>,
    %broadcast_in_dim3A_679 = arith.constant 0.000000e+00 : f32
    %broadcast_in_dim3A_680 = vector.broadcast %broadcast_in_dim3A_679 : f32 to vector<16xf32>
    %swap3A_681 = arith.constant 10 : i32
    %swap3A_682 = arith.index_cast %swap3A_681 : i32 to index
    %swap3A_683 = arith.constant 80 : index
    %swap3A_684 = tpu.vector_load %arg11[%swap3A_682, %swap3A_683] {strides = array<i32>} : memref<16x128xf32, #tpu.memory_space<vmem>>, vector<1x16xf32>,
    %swap3A_685 = vector.shape_cast %swap3A_684 : vector<1x16xf32> to vector<16xf32>
    %swap3A_686 = vector.shape_cast %broadcast_in_dim3A_680 : vector<16xf32> to vector<1x16xf32>
    tpu.vector_store %arg11[%swap3A_682, %swap3A_683], %swap3A_686 {strides = array<i32>} : memref<16x128xf32, #tpu.memory_space<vmem>>, vector<1x16xf32>,
    %broadcast_in_dim3A_687 = arith.constant 0.000000e+00 : f32
    %broadcast_in_dim3A_688 = vector.broadcast %broadcast_in_dim3A_687 : f32 to vector<16xf32>
    %swap3A_689 = arith.constant 10 : i32
    %swap3A_690 = arith.index_cast %swap3A_689 : i32 to index
    %swap3A_691 = arith.constant 96 : index
    %swap3A_692 = tpu.vector_load %arg11[%swap3A_690, %swap3A_691] {strides = array<i32>} : memref<16x128xf32, #tpu.memory_space<vmem>>, vector<1x16xf32>,
    %swap3A_693 = vector.shape_cast %swap3A_692 : vector<1x16xf32> to vector<16xf32>
    %swap3A_694 = vector.shape_cast %broadcast_in_dim3A_688 : vector<16xf32> to vector<1x16xf32>
    tpu.vector_store %arg11[%swap3A_690, %swap3A_691], %swap3A_694 {strides = array<i32>} : memref<16x128xf32, #tpu.memory_space<vmem>>, vector<1x16xf32>,
    %broadcast_in_dim3A_695 = arith.constant 0.000000e+00 : f32
    %broadcast_in_dim3A_696 = vector.broadcast %broadcast_in_dim3A_695 : f32 to vector<16xf32>
    %swap3A_697 = arith.constant 10 : i32
    %swap3A_698 = arith.index_cast %swap3A_697 : i32 to index
    %swap3A_699 = arith.constant 112 : index
    %swap3A_700 = tpu.vector_load %arg11[%swap3A_698, %swap3A_699] {strides = array<i32>} : memref<16x128xf32, #tpu.memory_space<vmem>>, vector<1x16xf32>,
    %swap3A_701 = vector.shape_cast %swap3A_700 : vector<1x16xf32> to vector<16xf32>
    %swap3A_702 = vector.shape_cast %broadcast_in_dim3A_696 : vector<16xf32> to vector<1x16xf32>
    tpu.vector_store %arg11[%swap3A_698, %swap3A_699], %swap3A_702 {strides = array<i32>} : memref<16x128xf32, #tpu.memory_space<vmem>>, vector<1x16xf32>,
    %broadcast_in_dim3A_703 = arith.constant 0.000000e+00 : f32
    %broadcast_in_dim3A_704 = vector.broadcast %broadcast_in_dim3A_703 : f32 to vector<16xf32>
    %swap3A_705 = arith.constant 11 : i32
    %swap3A_706 = arith.index_cast %swap3A_705 : i32 to index
    %swap3A_707 = arith.constant 0 : index
    %swap3A_708 = tpu.vector_load %arg11[%swap3A_706, %swap3A_707] {strides = array<i32>} : memref<16x128xf32, #tpu.memory_space<vmem>>, vector<1x16xf32>,
    %swap3A_709 = vector.shape_cast %swap3A_708 : vector<1x16xf32> to vector<16xf32>
    %swap3A_710 = vector.shape_cast %broadcast_in_dim3A_704 : vector<16xf32> to vector<1x16xf32>
    tpu.vector_store %arg11[%swap3A_706, %swap3A_707], %swap3A_710 {strides = array<i32>} : memref<16x128xf32, #tpu.memory_space<vmem>>, vector<1x16xf32>,
    %broadcast_in_dim3A_711 = arith.constant 0.000000e+00 : f32
    %broadcast_in_dim3A_712 = vector.broadcast %broadcast_in_dim3A_711 : f32 to vector<16xf32>
    %swap3A_713 = arith.constant 11 : i32
    %swap3A_714 = arith.index_cast %swap3A_713 : i32 to index
    %swap3A_715 = arith.constant 16 : index
    %swap3A_716 = tpu.vector_load %arg11[%swap3A_714, %swap3A_715] {strides = array<i32>} : memref<16x128xf32, #tpu.memory_space<vmem>>, vector<1x16xf32>,
    %swap3A_717 = vector.shape_cast %swap3A_716 : vector<1x16xf32> to vector<16xf32>
    %swap3A_718 = vector.shape_cast %broadcast_in_dim3A_712 : vector<16xf32> to vector<1x16xf32>
    tpu.vector_store %arg11[%swap3A_714, %swap3A_715], %swap3A_718 {strides = array<i32>} : memref<16x128xf32, #tpu.memory_space<vmem>>, vector<1x16xf32>,
    %broadcast_in_dim3A_719 = arith.constant 0.000000e+00 : f32
    %broadcast_in_dim3A_720 = vector.broadcast %broadcast_in_dim3A_719 : f32 to vector<16xf32>
    %swap3A_721 = arith.constant 11 : i32
    %swap3A_722 = arith.index_cast %swap3A_721 : i32 to index
    %swap3A_723 = arith.constant 32 : index
    %swap3A_724 = tpu.vector_load %arg11[%swap3A_722, %swap3A_723] {strides = array<i32>} : memref<16x128xf32, #tpu.memory_space<vmem>>, vector<1x16xf32>,
    %swap3A_725 = vector.shape_cast %swap3A_724 : vector<1x16xf32> to vector<16xf32>
    %swap3A_726 = vector.shape_cast %broadcast_in_dim3A_720 : vector<16xf32> to vector<1x16xf32>
    tpu.vector_store %arg11[%swap3A_722, %swap3A_723], %swap3A_726 {strides = array<i32>} : memref<16x128xf32, #tpu.memory_space<vmem>>, vector<1x16xf32>,
    %broadcast_in_dim3A_727 = arith.constant 0.000000e+00 : f32
    %broadcast_in_dim3A_728 = vector.broadcast %broadcast_in_dim3A_727 : f32 to vector<16xf32>
    %swap3A_729 = arith.constant 11 : i32
    %swap3A_730 = arith.index_cast %swap3A_729 : i32 to index
    %swap3A_731 = arith.constant 48 : index
    %swap3A_732 = tpu.vector_load %arg11[%swap3A_730, %swap3A_731] {strides = array<i32>} : memref<16x128xf32, #tpu.memory_space<vmem>>, vector<1x16xf32>,
    %swap3A_733 = vector.shape_cast %swap3A_732 : vector<1x16xf32> to vector<16xf32>
    %swap3A_734 = vector.shape_cast %broadcast_in_dim3A_728 : vector<16xf32> to vector<1x16xf32>
    tpu.vector_store %arg11[%swap3A_730, %swap3A_731], %swap3A_734 {strides = array<i32>} : memref<16x128xf32, #tpu.memory_space<vmem>>, vector<1x16xf32>,
    %broadcast_in_dim3A_735 = arith.constant 0.000000e+00 : f32
    %broadcast_in_dim3A_736 = vector.broadcast %broadcast_in_dim3A_735 : f32 to vector<16xf32>
    %swap3A_737 = arith.constant 11 : i32
    %swap3A_738 = arith.index_cast %swap3A_737 : i32 to index
    %swap3A_739 = arith.constant 64 : index
    %swap3A_740 = tpu.vector_load %arg11[%swap3A_738, %swap3A_739] {strides = array<i32>} : memref<16x128xf32, #tpu.memory_space<vmem>>, vector<1x16xf32>,
    %swap3A_741 = vector.shape_cast %swap3A_740 : vector<1x16xf32> to vector<16xf32>
    %swap3A_742 = vector.shape_cast %broadcast_in_dim3A_736 : vector<16xf32> to vector<1x16xf32>
    tpu.vector_store %arg11[%swap3A_738, %swap3A_739], %swap3A_742 {strides = array<i32>} : memref<16x128xf32, #tpu.memory_space<vmem>>, vector<1x16xf32>,
    %broadcast_in_dim3A_743 = arith.constant 0.000000e+00 : f32
    %broadcast_in_dim3A_744 = vector.broadcast %broadcast_in_dim3A_743 : f32 to vector<16xf32>
    %swap3A_745 = arith.constant 11 : i32
    %swap3A_746 = arith.index_cast %swap3A_745 : i32 to index
    %swap3A_747 = arith.constant 80 : index
    %swap3A_748 = tpu.vector_load %arg11[%swap3A_746, %swap3A_747] {strides = array<i32>} : memref<16x128xf32, #tpu.memory_space<vmem>>, vector<1x16xf32>,
    %swap3A_749 = vector.shape_cast %swap3A_748 : vector<1x16xf32> to vector<16xf32>
    %swap3A_750 = vector.shape_cast %broadcast_in_dim3A_744 : vector<16xf32> to vector<1x16xf32>
    tpu.vector_store %arg11[%swap3A_746, %swap3A_747], %swap3A_750 {strides = array<i32>} : memref<16x128xf32, #tpu.memory_space<vmem>>, vector<1x16xf32>,
    %broadcast_in_dim3A_751 = arith.constant 0.000000e+00 : f32
    %broadcast_in_dim3A_752 = vector.broadcast %broadcast_in_dim3A_751 : f32 to vector<16xf32>
    %swap3A_753 = arith.constant 11 : i32
    %swap3A_754 = arith.index_cast %swap3A_753 : i32 to index
    %swap3A_755 = arith.constant 96 : index
    %swap3A_756 = tpu.vector_load %arg11[%swap3A_754, %swap3A_755] {strides = array<i32>} : memref<16x128xf32, #tpu.memory_space<vmem>>, vector<1x16xf32>,
    %swap3A_757 = vector.shape_cast %swap3A_756 : vector<1x16xf32> to vector<16xf32>
    %swap3A_758 = vector.shape_cast %broadcast_in_dim3A_752 : vector<16xf32> to vector<1x16xf32>
    tpu.vector_store %arg11[%swap3A_754, %swap3A_755], %swap3A_758 {strides = array<i32>} : memref<16x128xf32, #tpu.memory_space<vmem>>, vector<1x16xf32>,
    %broadcast_in_dim3A_759 = arith.constant 0.000000e+00 : f32
    %broadcast_in_dim3A_760 = vector.broadcast %broadcast_in_dim3A_759 : f32 to vector<16xf32>
    %swap3A_761 = arith.constant 11 : i32
    %swap3A_762 = arith.index_cast %swap3A_761 : i32 to index
    %swap3A_763 = arith.constant 112 : index
    %swap3A_764 = tpu.vector_load %arg11[%swap3A_762, %swap3A_763] {strides = array<i32>} : memref<16x128xf32, #tpu.memory_space<vmem>>, vector<1x16xf32>,
    %swap3A_765 = vector.shape_cast %swap3A_764 : vector<1x16xf32> to vector<16xf32>
    %swap3A_766 = vector.shape_cast %broadcast_in_dim3A_760 : vector<16xf32> to vector<1x16xf32>
    tpu.vector_store %arg11[%swap3A_762, %swap3A_763], %swap3A_766 {strides = array<i32>} : memref<16x128xf32, #tpu.memory_space<vmem>>, vector<1x16xf32>,
    %broadcast_in_dim3A_767 = arith.constant 0.000000e+00 : f32
    %broadcast_in_dim3A_768 = vector.broadcast %broadcast_in_dim3A_767 : f32 to vector<16xf32>
    %swap3A_769 = arith.constant 12 : i32
    %swap3A_770 = arith.index_cast %swap3A_769 : i32 to index
    %swap3A_771 = arith.constant 0 : index
    %swap3A_772 = tpu.vector_load %arg11[%swap3A_770, %swap3A_771] {strides = array<i32>} : memref<16x128xf32, #tpu.memory_space<vmem>>, vector<1x16xf32>,
    %swap3A_773 = vector.shape_cast %swap3A_772 : vector<1x16xf32> to vector<16xf32>
    %swap3A_774 = vector.shape_cast %broadcast_in_dim3A_768 : vector<16xf32> to vector<1x16xf32>
    tpu.vector_store %arg11[%swap3A_770, %swap3A_771], %swap3A_774 {strides = array<i32>} : memref<16x128xf32, #tpu.memory_space<vmem>>, vector<1x16xf32>,
    %broadcast_in_dim3A_775 = arith.constant 0.000000e+00 : f32
    %broadcast_in_dim3A_776 = vector.broadcast %broadcast_in_dim3A_775 : f32 to vector<16xf32>
    %swap3A_777 = arith.constant 12 : i32
    %swap3A_778 = arith.index_cast %swap3A_777 : i32 to index
    %swap3A_779 = arith.constant 16 : index
    %swap3A_780 = tpu.vector_load %arg11[%swap3A_778, %swap3A_779] {strides = array<i32>} : memref<16x128xf32, #tpu.memory_space<vmem>>, vector<1x16xf32>,
    %swap3A_781 = vector.shape_cast %swap3A_780 : vector<1x16xf32> to vector<16xf32>
    %swap3A_782 = vector.shape_cast %broadcast_in_dim3A_776 : vector<16xf32> to vector<1x16xf32>
    tpu.vector_store %arg11[%swap3A_778, %swap3A_779], %swap3A_782 {strides = array<i32>} : memref<16x128xf32, #tpu.memory_space<vmem>>, vector<1x16xf32>,
    %broadcast_in_dim3A_783 = arith.constant 0.000000e+00 : f32
    %broadcast_in_dim3A_784 = vector.broadcast %broadcast_in_dim3A_783 : f32 to vector<16xf32>
    %swap3A_785 = arith.constant 12 : i32
    %swap3A_786 = arith.index_cast %swap3A_785 : i32 to index
    %swap3A_787 = arith.constant 32 : index
    %swap3A_788 = tpu.vector_load %arg11[%swap3A_786, %swap3A_787] {strides = array<i32>} : memref<16x128xf32, #tpu.memory_space<vmem>>, vector<1x16xf32>,
    %swap3A_789 = vector.shape_cast %swap3A_788 : vector<1x16xf32> to vector<16xf32>
    %swap3A_790 = vector.shape_cast %broadcast_in_dim3A_784 : vector<16xf32> to vector<1x16xf32>
    tpu.vector_store %arg11[%swap3A_786, %swap3A_787], %swap3A_790 {strides = array<i32>} : memref<16x128xf32, #tpu.memory_space<vmem>>, vector<1x16xf32>,
    %broadcast_in_dim3A_791 = arith.constant 0.000000e+00 : f32
    %broadcast_in_dim3A_792 = vector.broadcast %broadcast_in_dim3A_791 : f32 to vector<16xf32>
    %swap3A_793 = arith.constant 12 : i32
    %swap3A_794 = arith.index_cast %swap3A_793 : i32 to index
    %swap3A_795 = arith.constant 48 : index
    %swap3A_796 = tpu.vector_load %arg11[%swap3A_794, %swap3A_795] {strides = array<i32>} : memref<16x128xf32, #tpu.memory_space<vmem>>, vector<1x16xf32>,
    %swap3A_797 = vector.shape_cast %swap3A_796 : vector<1x16xf32> to vector<16xf32>
    %swap3A_798 = vector.shape_cast %broadcast_in_dim3A_792 : vector<16xf32> to vector<1x16xf32>
    tpu.vector_store %arg11[%swap3A_794, %swap3A_795], %swap3A_798 {strides = array<i32>} : memref<16x128xf32, #tpu.memory_space<vmem>>, vector<1x16xf32>,
    %broadcast_in_dim3A_799 = arith.constant 0.000000e+00 : f32
    %broadcast_in_dim3A_800 = vector.broadcast %broadcast_in_dim3A_799 : f32 to vector<16xf32>
    %swap3A_801 = arith.constant 12 : i32
    %swap3A_802 = arith.index_cast %swap3A_801 : i32 to index
    %swap3A_803 = arith.constant 64 : index
    %swap3A_804 = tpu.vector_load %arg11[%swap3A_802, %swap3A_803] {strides = array<i32>} : memref<16x128xf32, #tpu.memory_space<vmem>>, vector<1x16xf32>,
    %swap3A_805 = vector.shape_cast %swap3A_804 : vector<1x16xf32> to vector<16xf32>
    %swap3A_806 = vector.shape_cast %broadcast_in_dim3A_800 : vector<16xf32> to vector<1x16xf32>
    tpu.vector_store %arg11[%swap3A_802, %swap3A_803], %swap3A_806 {strides = array<i32>} : memref<16x128xf32, #tpu.memory_space<vmem>>, vector<1x16xf32>,
    %broadcast_in_dim3A_807 = arith.constant 0.000000e+00 : f32
    %broadcast_in_dim3A_808 = vector.broadcast %broadcast_in_dim3A_807 : f32 to vector<16xf32>
    %swap3A_809 = arith.constant 12 : i32
    %swap3A_810 = arith.index_cast %swap3A_809 : i32 to index
    %swap3A_811 = arith.constant 80 : index
    %swap3A_812 = tpu.vector_load %arg11[%swap3A_810, %swap3A_811] {strides = array<i32>} : memref<16x128xf32, #tpu.memory_space<vmem>>, vector<1x16xf32>,
    %swap3A_813 = vector.shape_cast %swap3A_812 : vector<1x16xf32> to vector<16xf32>
    %swap3A_814 = vector.shape_cast %broadcast_in_dim3A_808 : vector<16xf32> to vector<1x16xf32>
    tpu.vector_store %arg11[%swap3A_810, %swap3A_811], %swap3A_814 {strides = array<i32>} : memref<16x128xf32, #tpu.memory_space<vmem>>, vector<1x16xf32>,
    %broadcast_in_dim3A_815 = arith.constant 0.000000e+00 : f32
    %broadcast_in_dim3A_816 = vector.broadcast %broadcast_in_dim3A_815 : f32 to vector<16xf32>
    %swap3A_817 = arith.constant 12 : i32
    %swap3A_818 = arith.index_cast %swap3A_817 : i32 to index
    %swap3A_819 = arith.constant 96 : index
    %swap3A_820 = tpu.vector_load %arg11[%swap3A_818, %swap3A_819] {strides = array<i32>} : memref<16x128xf32, #tpu.memory_space<vmem>>, vector<1x16xf32>,
    %swap3A_821 = vector.shape_cast %swap3A_820 : vector<1x16xf32> to vector<16xf32>
    %swap3A_822 = vector.shape_cast %broadcast_in_dim3A_816 : vector<16xf32> to vector<1x16xf32>
    tpu.vector_store %arg11[%swap3A_818, %swap3A_819], %swap3A_822 {strides = array<i32>} : memref<16x128xf32, #tpu.memory_space<vmem>>, vector<1x16xf32>,
    %broadcast_in_dim3A_823 = arith.constant 0.000000e+00 : f32
    %broadcast_in_dim3A_824 = vector.broadcast %broadcast_in_dim3A_823 : f32 to vector<16xf32>
    %swap3A_825 = arith.constant 12 : i32
    %swap3A_826 = arith.index_cast %swap3A_825 : i32 to index
    %swap3A_827 = arith.constant 112 : index
    %swap3A_828 = tpu.vector_load %arg11[%swap3A_826, %swap3A_827] {strides = array<i32>} : memref<16x128xf32, #tpu.memory_space<vmem>>, vector<1x16xf32>,
    %swap3A_829 = vector.shape_cast %swap3A_828 : vector<1x16xf32> to vector<16xf32>
    %swap3A_830 = vector.shape_cast %broadcast_in_dim3A_824 : vector<16xf32> to vector<1x16xf32>
    tpu.vector_store %arg11[%swap3A_826, %swap3A_827], %swap3A_830 {strides = array<i32>} : memref<16x128xf32, #tpu.memory_space<vmem>>, vector<1x16xf32>,
    %broadcast_in_dim3A_831 = arith.constant 0.000000e+00 : f32
    %broadcast_in_dim3A_832 = vector.broadcast %broadcast_in_dim3A_831 : f32 to vector<16xf32>
    %swap3A_833 = arith.constant 13 : i32
    %swap3A_834 = arith.index_cast %swap3A_833 : i32 to index
    %swap3A_835 = arith.constant 0 : index
    %swap3A_836 = tpu.vector_load %arg11[%swap3A_834, %swap3A_835] {strides = array<i32>} : memref<16x128xf32, #tpu.memory_space<vmem>>, vector<1x16xf32>,
    %swap3A_837 = vector.shape_cast %swap3A_836 : vector<1x16xf32> to vector<16xf32>
    %swap3A_838 = vector.shape_cast %broadcast_in_dim3A_832 : vector<16xf32> to vector<1x16xf32>
    tpu.vector_store %arg11[%swap3A_834, %swap3A_835], %swap3A_838 {strides = array<i32>} : memref<16x128xf32, #tpu.memory_space<vmem>>, vector<1x16xf32>,
    %broadcast_in_dim3A_839 = arith.constant 0.000000e+00 : f32
    %broadcast_in_dim3A_840 = vector.broadcast %broadcast_in_dim3A_839 : f32 to vector<16xf32>
    %swap3A_841 = arith.constant 13 : i32
    %swap3A_842 = arith.index_cast %swap3A_841 : i32 to index
    %swap3A_843 = arith.constant 16 : index
    %swap3A_844 = tpu.vector_load %arg11[%swap3A_842, %swap3A_843] {strides = array<i32>} : memref<16x128xf32, #tpu.memory_space<vmem>>, vector<1x16xf32>,
    %swap3A_845 = vector.shape_cast %swap3A_844 : vector<1x16xf32> to vector<16xf32>
    %swap3A_846 = vector.shape_cast %broadcast_in_dim3A_840 : vector<16xf32> to vector<1x16xf32>
    tpu.vector_store %arg11[%swap3A_842, %swap3A_843], %swap3A_846 {strides = array<i32>} : memref<16x128xf32, #tpu.memory_space<vmem>>, vector<1x16xf32>,
    %broadcast_in_dim3A_847 = arith.constant 0.000000e+00 : f32
    %broadcast_in_dim3A_848 = vector.broadcast %broadcast_in_dim3A_847 : f32 to vector<16xf32>
    %swap3A_849 = arith.constant 13 : i32
    %swap3A_850 = arith.index_cast %swap3A_849 : i32 to index
    %swap3A_851 = arith.constant 32 : index
    %swap3A_852 = tpu.vector_load %arg11[%swap3A_850, %swap3A_851] {strides = array<i32>} : memref<16x128xf32, #tpu.memory_space<vmem>>, vector<1x16xf32>,
    %swap3A_853 = vector.shape_cast %swap3A_852 : vector<1x16xf32> to vector<16xf32>
    %swap3A_854 = vector.shape_cast %broadcast_in_dim3A_848 : vector<16xf32> to vector<1x16xf32>
    tpu.vector_store %arg11[%swap3A_850, %swap3A_851], %swap3A_854 {strides = array<i32>} : memref<16x128xf32, #tpu.memory_space<vmem>>, vector<1x16xf32>,
    %broadcast_in_dim3A_855 = arith.constant 0.000000e+00 : f32
    %broadcast_in_dim3A_856 = vector.broadcast %broadcast_in_dim3A_855 : f32 to vector<16xf32>
    %swap3A_857 = arith.constant 13 : i32
    %swap3A_858 = arith.index_cast %swap3A_857 : i32 to index
    %swap3A_859 = arith.constant 48 : index
    %swap3A_860 = tpu.vector_load %arg11[%swap3A_858, %swap3A_859] {strides = array<i32>} : memref<16x128xf32, #tpu.memory_space<vmem>>, vector<1x16xf32>,
    %swap3A_861 = vector.shape_cast %swap3A_860 : vector<1x16xf32> to vector<16xf32>
    %swap3A_862 = vector.shape_cast %broadcast_in_dim3A_856 : vector<16xf32> to vector<1x16xf32>
    tpu.vector_store %arg11[%swap3A_858, %swap3A_859], %swap3A_862 {strides = array<i32>} : memref<16x128xf32, #tpu.memory_space<vmem>>, vector<1x16xf32>,
    %broadcast_in_dim3A_863 = arith.constant 0.000000e+00 : f32
    %broadcast_in_dim3A_864 = vector.broadcast %broadcast_in_dim3A_863 : f32 to vector<16xf32>
    %swap3A_865 = arith.constant 13 : i32
    %swap3A_866 = arith.index_cast %swap3A_865 : i32 to index
    %swap3A_867 = arith.constant 64 : index
    %swap3A_868 = tpu.vector_load %arg11[%swap3A_866, %swap3A_867] {strides = array<i32>} : memref<16x128xf32, #tpu.memory_space<vmem>>, vector<1x16xf32>,
    %swap3A_869 = vector.shape_cast %swap3A_868 : vector<1x16xf32> to vector<16xf32>
    %swap3A_870 = vector.shape_cast %broadcast_in_dim3A_864 : vector<16xf32> to vector<1x16xf32>
    tpu.vector_store %arg11[%swap3A_866, %swap3A_867], %swap3A_870 {strides = array<i32>} : memref<16x128xf32, #tpu.memory_space<vmem>>, vector<1x16xf32>,
    %broadcast_in_dim3A_871 = arith.constant 0.000000e+00 : f32
    %broadcast_in_dim3A_872 = vector.broadcast %broadcast_in_dim3A_871 : f32 to vector<16xf32>
    %swap3A_873 = arith.constant 13 : i32
    %swap3A_874 = arith.index_cast %swap3A_873 : i32 to index
    %swap3A_875 = arith.constant 80 : index
    %swap3A_876 = tpu.vector_load %arg11[%swap3A_874, %swap3A_875] {strides = array<i32>} : memref<16x128xf32, #tpu.memory_space<vmem>>, vector<1x16xf32>,
    %swap3A_877 = vector.shape_cast %swap3A_876 : vector<1x16xf32> to vector<16xf32>
    %swap3A_878 = vector.shape_cast %broadcast_in_dim3A_872 : vector<16xf32> to vector<1x16xf32>
    tpu.vector_store %arg11[%swap3A_874, %swap3A_875], %swap3A_878 {strides = array<i32>} : memref<16x128xf32, #tpu.memory_space<vmem>>, vector<1x16xf32>,
    %broadcast_in_dim3A_879 = arith.constant 0.000000e+00 : f32
    %broadcast_in_dim3A_880 = vector.broadcast %broadcast_in_dim3A_879 : f32 to vector<16xf32>
    %swap3A_881 = arith.constant 13 : i32
    %swap3A_882 = arith.index_cast %swap3A_881 : i32 to index
    %swap3A_883 = arith.constant 96 : index
    %swap3A_884 = tpu.vector_load %arg11[%swap3A_882, %swap3A_883] {strides = array<i32>} : memref<16x128xf32, #tpu.memory_space<vmem>>, vector<1x16xf32>,
    %swap3A_885 = vector.shape_cast %swap3A_884 : vector<1x16xf32> to vector<16xf32>
    %swap3A_886 = vector.shape_cast %broadcast_in_dim3A_880 : vector<16xf32> to vector<1x16xf32>
    tpu.vector_store %arg11[%swap3A_882, %swap3A_883], %swap3A_886 {strides = array<i32>} : memref<16x128xf32, #tpu.memory_space<vmem>>, vector<1x16xf32>,
    %broadcast_in_dim3A_887 = arith.constant 0.000000e+00 : f32
    %broadcast_in_dim3A_888 = vector.broadcast %broadcast_in_dim3A_887 : f32 to vector<16xf32>
    %swap3A_889 = arith.constant 13 : i32
    %swap3A_890 = arith.index_cast %swap3A_889 : i32 to index
    %swap3A_891 = arith.constant 112 : index
    %swap3A_892 = tpu.vector_load %arg11[%swap3A_890, %swap3A_891] {strides = array<i32>} : memref<16x128xf32, #tpu.memory_space<vmem>>, vector<1x16xf32>,
    %swap3A_893 = vector.shape_cast %swap3A_892 : vector<1x16xf32> to vector<16xf32>
    %swap3A_894 = vector.shape_cast %broadcast_in_dim3A_888 : vector<16xf32> to vector<1x16xf32>
    tpu.vector_store %arg11[%swap3A_890, %swap3A_891], %swap3A_894 {strides = array<i32>} : memref<16x128xf32, #tpu.memory_space<vmem>>, vector<1x16xf32>,
    %broadcast_in_dim3A_895 = arith.constant 0.000000e+00 : f32
    %broadcast_in_dim3A_896 = vector.broadcast %broadcast_in_dim3A_895 : f32 to vector<16xf32>
    %swap3A_897 = arith.constant 14 : i32
    %swap3A_898 = arith.index_cast %swap3A_897 : i32 to index
    %swap3A_899 = arith.constant 0 : index
    %swap3A_900 = tpu.vector_load %arg11[%swap3A_898, %swap3A_899] {strides = array<i32>} : memref<16x128xf32, #tpu.memory_space<vmem>>, vector<1x16xf32>,
    %swap3A_901 = vector.shape_cast %swap3A_900 : vector<1x16xf32> to vector<16xf32>
    %swap3A_902 = vector.shape_cast %broadcast_in_dim3A_896 : vector<16xf32> to vector<1x16xf32>
    tpu.vector_store %arg11[%swap3A_898, %swap3A_899], %swap3A_902 {strides = array<i32>} : memref<16x128xf32, #tpu.memory_space<vmem>>, vector<1x16xf32>,
    %broadcast_in_dim3A_903 = arith.constant 0.000000e+00 : f32
    %broadcast_in_dim3A_904 = vector.broadcast %broadcast_in_dim3A_903 : f32 to vector<16xf32>
    %swap3A_905 = arith.constant 14 : i32
    %swap3A_906 = arith.index_cast %swap3A_905 : i32 to index
    %swap3A_907 = arith.constant 16 : index
    %swap3A_908 = tpu.vector_load %arg11[%swap3A_906, %swap3A_907] {strides = array<i32>} : memref<16x128xf32, #tpu.memory_space<vmem>>, vector<1x16xf32>,
    %swap3A_909 = vector.shape_cast %swap3A_908 : vector<1x16xf32> to vector<16xf32>
    %swap3A_910 = vector.shape_cast %broadcast_in_dim3A_904 : vector<16xf32> to vector<1x16xf32>
    tpu.vector_store %arg11[%swap3A_906, %swap3A_907], %swap3A_910 {strides = array<i32>} : memref<16x128xf32, #tpu.memory_space<vmem>>, vector<1x16xf32>,
    %broadcast_in_dim3A_911 = arith.constant 0.000000e+00 : f32
    %broadcast_in_dim3A_912 = vector.broadcast %broadcast_in_dim3A_911 : f32 to vector<16xf32>
    %swap3A_913 = arith.constant 14 : i32
    %swap3A_914 = arith.index_cast %swap3A_913 : i32 to index
    %swap3A_915 = arith.constant 32 : index
    %swap3A_916 = tpu.vector_load %arg11[%swap3A_914, %swap3A_915] {strides = array<i32>} : memref<16x128xf32, #tpu.memory_space<vmem>>, vector<1x16xf32>,
    %swap3A_917 = vector.shape_cast %swap3A_916 : vector<1x16xf32> to vector<16xf32>
    %swap3A_918 = vector.shape_cast %broadcast_in_dim3A_912 : vector<16xf32> to vector<1x16xf32>
    tpu.vector_store %arg11[%swap3A_914, %swap3A_915], %swap3A_918 {strides = array<i32>} : memref<16x128xf32, #tpu.memory_space<vmem>>, vector<1x16xf32>,
    %broadcast_in_dim3A_919 = arith.constant 0.000000e+00 : f32
    %broadcast_in_dim3A_920 = vector.broadcast %broadcast_in_dim3A_919 : f32 to vector<16xf32>
    %swap3A_921 = arith.constant 14 : i32
    %swap3A_922 = arith.index_cast %swap3A_921 : i32 to index
    %swap3A_923 = arith.constant 48 : index
    %swap3A_924 = tpu.vector_load %arg11[%swap3A_922, %swap3A_923] {strides = array<i32>} : memref<16x128xf32, #tpu.memory_space<vmem>>, vector<1x16xf32>,
    %swap3A_925 = vector.shape_cast %swap3A_924 : vector<1x16xf32> to vector<16xf32>
    %swap3A_926 = vector.shape_cast %broadcast_in_dim3A_920 : vector<16xf32> to vector<1x16xf32>
    tpu.vector_store %arg11[%swap3A_922, %swap3A_923], %swap3A_926 {strides = array<i32>} : memref<16x128xf32, #tpu.memory_space<vmem>>, vector<1x16xf32>,
    %broadcast_in_dim3A_927 = arith.constant 0.000000e+00 : f32
    %broadcast_in_dim3A_928 = vector.broadcast %broadcast_in_dim3A_927 : f32 to vector<16xf32>
    %swap3A_929 = arith.constant 14 : i32
    %swap3A_930 = arith.index_cast %swap3A_929 : i32 to index
    %swap3A_931 = arith.constant 64 : index
    %swap3A_932 = tpu.vector_load %arg11[%swap3A_930, %swap3A_931] {strides = array<i32>} : memref<16x128xf32, #tpu.memory_space<vmem>>, vector<1x16xf32>,
    %swap3A_933 = vector.shape_cast %swap3A_932 : vector<1x16xf32> to vector<16xf32>
    %swap3A_934 = vector.shape_cast %broadcast_in_dim3A_928 : vector<16xf32> to vector<1x16xf32>
    tpu.vector_store %arg11[%swap3A_930, %swap3A_931], %swap3A_934 {strides = array<i32>} : memref<16x128xf32, #tpu.memory_space<vmem>>, vector<1x16xf32>,
    %broadcast_in_dim3A_935 = arith.constant 0.000000e+00 : f32
    %broadcast_in_dim3A_936 = vector.broadcast %broadcast_in_dim3A_935 : f32 to vector<16xf32>
    %swap3A_937 = arith.constant 14 : i32
    %swap3A_938 = arith.index_cast %swap3A_937 : i32 to index
    %swap3A_939 = arith.constant 80 : index
    %swap3A_940 = tpu.vector_load %arg11[%swap3A_938, %swap3A_939] {strides = array<i32>} : memref<16x128xf32, #tpu.memory_space<vmem>>, vector<1x16xf32>,
    %swap3A_941 = vector.shape_cast %swap3A_940 : vector<1x16xf32> to vector<16xf32>
    %swap3A_942 = vector.shape_cast %broadcast_in_dim3A_936 : vector<16xf32> to vector<1x16xf32>
    tpu.vector_store %arg11[%swap3A_938, %swap3A_939], %swap3A_942 {strides = array<i32>} : memref<16x128xf32, #tpu.memory_space<vmem>>, vector<1x16xf32>,
    %broadcast_in_dim3A_943 = arith.constant 0.000000e+00 : f32
    %broadcast_in_dim3A_944 = vector.broadcast %broadcast_in_dim3A_943 : f32 to vector<16xf32>
    %swap3A_945 = arith.constant 14 : i32
    %swap3A_946 = arith.index_cast %swap3A_945 : i32 to index
    %swap3A_947 = arith.constant 96 : index
    %swap3A_948 = tpu.vector_load %arg11[%swap3A_946, %swap3A_947] {strides = array<i32>} : memref<16x128xf32, #tpu.memory_space<vmem>>, vector<1x16xf32>,
    %swap3A_949 = vector.shape_cast %swap3A_948 : vector<1x16xf32> to vector<16xf32>
    %swap3A_950 = vector.shape_cast %broadcast_in_dim3A_944 : vector<16xf32> to vector<1x16xf32>
    tpu.vector_store %arg11[%swap3A_946, %swap3A_947], %swap3A_950 {strides = array<i32>} : memref<16x128xf32, #tpu.memory_space<vmem>>, vector<1x16xf32>,
    %broadcast_in_dim3A_951 = arith.constant 0.000000e+00 : f32
    %broadcast_in_dim3A_952 = vector.broadcast %broadcast_in_dim3A_951 : f32 to vector<16xf32>
    %swap3A_953 = arith.constant 14 : i32
    %swap3A_954 = arith.index_cast %swap3A_953 : i32 to index
    %swap3A_955 = arith.constant 112 : index
    %swap3A_956 = tpu.vector_load %arg11[%swap3A_954, %swap3A_955] {strides = array<i32>} : memref<16x128xf32, #tpu.memory_space<vmem>>, vector<1x16xf32>,
    %swap3A_957 = vector.shape_cast %swap3A_956 : vector<1x16xf32> to vector<16xf32>
    %swap3A_958 = vector.shape_cast %broadcast_in_dim3A_952 : vector<16xf32> to vector<1x16xf32>
    tpu.vector_store %arg11[%swap3A_954, %swap3A_955], %swap3A_958 {strides = array<i32>} : memref<16x128xf32, #tpu.memory_space<vmem>>, vector<1x16xf32>,
    %broadcast_in_dim3A_959 = arith.constant 0.000000e+00 : f32
    %broadcast_in_dim3A_960 = vector.broadcast %broadcast_in_dim3A_959 : f32 to vector<16xf32>
    %swap3A_961 = arith.constant 15 : i32
    %swap3A_962 = arith.index_cast %swap3A_961 : i32 to index
    %swap3A_963 = arith.constant 0 : index
    %swap3A_964 = tpu.vector_load %arg11[%swap3A_962, %swap3A_963] {strides = array<i32>} : memref<16x128xf32, #tpu.memory_space<vmem>>, vector<1x16xf32>,
    %swap3A_965 = vector.shape_cast %swap3A_964 : vector<1x16xf32> to vector<16xf32>
    %swap3A_966 = vector.shape_cast %broadcast_in_dim3A_960 : vector<16xf32> to vector<1x16xf32>
    tpu.vector_store %arg11[%swap3A_962, %swap3A_963], %swap3A_966 {strides = array<i32>} : memref<16x128xf32, #tpu.memory_space<vmem>>, vector<1x16xf32>,
    %broadcast_in_dim3A_967 = arith.constant 0.000000e+00 : f32
    %broadcast_in_dim3A_968 = vector.broadcast %broadcast_in_dim3A_967 : f32 to vector<16xf32>
    %swap3A_969 = arith.constant 15 : i32
    %swap3A_970 = arith.index_cast %swap3A_969 : i32 to index
    %swap3A_971 = arith.constant 16 : index
    %swap3A_972 = tpu.vector_load %arg11[%swap3A_970, %swap3A_971] {strides = array<i32>} : memref<16x128xf32, #tpu.memory_space<vmem>>, vector<1x16xf32>,
    %swap3A_973 = vector.shape_cast %swap3A_972 : vector<1x16xf32> to vector<16xf32>
    %swap3A_974 = vector.shape_cast %broadcast_in_dim3A_968 : vector<16xf32> to vector<1x16xf32>
    tpu.vector_store %arg11[%swap3A_970, %swap3A_971], %swap3A_974 {strides = array<i32>} : memref<16x128xf32, #tpu.memory_space<vmem>>, vector<1x16xf32>,
    %broadcast_in_dim3A_975 = arith.constant 0.000000e+00 : f32
    %broadcast_in_dim3A_976 = vector.broadcast %broadcast_in_dim3A_975 : f32 to vector<16xf32>
    %swap3A_977 = arith.constant 15 : i32
    %swap3A_978 = arith.index_cast %swap3A_977 : i32 to index
    %swap3A_979 = arith.constant 32 : index
    %swap3A_980 = tpu.vector_load %arg11[%swap3A_978, %swap3A_979] {strides = array<i32>} : memref<16x128xf32, #tpu.memory_space<vmem>>, vector<1x16xf32>,
    %swap3A_981 = vector.shape_cast %swap3A_980 : vector<1x16xf32> to vector<16xf32>
    %swap3A_982 = vector.shape_cast %broadcast_in_dim3A_976 : vector<16xf32> to vector<1x16xf32>
    tpu.vector_store %arg11[%swap3A_978, %swap3A_979], %swap3A_982 {strides = array<i32>} : memref<16x128xf32, #tpu.memory_space<vmem>>, vector<1x16xf32>,
    %broadcast_in_dim3A_983 = arith.constant 0.000000e+00 : f32
    %broadcast_in_dim3A_984 = vector.broadcast %broadcast_in_dim3A_983 : f32 to vector<16xf32>
    %swap3A_985 = arith.constant 15 : i32
    %swap3A_986 = arith.index_cast %swap3A_985 : i32 to index
    %swap3A_987 = arith.constant 48 : index
    %swap3A_988 = tpu.vector_load %arg11[%swap3A_986, %swap3A_987] {strides = array<i32>} : memref<16x128xf32, #tpu.memory_space<vmem>>, vector<1x16xf32>,
    %swap3A_989 = vector.shape_cast %swap3A_988 : vector<1x16xf32> to vector<16xf32>
    %swap3A_990 = vector.shape_cast %broadcast_in_dim3A_984 : vector<16xf32> to vector<1x16xf32>
    tpu.vector_store %arg11[%swap3A_986, %swap3A_987], %swap3A_990 {strides = array<i32>} : memref<16x128xf32, #tpu.memory_space<vmem>>, vector<1x16xf32>,
    %broadcast_in_dim3A_991 = arith.constant 0.000000e+00 : f32
    %broadcast_in_dim3A_992 = vector.broadcast %broadcast_in_dim3A_991 : f32 to vector<16xf32>
    %swap3A_993 = arith.constant 15 : i32
    %swap3A_994 = arith.index_cast %swap3A_993 : i32 to index
    %swap3A_995 = arith.constant 64 : index
    %swap3A_996 = tpu.vector_load %arg11[%swap3A_994, %swap3A_995] {strides = array<i32>} : memref<16x128xf32, #tpu.memory_space<vmem>>, vector<1x16xf32>,
    %swap3A_997 = vector.shape_cast %swap3A_996 : vector<1x16xf32> to vector<16xf32>
    %swap3A_998 = vector.shape_cast %broadcast_in_dim3A_992 : vector<16xf32> to vector<1x16xf32>
    tpu.vector_store %arg11[%swap3A_994, %swap3A_995], %swap3A_998 {strides = array<i32>} : memref<16x128xf32, #tpu.memory_space<vmem>>, vector<1x16xf32>,
    %broadcast_in_dim3A_999 = arith.constant 0.000000e+00 : f32
    %broadcast_in_dim3A_1000 = vector.broadcast %broadcast_in_dim3A_999 : f32 to vector<16xf32>
    %swap3A_1001 = arith.constant 15 : i32
    %swap3A_1002 = arith.index_cast %swap3A_1001 : i32 to index
    %swap3A_1003 = arith.constant 80 : index
    %swap3A_1004 = tpu.vector_load %arg11[%swap3A_1002, %swap3A_1003] {strides = array<i32>} : memref<16x128xf32, #tpu.memory_space<vmem>>, vector<1x16xf32>,
    %swap3A_1005 = vector.shape_cast %swap3A_1004 : vector<1x16xf32> to vector<16xf32>
    %swap3A_1006 = vector.shape_cast %broadcast_in_dim3A_1000 : vector<16xf32> to vector<1x16xf32>
    tpu.vector_store %arg11[%swap3A_1002, %swap3A_1003], %swap3A_1006 {strides = array<i32>} : memref<16x128xf32, #tpu.memory_space<vmem>>, vector<1x16xf32>,
    %broadcast_in_dim3A_1007 = arith.constant 0.000000e+00 : f32
    %broadcast_in_dim3A_1008 = vector.broadcast %broadcast_in_dim3A_1007 : f32 to vector<16xf32>
    %swap3A_1009 = arith.constant 15 : i32
    %swap3A_1010 = arith.index_cast %swap3A_1009 : i32 to index
    %swap3A_1011 = arith.constant 96 : index
    %swap3A_1012 = tpu.vector_load %arg11[%swap3A_1010, %swap3A_1011] {strides = array<i32>} : memref<16x128xf32, #tpu.memory_space<vmem>>, vector<1x16xf32>,
    %swap3A_1013 = vector.shape_cast %swap3A_1012 : vector<1x16xf32> to vector<16xf32>
    %swap3A_1014 = vector.shape_cast %broadcast_in_dim3A_1008 : vector<16xf32> to vector<1x16xf32>
    tpu.vector_store %arg11[%swap3A_1010, %swap3A_1011], %swap3A_1014 {strides = array<i32>} : memref<16x128xf32, #tpu.memory_space<vmem>>, vector<1x16xf32>,
    %broadcast_in_dim3A_1015 = arith.constant 0.000000e+00 : f32
    %broadcast_in_dim3A_1016 = vector.broadcast %broadcast_in_dim3A_1015 : f32 to vector<16xf32>
    %swap3A_1017 = arith.constant 15 : i32
    %swap3A_1018 = arith.index_cast %swap3A_1017 : i32 to index
    %swap3A_1019 = arith.constant 112 : index
    %swap3A_1020 = tpu.vector_load %arg11[%swap3A_1018, %swap3A_1019] {strides = array<i32>} : memref<16x128xf32, #tpu.memory_space<vmem>>, vector<1x16xf32>,
    %swap3A_1021 = vector.shape_cast %swap3A_1020 : vector<1x16xf32> to vector<16xf32>
    %swap3A_1022 = vector.shape_cast %broadcast_in_dim3A_1016 : vector<16xf32> to vector<1x16xf32>
    tpu.vector_store %arg11[%swap3A_1018, %swap3A_1019], %swap3A_1022 {strides = array<i32>} : memref<16x128xf32, #tpu.memory_space<vmem>>, vector<1x16xf32>,
    %scan3A = arith.constant 0 : i32
    %scan3A_1023 = arith.constant 0 : i32
    %scan3A_1024 = arith.constant 39 : i32
    %scan3A_1025 = arith.addi %scan3A_1023, %scan3A_1024 : i32
    %scan3A_1026 = arith.constant 1 : i32
    %scan3A_1027 = scf.for %scan3A_1198 = %scan3A_1023 to %scan3A_1025 step %scan3A_1026 iter_args(%scan3A_1199 = %scan3A) -> (i32)  : i32 {
      %mul3A_1200 = arith.constant 624 : i32
      %mul3A_1201 = arith.muli %arg1, %mul3A_1200 : i32
      %mul3A_1202 = arith.constant 16 : i32
      %mul3A_1203 = arith.muli %scan3A_1198, %mul3A_1202 : i32
      %add3A_1204 = arith.addi %mul3A_1201, %mul3A_1203 : i32
      %multiple_of3A_1205 = tpu.assume_multiple %add3A_1204, 8 : i32
      "tpu.region"() ({
        %run_scoped3A = tpu.sem_alloc : memref<!tpu.dma_semaphore, #tpu.memory_space<semaphore_mem>>
        %dma_start3A_1207 = arith.constant 0 : i32
        %dma_start3A_1208 = tpu.memref_slice %arg12[%multiple_of3A_1205, %dma_start3A_1207] : memref<10000x128xf32, #tpu.memory_space<vmem_shared>> -> memref<16x128xf32, #tpu.memory_space<vmem_shared>>
        %dma_start3A_1209 = arith.constant 0 : i32
        %dma_start3A_1210 = tpu.memref_slice %arg12[%multiple_of3A_1205, %dma_start3A_1209] : memref<10000x128xf32, #tpu.memory_space<vmem_shared>> -> memref<16x128xf32, #tpu.memory_space<vmem_shared>>
        tpu.enqueue_dma source(%arg11 : memref<16x128xf32, #tpu.memory_space<vmem>>) target(%dma_start3A_1210 : memref<16x128xf32, #tpu.memory_space<vmem_shared>>) target_semaphore(%run_scoped3A : memref<!tpu.dma_semaphore, #tpu.memory_space<semaphore_mem>>)
        %dma_wait3A_1211 = arith.constant 0 : i32
        %dma_wait3A_1212 = tpu.memref_slice %arg12[%multiple_of3A_1205, %dma_wait3A_1211] : memref<10000x128xf32, #tpu.memory_space<vmem_shared>> -> memref<16x128xf32, #tpu.memory_space<vmem_shared>>
        %dma_wait3A_1213 = arith.constant 0 : i32
        %dma_wait3A_1214 = tpu.memref_slice %arg12[%multiple_of3A_1205, %dma_wait3A_1213] : memref<10000x128xf32, #tpu.memory_space<vmem_shared>> -> memref<16x128xf32, #tpu.memory_space<vmem_shared>>
        tpu.wait_dma2 semaphore(%run_scoped3A : memref<!tpu.dma_semaphore, #tpu.memory_space<semaphore_mem>>) src(%arg11 : memref<16x128xf32, #tpu.memory_space<vmem>>) dst(%dma_wait3A_1214 : memref<16x128xf32, #tpu.memory_space<vmem_shared>>)
        tpu.yield
      }) : () -> ()
      %scan3A_1206 = arith.constant 0 : i32
      scf.yield %scan3A_1206 : i32
    }
    %scan3A_1028 = arith.constant 39 : i32
    %eq3A = arith.constant 15 : i32
    %eq3A_1029 = arith.cmpi eq, %arg1, %eq3A : i32
    %convert_element_type3A = arith.extui %eq3A_1029 : i1 to i32
    %cond3A = arith.constant 0 : i32
    %cond3A_1030 = arith.cmpi ne, %convert_element_type3A, %cond3A : i32
    scf.if %cond3A_1030 {
      "tpu.region"() ({
        %run_scoped3A = tpu.sem_alloc : memref<!tpu.dma_semaphore, #tpu.memory_space<semaphore_mem>>
        %dma_start3A_1198 = arith.constant 9984 : i32
        %dma_start3A_1199 = arith.constant 0 : i32
        %dma_start3A_1200 = tpu.memref_slice %arg12[%dma_start3A_1198, %dma_start3A_1199] : memref<10000x128xf32, #tpu.memory_space<vmem_shared>> -> memref<16x128xf32, #tpu.memory_space<vmem_shared>>
        %dma_start3A_1201 = arith.constant 9984 : i32
        %dma_start3A_1202 = arith.constant 0 : i32
        %dma_start3A_1203 = tpu.memref_slice %arg12[%dma_start3A_1201, %dma_start3A_1202] : memref<10000x128xf32, #tpu.memory_space<vmem_shared>> -> memref<16x128xf32, #tpu.memory_space<vmem_shared>>
        tpu.enqueue_dma source(%arg11 : memref<16x128xf32, #tpu.memory_space<vmem>>) target(%dma_start3A_1203 : memref<16x128xf32, #tpu.memory_space<vmem_shared>>) target_semaphore(%run_scoped3A : memref<!tpu.dma_semaphore, #tpu.memory_space<semaphore_mem>>)
        %dma_wait3A_1204 = arith.constant 9984 : i32
        %dma_wait3A_1205 = arith.constant 0 : i32
        %dma_wait3A_1206 = tpu.memref_slice %arg12[%dma_wait3A_1204, %dma_wait3A_1205] : memref<10000x128xf32, #tpu.memory_space<vmem_shared>> -> memref<16x128xf32, #tpu.memory_space<vmem_shared>>
        %dma_wait3A_1207 = arith.constant 9984 : i32
        %dma_wait3A_1208 = arith.constant 0 : i32
        %dma_wait3A_1209 = tpu.memref_slice %arg12[%dma_wait3A_1207, %dma_wait3A_1208] : memref<10000x128xf32, #tpu.memory_space<vmem_shared>> -> memref<16x128xf32, #tpu.memory_space<vmem_shared>>
        tpu.wait_dma2 semaphore(%run_scoped3A : memref<!tpu.dma_semaphore, #tpu.memory_space<semaphore_mem>>) src(%arg11 : memref<16x128xf32, #tpu.memory_space<vmem>>) dst(%dma_wait3A_1209 : memref<16x128xf32, #tpu.memory_space<vmem_shared>>)
        tpu.yield
      }) : () -> ()
    } else {
    }
    %barrier3A = arith.constant 0 : index
    tpu.barrier barrier_id(%barrier3A)
    %mul3A_1031 = arith.constant 10000 : i32
    %mul3A_1032 = arith.muli %add3A, %mul3A_1031 : i32
    %add3A_1033 = arith.constant 0 : i32
    %add3A_1034 = arith.addi %mul3A_1032, %add3A_1033 : i32
    %multiple_of3A = tpu.assume_multiple %add3A_1034, 8 : i32
    %dma_start3A = arith.constant 0 : i32
    %dma_start3A_1035 = arith.constant 0 : i32
    %dma_start3A_1036 = tpu.memref_slice %arg7[%dma_start3A, %dma_start3A_1035] : memref<2x80xi32, #tpu.memory_space<vmem>> -> memref<1x80xi32, #tpu.memory_space<vmem>>
    %dma_start3A_1037 = tpu.memref_squeeze %dma_start3A_1036 : memref<1x80xi32, #tpu.memory_space<vmem>> -> memref<80xi32, #tpu.memory_space<vmem>>
    %dma_start3A_1038 = tpu.memref_slice %arg4[%multiple_of3A] : memref<320000xi32, #tpu.memory_space<hbm>> -> memref<80xi32, #tpu.memory_space<hbm>>
    %dma_start3A_1039 = arith.constant 0 : i32
    %dma_start3A_1040 = tpu.memref_slice %arg7[%dma_start3A, %dma_start3A_1039] : memref<2x80xi32, #tpu.memory_space<vmem>> -> memref<1x80xi32, #tpu.memory_space<vmem>>
    %dma_start3A_1041 = tpu.memref_squeeze %dma_start3A_1040 : memref<1x80xi32, #tpu.memory_space<vmem>> -> memref<80xi32, #tpu.memory_space<vmem>>
    %dma_start3A_1042 = tpu.memref_slice %arg4[%multiple_of3A] : memref<320000xi32, #tpu.memory_space<hbm>> -> memref<80xi32, #tpu.memory_space<hbm>>
    tpu.enqueue_dma source(%dma_start3A_1042 : memref<80xi32, #tpu.memory_space<hbm>>) target(%dma_start3A_1041 : memref<80xi32, #tpu.memory_space<vmem>>) target_semaphore(%arg13 : memref<!tpu.dma_semaphore, #tpu.memory_space<semaphore_mem>>)
    %dma_start3A_1043 = arith.constant 0 : i32
    %dma_start3A_1044 = arith.constant 0 : i32
    %dma_start3A_1045 = tpu.memref_slice %arg8[%dma_start3A_1043, %dma_start3A_1044] : memref<2x80xi32, #tpu.memory_space<vmem>> -> memref<1x80xi32, #tpu.memory_space<vmem>>
    %dma_start3A_1046 = tpu.memref_squeeze %dma_start3A_1045 : memref<1x80xi32, #tpu.memory_space<vmem>> -> memref<80xi32, #tpu.memory_space<vmem>>
    %dma_start3A_1047 = tpu.memref_slice %arg5[%multiple_of3A] : memref<320000xi32, #tpu.memory_space<hbm>> -> memref<80xi32, #tpu.memory_space<hbm>>
    %dma_start3A_1048 = arith.constant 0 : i32
    %dma_start3A_1049 = tpu.memref_slice %arg8[%dma_start3A_1043, %dma_start3A_1048] : memref<2x80xi32, #tpu.memory_space<vmem>> -> memref<1x80xi32, #tpu.memory_space<vmem>>
    %dma_start3A_1050 = tpu.memref_squeeze %dma_start3A_1049 : memref<1x80xi32, #tpu.memory_space<vmem>> -> memref<80xi32, #tpu.memory_space<vmem>>
    %dma_start3A_1051 = tpu.memref_slice %arg5[%multiple_of3A] : memref<320000xi32, #tpu.memory_space<hbm>> -> memref<80xi32, #tpu.memory_space<hbm>>
    tpu.enqueue_dma source(%dma_start3A_1051 : memref<80xi32, #tpu.memory_space<hbm>>) target(%dma_start3A_1050 : memref<80xi32, #tpu.memory_space<vmem>>) target_semaphore(%arg15 : memref<!tpu.dma_semaphore, #tpu.memory_space<semaphore_mem>>)
    %dma_start3A_1052 = arith.constant 0 : i32
    %dma_start3A_1053 = arith.constant 0 : i32
    %dma_start3A_1054 = arith.constant 0 : i32
    %dma_start3A_1055 = tpu.memref_slice %arg9[%dma_start3A_1052, %dma_start3A_1053, %dma_start3A_1054] : memref<2x80x128xf32, #tpu.memory_space<vmem>> -> memref<1x80x128xf32, #tpu.memory_space<vmem>>
    %dma_start3A_1056 = tpu.memref_squeeze %dma_start3A_1055 : memref<1x80x128xf32, #tpu.memory_space<vmem>> -> memref<80x128xf32, #tpu.memory_space<vmem>>
    %dma_start3A_1057 = arith.constant 0 : i32
    %dma_start3A_1058 = tpu.memref_slice %arg2[%multiple_of3A, %dma_start3A_1057] : memref<320000x128xf32, #tpu.memory_space<hbm>> -> memref<80x128xf32, #tpu.memory_space<hbm>>
    %dma_start3A_1059 = arith.constant 0 : i32
    %dma_start3A_1060 = arith.constant 0 : i32
    %dma_start3A_1061 = tpu.memref_slice %arg9[%dma_start3A_1052, %dma_start3A_1059, %dma_start3A_1060] : memref<2x80x128xf32, #tpu.memory_space<vmem>> -> memref<1x80x128xf32, #tpu.memory_space<vmem>>
    %dma_start3A_1062 = tpu.memref_squeeze %dma_start3A_1061 : memref<1x80x128xf32, #tpu.memory_space<vmem>> -> memref<80x128xf32, #tpu.memory_space<vmem>>
    %dma_start3A_1063 = arith.constant 0 : i32
    %dma_start3A_1064 = tpu.memref_slice %arg2[%multiple_of3A, %dma_start3A_1063] : memref<320000x128xf32, #tpu.memory_space<hbm>> -> memref<80x128xf32, #tpu.memory_space<hbm>>
    tpu.enqueue_dma source(%dma_start3A_1064 : memref<80x128xf32, #tpu.memory_space<hbm>>) target(%dma_start3A_1062 : memref<80x128xf32, #tpu.memory_space<vmem>>) target_semaphore(%arg17 : memref<!tpu.dma_semaphore, #tpu.memory_space<semaphore_mem>>)
    %add3A_1065 = arith.constant 80 : i32
    %add3A_1066 = arith.addi %mul3A_1032, %add3A_1065 : i32
    %multiple_of3A_1067 = tpu.assume_multiple %add3A_1066, 8 : i32
    %dma_start3A_1068 = arith.constant 1 : i32
    %dma_start3A_1069 = arith.constant 0 : i32
    %dma_start3A_1070 = tpu.memref_slice %arg7[%dma_start3A_1068, %dma_start3A_1069] : memref<2x80xi32, #tpu.memory_space<vmem>> -> memref<1x80xi32, #tpu.memory_space<vmem>>
    %dma_start3A_1071 = tpu.memref_squeeze %dma_start3A_1070 : memref<1x80xi32, #tpu.memory_space<vmem>> -> memref<80xi32, #tpu.memory_space<vmem>>
    %dma_start3A_1072 = tpu.memref_slice %arg4[%multiple_of3A_1067] : memref<320000xi32, #tpu.memory_space<hbm>> -> memref<80xi32, #tpu.memory_space<hbm>>
    %dma_start3A_1073 = arith.constant 0 : i32
    %dma_start3A_1074 = tpu.memref_slice %arg7[%dma_start3A_1068, %dma_start3A_1073] : memref<2x80xi32, #tpu.memory_space<vmem>> -> memref<1x80xi32, #tpu.memory_space<vmem>>
    %dma_start3A_1075 = tpu.memref_squeeze %dma_start3A_1074 : memref<1x80xi32, #tpu.memory_space<vmem>> -> memref<80xi32, #tpu.memory_space<vmem>>
    %dma_start3A_1076 = tpu.memref_slice %arg4[%multiple_of3A_1067] : memref<320000xi32, #tpu.memory_space<hbm>> -> memref<80xi32, #tpu.memory_space<hbm>>
    tpu.enqueue_dma source(%dma_start3A_1076 : memref<80xi32, #tpu.memory_space<hbm>>) target(%dma_start3A_1075 : memref<80xi32, #tpu.memory_space<vmem>>) target_semaphore(%arg14 : memref<!tpu.dma_semaphore, #tpu.memory_space<semaphore_mem>>)
    %dma_start3A_1077 = arith.constant 1 : i32
    %dma_start3A_1078 = arith.constant 0 : i32
    %dma_start3A_1079 = tpu.memref_slice %arg8[%dma_start3A_1077, %dma_start3A_1078] : memref<2x80xi32, #tpu.memory_space<vmem>> -> memref<1x80xi32, #tpu.memory_space<vmem>>
    %dma_start3A_1080 = tpu.memref_squeeze %dma_start3A_1079 : memref<1x80xi32, #tpu.memory_space<vmem>> -> memref<80xi32, #tpu.memory_space<vmem>>
    %dma_start3A_1081 = tpu.memref_slice %arg5[%multiple_of3A_1067] : memref<320000xi32, #tpu.memory_space<hbm>> -> memref<80xi32, #tpu.memory_space<hbm>>
    %dma_start3A_1082 = arith.constant 0 : i32
    %dma_start3A_1083 = tpu.memref_slice %arg8[%dma_start3A_1077, %dma_start3A_1082] : memref<2x80xi32, #tpu.memory_space<vmem>> -> memref<1x80xi32, #tpu.memory_space<vmem>>
    %dma_start3A_1084 = tpu.memref_squeeze %dma_start3A_1083 : memref<1x80xi32, #tpu.memory_space<vmem>> -> memref<80xi32, #tpu.memory_space<vmem>>
    %dma_start3A_1085 = tpu.memref_slice %arg5[%multiple_of3A_1067] : memref<320000xi32, #tpu.memory_space<hbm>> -> memref<80xi32, #tpu.memory_space<hbm>>
    tpu.enqueue_dma source(%dma_start3A_1085 : memref<80xi32, #tpu.memory_space<hbm>>) target(%dma_start3A_1084 : memref<80xi32, #tpu.memory_space<vmem>>) target_semaphore(%arg16 : memref<!tpu.dma_semaphore, #tpu.memory_space<semaphore_mem>>)
    %dma_start3A_1086 = arith.constant 1 : i32
    %dma_start3A_1087 = arith.constant 0 : i32
    %dma_start3A_1088 = arith.constant 0 : i32
    %dma_start3A_1089 = tpu.memref_slice %arg9[%dma_start3A_1086, %dma_start3A_1087, %dma_start3A_1088] : memref<2x80x128xf32, #tpu.memory_space<vmem>> -> memref<1x80x128xf32, #tpu.memory_space<vmem>>
    %dma_start3A_1090 = tpu.memref_squeeze %dma_start3A_1089 : memref<1x80x128xf32, #tpu.memory_space<vmem>> -> memref<80x128xf32, #tpu.memory_space<vmem>>
    %dma_start3A_1091 = arith.constant 0 : i32
    %dma_start3A_1092 = tpu.memref_slice %arg2[%multiple_of3A_1067, %dma_start3A_1091] : memref<320000x128xf32, #tpu.memory_space<hbm>> -> memref<80x128xf32, #tpu.memory_space<hbm>>
    %dma_start3A_1093 = arith.constant 0 : i32
    %dma_start3A_1094 = arith.constant 0 : i32
    %dma_start3A_1095 = tpu.memref_slice %arg9[%dma_start3A_1086, %dma_start3A_1093, %dma_start3A_1094] : memref<2x80x128xf32, #tpu.memory_space<vmem>> -> memref<1x80x128xf32, #tpu.memory_space<vmem>>
    %dma_start3A_1096 = tpu.memref_squeeze %dma_start3A_1095 : memref<1x80x128xf32, #tpu.memory_space<vmem>> -> memref<80x128xf32, #tpu.memory_space<vmem>>
    %dma_start3A_1097 = arith.constant 0 : i32
    %dma_start3A_1098 = tpu.memref_slice %arg2[%multiple_of3A_1067, %dma_start3A_1097] : memref<320000x128xf32, #tpu.memory_space<hbm>> -> memref<80x128xf32, #tpu.memory_space<hbm>>
    tpu.enqueue_dma source(%dma_start3A_1098 : memref<80x128xf32, #tpu.memory_space<hbm>>) target(%dma_start3A_1096 : memref<80x128xf32, #tpu.memory_space<vmem>>) target_semaphore(%arg18 : memref<!tpu.dma_semaphore, #tpu.memory_space<semaphore_mem>>)
    %add3A_1099 = arith.constant 0 : i32
    %add3A_1100 = arith.addi %mul3A_1032, %add3A_1099 : i32
    %multiple_of3A_1101 = tpu.assume_multiple %add3A_1100, 8 : i32
    %dma_wait3A = arith.constant 0 : i32
    %dma_wait3A_1102 = arith.constant 0 : i32
    %dma_wait3A_1103 = tpu.memref_slice %arg7[%dma_wait3A, %dma_wait3A_1102] : memref<2x80xi32, #tpu.memory_space<vmem>> -> memref<1x80xi32, #tpu.memory_space<vmem>>
    %dma_wait3A_1104 = tpu.memref_squeeze %dma_wait3A_1103 : memref<1x80xi32, #tpu.memory_space<vmem>> -> memref<80xi32, #tpu.memory_space<vmem>>
    %dma_wait3A_1105 = tpu.memref_slice %arg4[%multiple_of3A_1101] : memref<320000xi32, #tpu.memory_space<hbm>> -> memref<80xi32, #tpu.memory_space<hbm>>
    %dma_wait3A_1106 = arith.constant 0 : i32
    %dma_wait3A_1107 = tpu.memref_slice %arg7[%dma_wait3A, %dma_wait3A_1106] : memref<2x80xi32, #tpu.memory_space<vmem>> -> memref<1x80xi32, #tpu.memory_space<vmem>>
    %dma_wait3A_1108 = tpu.memref_squeeze %dma_wait3A_1107 : memref<1x80xi32, #tpu.memory_space<vmem>> -> memref<80xi32, #tpu.memory_space<vmem>>
    %dma_wait3A_1109 = tpu.memref_slice %arg4[%multiple_of3A_1101] : memref<320000xi32, #tpu.memory_space<hbm>> -> memref<80xi32, #tpu.memory_space<hbm>>
    tpu.wait_dma2 semaphore(%arg13 : memref<!tpu.dma_semaphore, #tpu.memory_space<semaphore_mem>>) src(%dma_wait3A_1109 : memref<80xi32, #tpu.memory_space<hbm>>) dst(%dma_wait3A_1108 : memref<80xi32, #tpu.memory_space<vmem>>)
    %dma_wait3A_1110 = arith.constant 0 : i32
    %dma_wait3A_1111 = arith.constant 0 : i32
    %dma_wait3A_1112 = tpu.memref_slice %arg8[%dma_wait3A_1110, %dma_wait3A_1111] : memref<2x80xi32, #tpu.memory_space<vmem>> -> memref<1x80xi32, #tpu.memory_space<vmem>>
    %dma_wait3A_1113 = tpu.memref_squeeze %dma_wait3A_1112 : memref<1x80xi32, #tpu.memory_space<vmem>> -> memref<80xi32, #tpu.memory_space<vmem>>
    %dma_wait3A_1114 = tpu.memref_slice %arg5[%multiple_of3A_1101] : memref<320000xi32, #tpu.memory_space<hbm>> -> memref<80xi32, #tpu.memory_space<hbm>>
    %dma_wait3A_1115 = arith.constant 0 : i32
    %dma_wait3A_1116 = tpu.memref_slice %arg8[%dma_wait3A_1110, %dma_wait3A_1115] : memref<2x80xi32, #tpu.memory_space<vmem>> -> memref<1x80xi32, #tpu.memory_space<vmem>>
    %dma_wait3A_1117 = tpu.memref_squeeze %dma_wait3A_1116 : memref<1x80xi32, #tpu.memory_space<vmem>> -> memref<80xi32, #tpu.memory_space<vmem>>
    %dma_wait3A_1118 = tpu.memref_slice %arg5[%multiple_of3A_1101] : memref<320000xi32, #tpu.memory_space<hbm>> -> memref<80xi32, #tpu.memory_space<hbm>>
    tpu.wait_dma2 semaphore(%arg15 : memref<!tpu.dma_semaphore, #tpu.memory_space<semaphore_mem>>) src(%dma_wait3A_1118 : memref<80xi32, #tpu.memory_space<hbm>>) dst(%dma_wait3A_1117 : memref<80xi32, #tpu.memory_space<vmem>>)
    %dma_wait3A_1119 = arith.constant 0 : i32
    %dma_wait3A_1120 = arith.constant 0 : i32
    %dma_wait3A_1121 = arith.constant 0 : i32
    %dma_wait3A_1122 = tpu.memref_slice %arg9[%dma_wait3A_1119, %dma_wait3A_1120, %dma_wait3A_1121] : memref<2x80x128xf32, #tpu.memory_space<vmem>> -> memref<1x80x128xf32, #tpu.memory_space<vmem>>
    %dma_wait3A_1123 = tpu.memref_squeeze %dma_wait3A_1122 : memref<1x80x128xf32, #tpu.memory_space<vmem>> -> memref<80x128xf32, #tpu.memory_space<vmem>>
    %dma_wait3A_1124 = arith.constant 0 : i32
    %dma_wait3A_1125 = tpu.memref_slice %arg2[%multiple_of3A_1101, %dma_wait3A_1124] : memref<320000x128xf32, #tpu.memory_space<hbm>> -> memref<80x128xf32, #tpu.memory_space<hbm>>
    %dma_wait3A_1126 = arith.constant 0 : i32
    %dma_wait3A_1127 = arith.constant 0 : i32
    %dma_wait3A_1128 = tpu.memref_slice %arg9[%dma_wait3A_1119, %dma_wait3A_1126, %dma_wait3A_1127] : memref<2x80x128xf32, #tpu.memory_space<vmem>> -> memref<1x80x128xf32, #tpu.memory_space<vmem>>
    %dma_wait3A_1129 = tpu.memref_squeeze %dma_wait3A_1128 : memref<1x80x128xf32, #tpu.memory_space<vmem>> -> memref<80x128xf32, #tpu.memory_space<vmem>>
    %dma_wait3A_1130 = arith.constant 0 : i32
    %dma_wait3A_1131 = tpu.memref_slice %arg2[%multiple_of3A_1101, %dma_wait3A_1130] : memref<320000x128xf32, #tpu.memory_space<hbm>> -> memref<80x128xf32, #tpu.memory_space<hbm>>
    tpu.wait_dma2 semaphore(%arg17 : memref<!tpu.dma_semaphore, #tpu.memory_space<semaphore_mem>>) src(%dma_wait3A_1131 : memref<80x128xf32, #tpu.memory_space<hbm>>) dst(%dma_wait3A_1129 : memref<80x128xf32, #tpu.memory_space<vmem>>)
    %dma_start3A_1132 = arith.constant 0 : i32
    %dma_start3A_1133 = arith.constant 0 : i32
    %dma_start3A_1134 = arith.constant 0 : i32
    %dma_start3A_1135 = arith.constant 0 : i32
    %dma_start3A_1136 = tpu.memref_slice %arg10[%dma_start3A_1133, %dma_start3A_1134, %dma_start3A_1135] : memref<2x80x128xf32, #tpu.memory_space<vmem>> -> memref<1x80x128xf32, #tpu.memory_space<vmem>>
    %dma_start3A_1137 = tpu.memref_squeeze %dma_start3A_1136 : memref<1x80x128xf32, #tpu.memory_space<vmem>> -> memref<80x128xf32, #tpu.memory_space<vmem>>
    %dma_start3A_1138 = arith.constant 0 : i32
    %dma_start3A_1139 = tpu.memref_slice %arg8[%dma_start3A_1132, %dma_start3A_1138] : memref<2x80xi32, #tpu.memory_space<vmem>> -> memref<1x80xi32, #tpu.memory_space<vmem>>
    %dma_start3A_1140 = tpu.memref_squeeze %dma_start3A_1139 : memref<1x80xi32, #tpu.memory_space<vmem>> -> memref<80xi32, #tpu.memory_space<vmem>>
    %dma_start3A_1141 = arith.constant 0 : i32
    %dma_start3A_1142 = arith.constant 0 : i32
    %dma_start3A_1143 = tpu.memref_slice %arg3[%dma_start3A_1141, %dma_start3A_1142] : memref<10000x128xf32, #tpu.memory_space<hbm>> -> memref<10000x128xf32, #tpu.memory_space<hbm>>
    tpu.enqueue_indirect_dma source(%dma_start3A_1143 : memref<10000x128xf32, #tpu.memory_space<hbm>>) target(%dma_start3A_1137 : memref<80x128xf32, #tpu.memory_space<vmem>>) offsets(%dma_start3A_1140 : memref<80xi32, #tpu.memory_space<vmem>>) semaphore(%arg19 : memref<!tpu.dma_semaphore, #tpu.memory_space<semaphore_mem>>)
    %scan3A_1144 = arith.constant 0 : i32
    %scan3A_1145 = arith.constant 0 : i32
    %scan3A_1146 = arith.constant 62 : i32
    %scan3A_1147 = arith.addi %scan3A_1145, %scan3A_1146 : i32
    %scan3A_1148 = arith.constant 1 : i32
    %scan3A_1149 = scf.for %scan3A_1198 = %scan3A_1145 to %scan3A_1147 step %scan3A_1148 iter_args(%scan3A_1199 = %scan3A_1144) -> (i32)  : i32 {
      %mul3A_1200 = arith.constant 2 : i32
      %mul3A_1201 = arith.muli %mul3A_1200, %scan3A_1198 : i32
      %mul3A_1202 = arith.constant 2 : i32
      %mul3A_1203 = arith.muli %mul3A_1202, %scan3A_1198 : i32
      %add3A_1204 = arith.constant 1 : i32
      %add3A_1205 = arith.addi %mul3A_1203, %add3A_1204 : i32
      %dma_wait3A_1206 = arith.constant 0 : i32
      %dma_wait3A_1207 = arith.constant 0 : i32
      %dma_wait3A_1208 = arith.constant 0 : i32
      %dma_wait3A_1209 = arith.constant 0 : i32
      %dma_wait3A_1210 = tpu.memref_slice %arg10[%dma_wait3A_1207, %dma_wait3A_1208, %dma_wait3A_1209] : memref<2x80x128xf32, #tpu.memory_space<vmem>> -> memref<1x80x128xf32, #tpu.memory_space<vmem>>
      %dma_wait3A_1211 = tpu.memref_squeeze %dma_wait3A_1210 : memref<1x80x128xf32, #tpu.memory_space<vmem>> -> memref<80x128xf32, #tpu.memory_space<vmem>>
      %dma_wait3A_1212 = arith.constant 0 : i32
      %dma_wait3A_1213 = tpu.memref_slice %arg8[%dma_wait3A_1206, %dma_wait3A_1212] : memref<2x80xi32, #tpu.memory_space<vmem>> -> memref<1x80xi32, #tpu.memory_space<vmem>>
      %dma_wait3A_1214 = tpu.memref_squeeze %dma_wait3A_1213 : memref<1x80xi32, #tpu.memory_space<vmem>> -> memref<80xi32, #tpu.memory_space<vmem>>
      %dma_wait3A_1215 = arith.constant 0 : i32
      %dma_wait3A_1216 = arith.constant 0 : i32
      %dma_wait3A_1217 = tpu.memref_slice %arg3[%dma_wait3A_1215, %dma_wait3A_1216] : memref<10000x128xf32, #tpu.memory_space<hbm>> -> memref<10000x128xf32, #tpu.memory_space<hbm>>
      tpu.wait_indirect_dma semaphore(%arg19 : memref<!tpu.dma_semaphore, #tpu.memory_space<semaphore_mem>>) src(%dma_wait3A_1217 : memref<10000x128xf32, #tpu.memory_space<hbm>>) dst(%dma_wait3A_1211 : memref<80x128xf32, #tpu.memory_space<vmem>>)
      %parallel_loop3A_1218 = arith.constant 0 : i32
      %parallel_loop3A_1219 = arith.constant 80 : i32
      %parallel_loop3A_1220 = arith.constant 1 : i32
      scf.for %parallel_loop3A_1424 = %parallel_loop3A_1218 to %parallel_loop3A_1219 step %parallel_loop3A_1220  : i32 {
        %parallel_loop3A_1425 = arith.constant 0 : i32
        %parallel_loop3A_1426 = arith.index_cast %parallel_loop3A_1425 : i32 to index
        %parallel_loop3A_1427 = arith.index_cast %parallel_loop3A_1424 : i32 to index
        %parallel_loop3A_1428 = arith.constant 0 : index
        %parallel_loop3A_1429 = tpu.vector_load %arg9[%parallel_loop3A_1426, %parallel_loop3A_1427, %parallel_loop3A_1428] {strides = array<i32>} : memref<2x80x128xf32, #tpu.memory_space<vmem>>, vector<1x1x16xf32>,
        %parallel_loop3A_1430 = vector.shape_cast %parallel_loop3A_1429 : vector<1x1x16xf32> to vector<16xf32>
        %parallel_loop3A_1431 = arith.constant 0 : i32
        %parallel_loop3A_1432 = arith.index_cast %parallel_loop3A_1431 : i32 to index
        %parallel_loop3A_1433 = arith.index_cast %parallel_loop3A_1424 : i32 to index
        %parallel_loop3A_1434 = arith.constant 0 : index
        %parallel_loop3A_1435 = tpu.vector_load %arg10[%parallel_loop3A_1432, %parallel_loop3A_1433, %parallel_loop3A_1434] {strides = array<i32>} : memref<2x80x128xf32, #tpu.memory_space<vmem>>, vector<1x1x16xf32>,
        %parallel_loop3A_1436 = vector.shape_cast %parallel_loop3A_1435 : vector<1x1x16xf32> to vector<16xf32>
        %parallel_loop3A_1437 = arith.mulf %parallel_loop3A_1430, %parallel_loop3A_1436 : vector<16xf32>
        %parallel_loop3A_1438 = arith.constant 0 : i32
        %parallel_loop3A_1439 = arith.index_cast %parallel_loop3A_1438 : i32 to index
        %parallel_loop3A_1440 = arith.index_cast %parallel_loop3A_1424 : i32 to index
        %parallel_loop3A_1441 = arith.constant 0 : index
        %parallel_loop3A_1442 = tpu.vector_load %arg9[%parallel_loop3A_1439, %parallel_loop3A_1440, %parallel_loop3A_1441] {strides = array<i32>} : memref<2x80x128xf32, #tpu.memory_space<vmem>>, vector<1x1x16xf32>,
        %parallel_loop3A_1443 = vector.shape_cast %parallel_loop3A_1442 : vector<1x1x16xf32> to vector<16xf32>
        %parallel_loop3A_1444 = vector.shape_cast %parallel_loop3A_1437 : vector<16xf32> to vector<1x1x16xf32>
        tpu.vector_store %arg9[%parallel_loop3A_1439, %parallel_loop3A_1440, %parallel_loop3A_1441], %parallel_loop3A_1444 {strides = array<i32>} : memref<2x80x128xf32, #tpu.memory_space<vmem>>, vector<1x1x16xf32>,
        %parallel_loop3A_1445 = arith.constant 0 : i32
        %parallel_loop3A_1446 = arith.index_cast %parallel_loop3A_1445 : i32 to index
        %parallel_loop3A_1447 = arith.index_cast %parallel_loop3A_1424 : i32 to index
        %parallel_loop3A_1448 = arith.constant 16 : index
        %parallel_loop3A_1449 = tpu.vector_load %arg9[%parallel_loop3A_1446, %parallel_loop3A_1447, %parallel_loop3A_1448] {strides = array<i32>} : memref<2x80x128xf32, #tpu.memory_space<vmem>>, vector<1x1x16xf32>,
        %parallel_loop3A_1450 = vector.shape_cast %parallel_loop3A_1449 : vector<1x1x16xf32> to vector<16xf32>
        %parallel_loop3A_1451 = arith.constant 0 : i32
        %parallel_loop3A_1452 = arith.index_cast %parallel_loop3A_1451 : i32 to index
        %parallel_loop3A_1453 = arith.index_cast %parallel_loop3A_1424 : i32 to index
        %parallel_loop3A_1454 = arith.constant 16 : index
        %parallel_loop3A_1455 = tpu.vector_load %arg10[%parallel_loop3A_1452, %parallel_loop3A_1453, %parallel_loop3A_1454] {strides = array<i32>} : memref<2x80x128xf32, #tpu.memory_space<vmem>>, vector<1x1x16xf32>,
        %parallel_loop3A_1456 = vector.shape_cast %parallel_loop3A_1455 : vector<1x1x16xf32> to vector<16xf32>
        %parallel_loop3A_1457 = arith.mulf %parallel_loop3A_1450, %parallel_loop3A_1456 : vector<16xf32>
        %parallel_loop3A_1458 = arith.constant 0 : i32
        %parallel_loop3A_1459 = arith.index_cast %parallel_loop3A_1458 : i32 to index
        %parallel_loop3A_1460 = arith.index_cast %parallel_loop3A_1424 : i32 to index
        %parallel_loop3A_1461 = arith.constant 16 : index
        %parallel_loop3A_1462 = tpu.vector_load %arg9[%parallel_loop3A_1459, %parallel_loop3A_1460, %parallel_loop3A_1461] {strides = array<i32>} : memref<2x80x128xf32, #tpu.memory_space<vmem>>, vector<1x1x16xf32>,
        %parallel_loop3A_1463 = vector.shape_cast %parallel_loop3A_1462 : vector<1x1x16xf32> to vector<16xf32>
        %parallel_loop3A_1464 = vector.shape_cast %parallel_loop3A_1457 : vector<16xf32> to vector<1x1x16xf32>
        tpu.vector_store %arg9[%parallel_loop3A_1459, %parallel_loop3A_1460, %parallel_loop3A_1461], %parallel_loop3A_1464 {strides = array<i32>} : memref<2x80x128xf32, #tpu.memory_space<vmem>>, vector<1x1x16xf32>,
        %parallel_loop3A_1465 = arith.constant 0 : i32
        %parallel_loop3A_1466 = arith.index_cast %parallel_loop3A_1465 : i32 to index
        %parallel_loop3A_1467 = arith.index_cast %parallel_loop3A_1424 : i32 to index
        %parallel_loop3A_1468 = arith.constant 32 : index
        %parallel_loop3A_1469 = tpu.vector_load %arg9[%parallel_loop3A_1466, %parallel_loop3A_1467, %parallel_loop3A_1468] {strides = array<i32>} : memref<2x80x128xf32, #tpu.memory_space<vmem>>, vector<1x1x16xf32>,
        %parallel_loop3A_1470 = vector.shape_cast %parallel_loop3A_1469 : vector<1x1x16xf32> to vector<16xf32>
        %parallel_loop3A_1471 = arith.constant 0 : i32
        %parallel_loop3A_1472 = arith.index_cast %parallel_loop3A_1471 : i32 to index
        %parallel_loop3A_1473 = arith.index_cast %parallel_loop3A_1424 : i32 to index
        %parallel_loop3A_1474 = arith.constant 32 : index
        %parallel_loop3A_1475 = tpu.vector_load %arg10[%parallel_loop3A_1472, %parallel_loop3A_1473, %parallel_loop3A_1474] {strides = array<i32>} : memref<2x80x128xf32, #tpu.memory_space<vmem>>, vector<1x1x16xf32>,
        %parallel_loop3A_1476 = vector.shape_cast %parallel_loop3A_1475 : vector<1x1x16xf32> to vector<16xf32>
        %parallel_loop3A_1477 = arith.mulf %parallel_loop3A_1470, %parallel_loop3A_1476 : vector<16xf32>
        %parallel_loop3A_1478 = arith.constant 0 : i32
        %parallel_loop3A_1479 = arith.index_cast %parallel_loop3A_1478 : i32 to index
        %parallel_loop3A_1480 = arith.index_cast %parallel_loop3A_1424 : i32 to index
        %parallel_loop3A_1481 = arith.constant 32 : index
        %parallel_loop3A_1482 = tpu.vector_load %arg9[%parallel_loop3A_1479, %parallel_loop3A_1480, %parallel_loop3A_1481] {strides = array<i32>} : memref<2x80x128xf32, #tpu.memory_space<vmem>>, vector<1x1x16xf32>,
        %parallel_loop3A_1483 = vector.shape_cast %parallel_loop3A_1482 : vector<1x1x16xf32> to vector<16xf32>
        %parallel_loop3A_1484 = vector.shape_cast %parallel_loop3A_1477 : vector<16xf32> to vector<1x1x16xf32>
        tpu.vector_store %arg9[%parallel_loop3A_1479, %parallel_loop3A_1480, %parallel_loop3A_1481], %parallel_loop3A_1484 {strides = array<i32>} : memref<2x80x128xf32, #tpu.memory_space<vmem>>, vector<1x1x16xf32>,
        %parallel_loop3A_1485 = arith.constant 0 : i32
        %parallel_loop3A_1486 = arith.index_cast %parallel_loop3A_1485 : i32 to index
        %parallel_loop3A_1487 = arith.index_cast %parallel_loop3A_1424 : i32 to index
        %parallel_loop3A_1488 = arith.constant 48 : index
        %parallel_loop3A_1489 = tpu.vector_load %arg9[%parallel_loop3A_1486, %parallel_loop3A_1487, %parallel_loop3A_1488] {strides = array<i32>} : memref<2x80x128xf32, #tpu.memory_space<vmem>>, vector<1x1x16xf32>,
        %parallel_loop3A_1490 = vector.shape_cast %parallel_loop3A_1489 : vector<1x1x16xf32> to vector<16xf32>
        %parallel_loop3A_1491 = arith.constant 0 : i32
        %parallel_loop3A_1492 = arith.index_cast %parallel_loop3A_1491 : i32 to index
        %parallel_loop3A_1493 = arith.index_cast %parallel_loop3A_1424 : i32 to index
        %parallel_loop3A_1494 = arith.constant 48 : index
        %parallel_loop3A_1495 = tpu.vector_load %arg10[%parallel_loop3A_1492, %parallel_loop3A_1493, %parallel_loop3A_1494] {strides = array<i32>} : memref<2x80x128xf32, #tpu.memory_space<vmem>>, vector<1x1x16xf32>,
        %parallel_loop3A_1496 = vector.shape_cast %parallel_loop3A_1495 : vector<1x1x16xf32> to vector<16xf32>
        %parallel_loop3A_1497 = arith.mulf %parallel_loop3A_1490, %parallel_loop3A_1496 : vector<16xf32>
        %parallel_loop3A_1498 = arith.constant 0 : i32
        %parallel_loop3A_1499 = arith.index_cast %parallel_loop3A_1498 : i32 to index
        %parallel_loop3A_1500 = arith.index_cast %parallel_loop3A_1424 : i32 to index
        %parallel_loop3A_1501 = arith.constant 48 : index
        %parallel_loop3A_1502 = tpu.vector_load %arg9[%parallel_loop3A_1499, %parallel_loop3A_1500, %parallel_loop3A_1501] {strides = array<i32>} : memref<2x80x128xf32, #tpu.memory_space<vmem>>, vector<1x1x16xf32>,
        %parallel_loop3A_1503 = vector.shape_cast %parallel_loop3A_1502 : vector<1x1x16xf32> to vector<16xf32>
        %parallel_loop3A_1504 = vector.shape_cast %parallel_loop3A_1497 : vector<16xf32> to vector<1x1x16xf32>
        tpu.vector_store %arg9[%parallel_loop3A_1499, %parallel_loop3A_1500, %parallel_loop3A_1501], %parallel_loop3A_1504 {strides = array<i32>} : memref<2x80x128xf32, #tpu.memory_space<vmem>>, vector<1x1x16xf32>,
        %parallel_loop3A_1505 = arith.constant 0 : i32
        %parallel_loop3A_1506 = arith.index_cast %parallel_loop3A_1505 : i32 to index
        %parallel_loop3A_1507 = arith.index_cast %parallel_loop3A_1424 : i32 to index
        %parallel_loop3A_1508 = arith.constant 64 : index
        %parallel_loop3A_1509 = tpu.vector_load %arg9[%parallel_loop3A_1506, %parallel_loop3A_1507, %parallel_loop3A_1508] {strides = array<i32>} : memref<2x80x128xf32, #tpu.memory_space<vmem>>, vector<1x1x16xf32>,
        %parallel_loop3A_1510 = vector.shape_cast %parallel_loop3A_1509 : vector<1x1x16xf32> to vector<16xf32>
        %parallel_loop3A_1511 = arith.constant 0 : i32
        %parallel_loop3A_1512 = arith.index_cast %parallel_loop3A_1511 : i32 to index
        %parallel_loop3A_1513 = arith.index_cast %parallel_loop3A_1424 : i32 to index
        %parallel_loop3A_1514 = arith.constant 64 : index
        %parallel_loop3A_1515 = tpu.vector_load %arg10[%parallel_loop3A_1512, %parallel_loop3A_1513, %parallel_loop3A_1514] {strides = array<i32>} : memref<2x80x128xf32, #tpu.memory_space<vmem>>, vector<1x1x16xf32>,
        %parallel_loop3A_1516 = vector.shape_cast %parallel_loop3A_1515 : vector<1x1x16xf32> to vector<16xf32>
        %parallel_loop3A_1517 = arith.mulf %parallel_loop3A_1510, %parallel_loop3A_1516 : vector<16xf32>
        %parallel_loop3A_1518 = arith.constant 0 : i32
        %parallel_loop3A_1519 = arith.index_cast %parallel_loop3A_1518 : i32 to index
        %parallel_loop3A_1520 = arith.index_cast %parallel_loop3A_1424 : i32 to index
        %parallel_loop3A_1521 = arith.constant 64 : index
        %parallel_loop3A_1522 = tpu.vector_load %arg9[%parallel_loop3A_1519, %parallel_loop3A_1520, %parallel_loop3A_1521] {strides = array<i32>} : memref<2x80x128xf32, #tpu.memory_space<vmem>>, vector<1x1x16xf32>,
        %parallel_loop3A_1523 = vector.shape_cast %parallel_loop3A_1522 : vector<1x1x16xf32> to vector<16xf32>
        %parallel_loop3A_1524 = vector.shape_cast %parallel_loop3A_1517 : vector<16xf32> to vector<1x1x16xf32>
        tpu.vector_store %arg9[%parallel_loop3A_1519, %parallel_loop3A_1520, %parallel_loop3A_1521], %parallel_loop3A_1524 {strides = array<i32>} : memref<2x80x128xf32, #tpu.memory_space<vmem>>, vector<1x1x16xf32>,
        %parallel_loop3A_1525 = arith.constant 0 : i32
        %parallel_loop3A_1526 = arith.index_cast %parallel_loop3A_1525 : i32 to index
        %parallel_loop3A_1527 = arith.index_cast %parallel_loop3A_1424 : i32 to index
        %parallel_loop3A_1528 = arith.constant 80 : index
        %parallel_loop3A_1529 = tpu.vector_load %arg9[%parallel_loop3A_1526, %parallel_loop3A_1527, %parallel_loop3A_1528] {strides = array<i32>} : memref<2x80x128xf32, #tpu.memory_space<vmem>>, vector<1x1x16xf32>,
        %parallel_loop3A_1530 = vector.shape_cast %parallel_loop3A_1529 : vector<1x1x16xf32> to vector<16xf32>
        %parallel_loop3A_1531 = arith.constant 0 : i32
        %parallel_loop3A_1532 = arith.index_cast %parallel_loop3A_1531 : i32 to index
        %parallel_loop3A_1533 = arith.index_cast %parallel_loop3A_1424 : i32 to index
        %parallel_loop3A_1534 = arith.constant 80 : index
        %parallel_loop3A_1535 = tpu.vector_load %arg10[%parallel_loop3A_1532, %parallel_loop3A_1533, %parallel_loop3A_1534] {strides = array<i32>} : memref<2x80x128xf32, #tpu.memory_space<vmem>>, vector<1x1x16xf32>,
        %parallel_loop3A_1536 = vector.shape_cast %parallel_loop3A_1535 : vector<1x1x16xf32> to vector<16xf32>
        %parallel_loop3A_1537 = arith.mulf %parallel_loop3A_1530, %parallel_loop3A_1536 : vector<16xf32>
        %parallel_loop3A_1538 = arith.constant 0 : i32
        %parallel_loop3A_1539 = arith.index_cast %parallel_loop3A_1538 : i32 to index
        %parallel_loop3A_1540 = arith.index_cast %parallel_loop3A_1424 : i32 to index
        %parallel_loop3A_1541 = arith.constant 80 : index
        %parallel_loop3A_1542 = tpu.vector_load %arg9[%parallel_loop3A_1539, %parallel_loop3A_1540, %parallel_loop3A_1541] {strides = array<i32>} : memref<2x80x128xf32, #tpu.memory_space<vmem>>, vector<1x1x16xf32>,
        %parallel_loop3A_1543 = vector.shape_cast %parallel_loop3A_1542 : vector<1x1x16xf32> to vector<16xf32>
        %parallel_loop3A_1544 = vector.shape_cast %parallel_loop3A_1537 : vector<16xf32> to vector<1x1x16xf32>
        tpu.vector_store %arg9[%parallel_loop3A_1539, %parallel_loop3A_1540, %parallel_loop3A_1541], %parallel_loop3A_1544 {strides = array<i32>} : memref<2x80x128xf32, #tpu.memory_space<vmem>>, vector<1x1x16xf32>,
        %parallel_loop3A_1545 = arith.constant 0 : i32
        %parallel_loop3A_1546 = arith.index_cast %parallel_loop3A_1545 : i32 to index
        %parallel_loop3A_1547 = arith.index_cast %parallel_loop3A_1424 : i32 to index
        %parallel_loop3A_1548 = arith.constant 96 : index
        %parallel_loop3A_1549 = tpu.vector_load %arg9[%parallel_loop3A_1546, %parallel_loop3A_1547, %parallel_loop3A_1548] {strides = array<i32>} : memref<2x80x128xf32, #tpu.memory_space<vmem>>, vector<1x1x16xf32>,
        %parallel_loop3A_1550 = vector.shape_cast %parallel_loop3A_1549 : vector<1x1x16xf32> to vector<16xf32>
        %parallel_loop3A_1551 = arith.constant 0 : i32
        %parallel_loop3A_1552 = arith.index_cast %parallel_loop3A_1551 : i32 to index
        %parallel_loop3A_1553 = arith.index_cast %parallel_loop3A_1424 : i32 to index
        %parallel_loop3A_1554 = arith.constant 96 : index
        %parallel_loop3A_1555 = tpu.vector_load %arg10[%parallel_loop3A_1552, %parallel_loop3A_1553, %parallel_loop3A_1554] {strides = array<i32>} : memref<2x80x128xf32, #tpu.memory_space<vmem>>, vector<1x1x16xf32>,
        %parallel_loop3A_1556 = vector.shape_cast %parallel_loop3A_1555 : vector<1x1x16xf32> to vector<16xf32>
        %parallel_loop3A_1557 = arith.mulf %parallel_loop3A_1550, %parallel_loop3A_1556 : vector<16xf32>
        %parallel_loop3A_1558 = arith.constant 0 : i32
        %parallel_loop3A_1559 = arith.index_cast %parallel_loop3A_1558 : i32 to index
        %parallel_loop3A_1560 = arith.index_cast %parallel_loop3A_1424 : i32 to index
        %parallel_loop3A_1561 = arith.constant 96 : index
        %parallel_loop3A_1562 = tpu.vector_load %arg9[%parallel_loop3A_1559, %parallel_loop3A_1560, %parallel_loop3A_1561] {strides = array<i32>} : memref<2x80x128xf32, #tpu.memory_space<vmem>>, vector<1x1x16xf32>,
        %parallel_loop3A_1563 = vector.shape_cast %parallel_loop3A_1562 : vector<1x1x16xf32> to vector<16xf32>
        %parallel_loop3A_1564 = vector.shape_cast %parallel_loop3A_1557 : vector<16xf32> to vector<1x1x16xf32>
        tpu.vector_store %arg9[%parallel_loop3A_1559, %parallel_loop3A_1560, %parallel_loop3A_1561], %parallel_loop3A_1564 {strides = array<i32>} : memref<2x80x128xf32, #tpu.memory_space<vmem>>, vector<1x1x16xf32>,
        %parallel_loop3A_1565 = arith.constant 0 : i32
        %parallel_loop3A_1566 = arith.index_cast %parallel_loop3A_1565 : i32 to index
        %parallel_loop3A_1567 = arith.index_cast %parallel_loop3A_1424 : i32 to index
        %parallel_loop3A_1568 = arith.constant 112 : index
        %parallel_loop3A_1569 = tpu.vector_load %arg9[%parallel_loop3A_1566, %parallel_loop3A_1567, %parallel_loop3A_1568] {strides = array<i32>} : memref<2x80x128xf32, #tpu.memory_space<vmem>>, vector<1x1x16xf32>,
        %parallel_loop3A_1570 = vector.shape_cast %parallel_loop3A_1569 : vector<1x1x16xf32> to vector<16xf32>
        %parallel_loop3A_1571 = arith.constant 0 : i32
        %parallel_loop3A_1572 = arith.index_cast %parallel_loop3A_1571 : i32 to index
        %parallel_loop3A_1573 = arith.index_cast %parallel_loop3A_1424 : i32 to index
        %parallel_loop3A_1574 = arith.constant 112 : index
        %parallel_loop3A_1575 = tpu.vector_load %arg10[%parallel_loop3A_1572, %parallel_loop3A_1573, %parallel_loop3A_1574] {strides = array<i32>} : memref<2x80x128xf32, #tpu.memory_space<vmem>>, vector<1x1x16xf32>,
        %parallel_loop3A_1576 = vector.shape_cast %parallel_loop3A_1575 : vector<1x1x16xf32> to vector<16xf32>
        %parallel_loop3A_1577 = arith.mulf %parallel_loop3A_1570, %parallel_loop3A_1576 : vector<16xf32>
        %parallel_loop3A_1578 = arith.constant 0 : i32
        %parallel_loop3A_1579 = arith.index_cast %parallel_loop3A_1578 : i32 to index
        %parallel_loop3A_1580 = arith.index_cast %parallel_loop3A_1424 : i32 to index
        %parallel_loop3A_1581 = arith.constant 112 : index
        %parallel_loop3A_1582 = tpu.vector_load %arg9[%parallel_loop3A_1579, %parallel_loop3A_1580, %parallel_loop3A_1581] {strides = array<i32>} : memref<2x80x128xf32, #tpu.memory_space<vmem>>, vector<1x1x16xf32>,
        %parallel_loop3A_1583 = vector.shape_cast %parallel_loop3A_1582 : vector<1x1x16xf32> to vector<16xf32>
        %parallel_loop3A_1584 = vector.shape_cast %parallel_loop3A_1577 : vector<16xf32> to vector<1x1x16xf32>
        tpu.vector_store %arg9[%parallel_loop3A_1579, %parallel_loop3A_1580, %parallel_loop3A_1581], %parallel_loop3A_1584 {strides = array<i32>} : memref<2x80x128xf32, #tpu.memory_space<vmem>>, vector<1x1x16xf32>,
      } {sc.loop_unroll_factor = 4 : i64, sc.parallel_access}
      %dma_start3A_1221 = arith.constant 0 : i32
      %dma_start3A_1222 = arith.constant 0 : i32
      %dma_start3A_1223 = arith.constant 0 : i32
      %dma_start3A_1224 = arith.constant 0 : i32
      %dma_start3A_1225 = tpu.memref_slice %arg9[%dma_start3A_1221, %dma_start3A_1223, %dma_start3A_1224] : memref<2x80x128xf32, #tpu.memory_space<vmem>> -> memref<1x80x128xf32, #tpu.memory_space<vmem>>
      %dma_start3A_1226 = tpu.memref_squeeze %dma_start3A_1225 : memref<1x80x128xf32, #tpu.memory_space<vmem>> -> memref<80x128xf32, #tpu.memory_space<vmem>>
      %dma_start3A_1227 = arith.constant 0 : i32
      %dma_start3A_1228 = tpu.memref_slice %arg7[%dma_start3A_1222, %dma_start3A_1227] : memref<2x80xi32, #tpu.memory_space<vmem>> -> memref<1x80xi32, #tpu.memory_space<vmem>>
      %dma_start3A_1229 = tpu.memref_squeeze %dma_start3A_1228 : memref<1x80xi32, #tpu.memory_space<vmem>> -> memref<80xi32, #tpu.memory_space<vmem>>
      %dma_start3A_1230 = arith.constant 0 : i32
      %dma_start3A_1231 = arith.constant 0 : i32
      %dma_start3A_1232 = tpu.memref_slice %arg12[%dma_start3A_1230, %dma_start3A_1231] : memref<10000x128xf32, #tpu.memory_space<vmem_shared>> -> memref<10000x128xf32, #tpu.memory_space<vmem_shared>>
      tpu.enqueue_indirect_dma source(%dma_start3A_1226 : memref<80x128xf32, #tpu.memory_space<vmem>>) target(%dma_start3A_1232 : memref<10000x128xf32, #tpu.memory_space<vmem_shared>>) offsets(%dma_start3A_1229 : memref<80xi32, #tpu.memory_space<vmem>>) semaphore(%arg21 : memref<!tpu.dma_semaphore, #tpu.memory_space<semaphore_mem>>) {add = true}
      %mul3A_1233 = arith.constant 80 : i32
      %mul3A_1234 = arith.muli %add3A_1205, %mul3A_1233 : i32
      %add3A_1235 = arith.addi %mul3A_1032, %mul3A_1234 : i32
      %multiple_of3A_1236 = tpu.assume_multiple %add3A_1235, 8 : i32
      %dma_wait3A_1237 = arith.constant 1 : i32
      %dma_wait3A_1238 = arith.constant 0 : i32
      %dma_wait3A_1239 = tpu.memref_slice %arg7[%dma_wait3A_1237, %dma_wait3A_1238] : memref<2x80xi32, #tpu.memory_space<vmem>> -> memref<1x80xi32, #tpu.memory_space<vmem>>
      %dma_wait3A_1240 = tpu.memref_squeeze %dma_wait3A_1239 : memref<1x80xi32, #tpu.memory_space<vmem>> -> memref<80xi32, #tpu.memory_space<vmem>>
      %dma_wait3A_1241 = tpu.memref_slice %arg4[%multiple_of3A_1236] : memref<320000xi32, #tpu.memory_space<hbm>> -> memref<80xi32, #tpu.memory_space<hbm>>
      %dma_wait3A_1242 = arith.constant 0 : i32
      %dma_wait3A_1243 = tpu.memref_slice %arg7[%dma_wait3A_1237, %dma_wait3A_1242] : memref<2x80xi32, #tpu.memory_space<vmem>> -> memref<1x80xi32, #tpu.memory_space<vmem>>
      %dma_wait3A_1244 = tpu.memref_squeeze %dma_wait3A_1243 : memref<1x80xi32, #tpu.memory_space<vmem>> -> memref<80xi32, #tpu.memory_space<vmem>>
      %dma_wait3A_1245 = tpu.memref_slice %arg4[%multiple_of3A_1236] : memref<320000xi32, #tpu.memory_space<hbm>> -> memref<80xi32, #tpu.memory_space<hbm>>
      tpu.wait_dma2 semaphore(%arg14 : memref<!tpu.dma_semaphore, #tpu.memory_space<semaphore_mem>>) src(%dma_wait3A_1245 : memref<80xi32, #tpu.memory_space<hbm>>) dst(%dma_wait3A_1244 : memref<80xi32, #tpu.memory_space<vmem>>)
      %dma_wait3A_1246 = arith.constant 1 : i32
      %dma_wait3A_1247 = arith.constant 0 : i32
      %dma_wait3A_1248 = tpu.memref_slice %arg8[%dma_wait3A_1246, %dma_wait3A_1247] : memref<2x80xi32, #tpu.memory_space<vmem>> -> memref<1x80xi32, #tpu.memory_space<vmem>>
      %dma_wait3A_1249 = tpu.memref_squeeze %dma_wait3A_1248 : memref<1x80xi32, #tpu.memory_space<vmem>> -> memref<80xi32, #tpu.memory_space<vmem>>
      %dma_wait3A_1250 = tpu.memref_slice %arg5[%multiple_of3A_1236] : memref<320000xi32, #tpu.memory_space<hbm>> -> memref<80xi32, #tpu.memory_space<hbm>>
      %dma_wait3A_1251 = arith.constant 0 : i32
      %dma_wait3A_1252 = tpu.memref_slice %arg8[%dma_wait3A_1246, %dma_wait3A_1251] : memref<2x80xi32, #tpu.memory_space<vmem>> -> memref<1x80xi32, #tpu.memory_space<vmem>>
      %dma_wait3A_1253 = tpu.memref_squeeze %dma_wait3A_1252 : memref<1x80xi32, #tpu.memory_space<vmem>> -> memref<80xi32, #tpu.memory_space<vmem>>
      %dma_wait3A_1254 = tpu.memref_slice %arg5[%multiple_of3A_1236] : memref<320000xi32, #tpu.memory_space<hbm>> -> memref<80xi32, #tpu.memory_space<hbm>>
      tpu.wait_dma2 semaphore(%arg16 : memref<!tpu.dma_semaphore, #tpu.memory_space<semaphore_mem>>) src(%dma_wait3A_1254 : memref<80xi32, #tpu.memory_space<hbm>>) dst(%dma_wait3A_1253 : memref<80xi32, #tpu.memory_space<vmem>>)
      %dma_wait3A_1255 = arith.constant 1 : i32
      %dma_wait3A_1256 = arith.constant 0 : i32
      %dma_wait3A_1257 = arith.constant 0 : i32
      %dma_wait3A_1258 = tpu.memref_slice %arg9[%dma_wait3A_1255, %dma_wait3A_1256, %dma_wait3A_1257] : memref<2x80x128xf32, #tpu.memory_space<vmem>> -> memref<1x80x128xf32, #tpu.memory_space<vmem>>
      %dma_wait3A_1259 = tpu.memref_squeeze %dma_wait3A_1258 : memref<1x80x128xf32, #tpu.memory_space<vmem>> -> memref<80x128xf32, #tpu.memory_space<vmem>>
      %dma_wait3A_1260 = arith.constant 0 : i32
      %dma_wait3A_1261 = tpu.memref_slice %arg2[%multiple_of3A_1236, %dma_wait3A_1260] : memref<320000x128xf32, #tpu.memory_space<hbm>> -> memref<80x128xf32, #tpu.memory_space<hbm>>
      %dma_wait3A_1262 = arith.constant 0 : i32
      %dma_wait3A_1263 = arith.constant 0 : i32
      %dma_wait3A_1264 = tpu.memref_slice %arg9[%dma_wait3A_1255, %dma_wait3A_1262, %dma_wait3A_1263] : memref<2x80x128xf32, #tpu.memory_space<vmem>> -> memref<1x80x128xf32, #tpu.memory_space<vmem>>
      %dma_wait3A_1265 = tpu.memref_squeeze %dma_wait3A_1264 : memref<1x80x128xf32, #tpu.memory_space<vmem>> -> memref<80x128xf32, #tpu.memory_space<vmem>>
      %dma_wait3A_1266 = arith.constant 0 : i32
      %dma_wait3A_1267 = tpu.memref_slice %arg2[%multiple_of3A_1236, %dma_wait3A_1266] : memref<320000x128xf32, #tpu.memory_space<hbm>> -> memref<80x128xf32, #tpu.memory_space<hbm>>
      tpu.wait_dma2 semaphore(%arg18 : memref<!tpu.dma_semaphore, #tpu.memory_space<semaphore_mem>>) src(%dma_wait3A_1267 : memref<80x128xf32, #tpu.memory_space<hbm>>) dst(%dma_wait3A_1265 : memref<80x128xf32, #tpu.memory_space<vmem>>)
      %dma_start3A_1268 = arith.constant 1 : i32
      %dma_start3A_1269 = arith.constant 1 : i32
      %dma_start3A_1270 = arith.constant 0 : i32
      %dma_start3A_1271 = arith.constant 0 : i32
      %dma_start3A_1272 = tpu.memref_slice %arg10[%dma_start3A_1269, %dma_start3A_1270, %dma_start3A_1271] : memref<2x80x128xf32, #tpu.memory_space<vmem>> -> memref<1x80x128xf32, #tpu.memory_space<vmem>>
      %dma_start3A_1273 = tpu.memref_squeeze %dma_start3A_1272 : memref<1x80x128xf32, #tpu.memory_space<vmem>> -> memref<80x128xf32, #tpu.memory_space<vmem>>
      %dma_start3A_1274 = arith.constant 0 : i32
      %dma_start3A_1275 = tpu.memref_slice %arg8[%dma_start3A_1268, %dma_start3A_1274] : memref<2x80xi32, #tpu.memory_space<vmem>> -> memref<1x80xi32, #tpu.memory_space<vmem>>
      %dma_start3A_1276 = tpu.memref_squeeze %dma_start3A_1275 : memref<1x80xi32, #tpu.memory_space<vmem>> -> memref<80xi32, #tpu.memory_space<vmem>>
      %dma_start3A_1277 = arith.constant 0 : i32
      %dma_start3A_1278 = arith.constant 0 : i32
      %dma_start3A_1279 = tpu.memref_slice %arg3[%dma_start3A_1277, %dma_start3A_1278] : memref<10000x128xf32, #tpu.memory_space<hbm>> -> memref<10000x128xf32, #tpu.memory_space<hbm>>
      tpu.enqueue_indirect_dma source(%dma_start3A_1279 : memref<10000x128xf32, #tpu.memory_space<hbm>>) target(%dma_start3A_1273 : memref<80x128xf32, #tpu.memory_space<vmem>>) offsets(%dma_start3A_1276 : memref<80xi32, #tpu.memory_space<vmem>>) semaphore(%arg20 : memref<!tpu.dma_semaphore, #tpu.memory_space<semaphore_mem>>)
      %dma_wait3A_1280 = arith.constant 1 : i32
      %dma_wait3A_1281 = arith.constant 1 : i32
      %dma_wait3A_1282 = arith.constant 0 : i32
      %dma_wait3A_1283 = arith.constant 0 : i32
      %dma_wait3A_1284 = tpu.memref_slice %arg10[%dma_wait3A_1281, %dma_wait3A_1282, %dma_wait3A_1283] : memref<2x80x128xf32, #tpu.memory_space<vmem>> -> memref<1x80x128xf32, #tpu.memory_space<vmem>>
      %dma_wait3A_1285 = tpu.memref_squeeze %dma_wait3A_1284 : memref<1x80x128xf32, #tpu.memory_space<vmem>> -> memref<80x128xf32, #tpu.memory_space<vmem>>
      %dma_wait3A_1286 = arith.constant 0 : i32
      %dma_wait3A_1287 = tpu.memref_slice %arg8[%dma_wait3A_1280, %dma_wait3A_1286] : memref<2x80xi32, #tpu.memory_space<vmem>> -> memref<1x80xi32, #tpu.memory_space<vmem>>
      %dma_wait3A_1288 = tpu.memref_squeeze %dma_wait3A_1287 : memref<1x80xi32, #tpu.memory_space<vmem>> -> memref<80xi32, #tpu.memory_space<vmem>>
      %dma_wait3A_1289 = arith.constant 0 : i32
      %dma_wait3A_1290 = arith.constant 0 : i32
      %dma_wait3A_1291 = tpu.memref_slice %arg3[%dma_wait3A_1289, %dma_wait3A_1290] : memref<10000x128xf32, #tpu.memory_space<hbm>> -> memref<10000x128xf32, #tpu.memory_space<hbm>>
      tpu.wait_indirect_dma semaphore(%arg20 : memref<!tpu.dma_semaphore, #tpu.memory_space<semaphore_mem>>) src(%dma_wait3A_1291 : memref<10000x128xf32, #tpu.memory_space<hbm>>) dst(%dma_wait3A_1285 : memref<80x128xf32, #tpu.memory_space<vmem>>)
      %parallel_loop3A_1292 = arith.constant 0 : i32
      %parallel_loop3A_1293 = arith.constant 80 : i32
      %parallel_loop3A_1294 = arith.constant 1 : i32
      scf.for %parallel_loop3A_1424 = %parallel_loop3A_1292 to %parallel_loop3A_1293 step %parallel_loop3A_1294  : i32 {
        %parallel_loop3A_1425 = arith.constant 1 : i32
        %parallel_loop3A_1426 = arith.index_cast %parallel_loop3A_1425 : i32 to index
        %parallel_loop3A_1427 = arith.index_cast %parallel_loop3A_1424 : i32 to index
        %parallel_loop3A_1428 = arith.constant 0 : index
        %parallel_loop3A_1429 = tpu.vector_load %arg9[%parallel_loop3A_1426, %parallel_loop3A_1427, %parallel_loop3A_1428] {strides = array<i32>} : memref<2x80x128xf32, #tpu.memory_space<vmem>>, vector<1x1x16xf32>,
        %parallel_loop3A_1430 = vector.shape_cast %parallel_loop3A_1429 : vector<1x1x16xf32> to vector<16xf32>
        %parallel_loop3A_1431 = arith.constant 1 : i32
        %parallel_loop3A_1432 = arith.index_cast %parallel_loop3A_1431 : i32 to index
        %parallel_loop3A_1433 = arith.index_cast %parallel_loop3A_1424 : i32 to index
        %parallel_loop3A_1434 = arith.constant 0 : index
        %parallel_loop3A_1435 = tpu.vector_load %arg10[%parallel_loop3A_1432, %parallel_loop3A_1433, %parallel_loop3A_1434] {strides = array<i32>} : memref<2x80x128xf32, #tpu.memory_space<vmem>>, vector<1x1x16xf32>,
        %parallel_loop3A_1436 = vector.shape_cast %parallel_loop3A_1435 : vector<1x1x16xf32> to vector<16xf32>
        %parallel_loop3A_1437 = arith.mulf %parallel_loop3A_1430, %parallel_loop3A_1436 : vector<16xf32>
        %parallel_loop3A_1438 = arith.constant 1 : i32
        %parallel_loop3A_1439 = arith.index_cast %parallel_loop3A_1438 : i32 to index
        %parallel_loop3A_1440 = arith.index_cast %parallel_loop3A_1424 : i32 to index
        %parallel_loop3A_1441 = arith.constant 0 : index
        %parallel_loop3A_1442 = tpu.vector_load %arg9[%parallel_loop3A_1439, %parallel_loop3A_1440, %parallel_loop3A_1441] {strides = array<i32>} : memref<2x80x128xf32, #tpu.memory_space<vmem>>, vector<1x1x16xf32>,
        %parallel_loop3A_1443 = vector.shape_cast %parallel_loop3A_1442 : vector<1x1x16xf32> to vector<16xf32>
        %parallel_loop3A_1444 = vector.shape_cast %parallel_loop3A_1437 : vector<16xf32> to vector<1x1x16xf32>
        tpu.vector_store %arg9[%parallel_loop3A_1439, %parallel_loop3A_1440, %parallel_loop3A_1441], %parallel_loop3A_1444 {strides = array<i32>} : memref<2x80x128xf32, #tpu.memory_space<vmem>>, vector<1x1x16xf32>,
        %parallel_loop3A_1445 = arith.constant 1 : i32
        %parallel_loop3A_1446 = arith.index_cast %parallel_loop3A_1445 : i32 to index
        %parallel_loop3A_1447 = arith.index_cast %parallel_loop3A_1424 : i32 to index
        %parallel_loop3A_1448 = arith.constant 16 : index
        %parallel_loop3A_1449 = tpu.vector_load %arg9[%parallel_loop3A_1446, %parallel_loop3A_1447, %parallel_loop3A_1448] {strides = array<i32>} : memref<2x80x128xf32, #tpu.memory_space<vmem>>, vector<1x1x16xf32>,
        %parallel_loop3A_1450 = vector.shape_cast %parallel_loop3A_1449 : vector<1x1x16xf32> to vector<16xf32>
        %parallel_loop3A_1451 = arith.constant 1 : i32
        %parallel_loop3A_1452 = arith.index_cast %parallel_loop3A_1451 : i32 to index
        %parallel_loop3A_1453 = arith.index_cast %parallel_loop3A_1424 : i32 to index
        %parallel_loop3A_1454 = arith.constant 16 : index
        %parallel_loop3A_1455 = tpu.vector_load %arg10[%parallel_loop3A_1452, %parallel_loop3A_1453, %parallel_loop3A_1454] {strides = array<i32>} : memref<2x80x128xf32, #tpu.memory_space<vmem>>, vector<1x1x16xf32>,
        %parallel_loop3A_1456 = vector.shape_cast %parallel_loop3A_1455 : vector<1x1x16xf32> to vector<16xf32>
        %parallel_loop3A_1457 = arith.mulf %parallel_loop3A_1450, %parallel_loop3A_1456 : vector<16xf32>
        %parallel_loop3A_1458 = arith.constant 1 : i32
        %parallel_loop3A_1459 = arith.index_cast %parallel_loop3A_1458 : i32 to index
        %parallel_loop3A_1460 = arith.index_cast %parallel_loop3A_1424 : i32 to index
        %parallel_loop3A_1461 = arith.constant 16 : index
        %parallel_loop3A_1462 = tpu.vector_load %arg9[%parallel_loop3A_1459, %parallel_loop3A_1460, %parallel_loop3A_1461] {strides = array<i32>} : memref<2x80x128xf32, #tpu.memory_space<vmem>>, vector<1x1x16xf32>,
        %parallel_loop3A_1463 = vector.shape_cast %parallel_loop3A_1462 : vector<1x1x16xf32> to vector<16xf32>
        %parallel_loop3A_1464 = vector.shape_cast %parallel_loop3A_1457 : vector<16xf32> to vector<1x1x16xf32>
        tpu.vector_store %arg9[%parallel_loop3A_1459, %parallel_loop3A_1460, %parallel_loop3A_1461], %parallel_loop3A_1464 {strides = array<i32>} : memref<2x80x128xf32, #tpu.memory_space<vmem>>, vector<1x1x16xf32>,
        %parallel_loop3A_1465 = arith.constant 1 : i32
        %parallel_loop3A_1466 = arith.index_cast %parallel_loop3A_1465 : i32 to index
        %parallel_loop3A_1467 = arith.index_cast %parallel_loop3A_1424 : i32 to index
        %parallel_loop3A_1468 = arith.constant 32 : index
        %parallel_loop3A_1469 = tpu.vector_load %arg9[%parallel_loop3A_1466, %parallel_loop3A_1467, %parallel_loop3A_1468] {strides = array<i32>} : memref<2x80x128xf32, #tpu.memory_space<vmem>>, vector<1x1x16xf32>,
        %parallel_loop3A_1470 = vector.shape_cast %parallel_loop3A_1469 : vector<1x1x16xf32> to vector<16xf32>
        %parallel_loop3A_1471 = arith.constant 1 : i32
        %parallel_loop3A_1472 = arith.index_cast %parallel_loop3A_1471 : i32 to index
        %parallel_loop3A_1473 = arith.index_cast %parallel_loop3A_1424 : i32 to index
        %parallel_loop3A_1474 = arith.constant 32 : index
        %parallel_loop3A_1475 = tpu.vector_load %arg10[%parallel_loop3A_1472, %parallel_loop3A_1473, %parallel_loop3A_1474] {strides = array<i32>} : memref<2x80x128xf32, #tpu.memory_space<vmem>>, vector<1x1x16xf32>,
        %parallel_loop3A_1476 = vector.shape_cast %parallel_loop3A_1475 : vector<1x1x16xf32> to vector<16xf32>
        %parallel_loop3A_1477 = arith.mulf %parallel_loop3A_1470, %parallel_loop3A_1476 : vector<16xf32>
        %parallel_loop3A_1478 = arith.constant 1 : i32
        %parallel_loop3A_1479 = arith.index_cast %parallel_loop3A_1478 : i32 to index
        %parallel_loop3A_1480 = arith.index_cast %parallel_loop3A_1424 : i32 to index
        %parallel_loop3A_1481 = arith.constant 32 : index
        %parallel_loop3A_1482 = tpu.vector_load %arg9[%parallel_loop3A_1479, %parallel_loop3A_1480, %parallel_loop3A_1481] {strides = array<i32>} : memref<2x80x128xf32, #tpu.memory_space<vmem>>, vector<1x1x16xf32>,
        %parallel_loop3A_1483 = vector.shape_cast %parallel_loop3A_1482 : vector<1x1x16xf32> to vector<16xf32>
        %parallel_loop3A_1484 = vector.shape_cast %parallel_loop3A_1477 : vector<16xf32> to vector<1x1x16xf32>
        tpu.vector_store %arg9[%parallel_loop3A_1479, %parallel_loop3A_1480, %parallel_loop3A_1481], %parallel_loop3A_1484 {strides = array<i32>} : memref<2x80x128xf32, #tpu.memory_space<vmem>>, vector<1x1x16xf32>,
        %parallel_loop3A_1485 = arith.constant 1 : i32
        %parallel_loop3A_1486 = arith.index_cast %parallel_loop3A_1485 : i32 to index
        %parallel_loop3A_1487 = arith.index_cast %parallel_loop3A_1424 : i32 to index
        %parallel_loop3A_1488 = arith.constant 48 : index
        %parallel_loop3A_1489 = tpu.vector_load %arg9[%parallel_loop3A_1486, %parallel_loop3A_1487, %parallel_loop3A_1488] {strides = array<i32>} : memref<2x80x128xf32, #tpu.memory_space<vmem>>, vector<1x1x16xf32>,
        %parallel_loop3A_1490 = vector.shape_cast %parallel_loop3A_1489 : vector<1x1x16xf32> to vector<16xf32>
        %parallel_loop3A_1491 = arith.constant 1 : i32
        %parallel_loop3A_1492 = arith.index_cast %parallel_loop3A_1491 : i32 to index
        %parallel_loop3A_1493 = arith.index_cast %parallel_loop3A_1424 : i32 to index
        %parallel_loop3A_1494 = arith.constant 48 : index
        %parallel_loop3A_1495 = tpu.vector_load %arg10[%parallel_loop3A_1492, %parallel_loop3A_1493, %parallel_loop3A_1494] {strides = array<i32>} : memref<2x80x128xf32, #tpu.memory_space<vmem>>, vector<1x1x16xf32>,
        %parallel_loop3A_1496 = vector.shape_cast %parallel_loop3A_1495 : vector<1x1x16xf32> to vector<16xf32>
        %parallel_loop3A_1497 = arith.mulf %parallel_loop3A_1490, %parallel_loop3A_1496 : vector<16xf32>
        %parallel_loop3A_1498 = arith.constant 1 : i32
        %parallel_loop3A_1499 = arith.index_cast %parallel_loop3A_1498 : i32 to index
        %parallel_loop3A_1500 = arith.index_cast %parallel_loop3A_1424 : i32 to index
        %parallel_loop3A_1501 = arith.constant 48 : index
        %parallel_loop3A_1502 = tpu.vector_load %arg9[%parallel_loop3A_1499, %parallel_loop3A_1500, %parallel_loop3A_1501] {strides = array<i32>} : memref<2x80x128xf32, #tpu.memory_space<vmem>>, vector<1x1x16xf32>,
        %parallel_loop3A_1503 = vector.shape_cast %parallel_loop3A_1502 : vector<1x1x16xf32> to vector<16xf32>
        %parallel_loop3A_1504 = vector.shape_cast %parallel_loop3A_1497 : vector<16xf32> to vector<1x1x16xf32>
        tpu.vector_store %arg9[%parallel_loop3A_1499, %parallel_loop3A_1500, %parallel_loop3A_1501], %parallel_loop3A_1504 {strides = array<i32>} : memref<2x80x128xf32, #tpu.memory_space<vmem>>, vector<1x1x16xf32>,
        %parallel_loop3A_1505 = arith.constant 1 : i32
        %parallel_loop3A_1506 = arith.index_cast %parallel_loop3A_1505 : i32 to index
        %parallel_loop3A_1507 = arith.index_cast %parallel_loop3A_1424 : i32 to index
        %parallel_loop3A_1508 = arith.constant 64 : index
        %parallel_loop3A_1509 = tpu.vector_load %arg9[%parallel_loop3A_1506, %parallel_loop3A_1507, %parallel_loop3A_1508] {strides = array<i32>} : memref<2x80x128xf32, #tpu.memory_space<vmem>>, vector<1x1x16xf32>,
        %parallel_loop3A_1510 = vector.shape_cast %parallel_loop3A_1509 : vector<1x1x16xf32> to vector<16xf32>
        %parallel_loop3A_1511 = arith.constant 1 : i32
        %parallel_loop3A_1512 = arith.index_cast %parallel_loop3A_1511 : i32 to index
        %parallel_loop3A_1513 = arith.index_cast %parallel_loop3A_1424 : i32 to index
        %parallel_loop3A_1514 = arith.constant 64 : index
        %parallel_loop3A_1515 = tpu.vector_load %arg10[%parallel_loop3A_1512, %parallel_loop3A_1513, %parallel_loop3A_1514] {strides = array<i32>} : memref<2x80x128xf32, #tpu.memory_space<vmem>>, vector<1x1x16xf32>,
        %parallel_loop3A_1516 = vector.shape_cast %parallel_loop3A_1515 : vector<1x1x16xf32> to vector<16xf32>
        %parallel_loop3A_1517 = arith.mulf %parallel_loop3A_1510, %parallel_loop3A_1516 : vector<16xf32>
        %parallel_loop3A_1518 = arith.constant 1 : i32
        %parallel_loop3A_1519 = arith.index_cast %parallel_loop3A_1518 : i32 to index
        %parallel_loop3A_1520 = arith.index_cast %parallel_loop3A_1424 : i32 to index
        %parallel_loop3A_1521 = arith.constant 64 : index
        %parallel_loop3A_1522 = tpu.vector_load %arg9[%parallel_loop3A_1519, %parallel_loop3A_1520, %parallel_loop3A_1521] {strides = array<i32>} : memref<2x80x128xf32, #tpu.memory_space<vmem>>, vector<1x1x16xf32>,
        %parallel_loop3A_1523 = vector.shape_cast %parallel_loop3A_1522 : vector<1x1x16xf32> to vector<16xf32>
        %parallel_loop3A_1524 = vector.shape_cast %parallel_loop3A_1517 : vector<16xf32> to vector<1x1x16xf32>
        tpu.vector_store %arg9[%parallel_loop3A_1519, %parallel_loop3A_1520, %parallel_loop3A_1521], %parallel_loop3A_1524 {strides = array<i32>} : memref<2x80x128xf32, #tpu.memory_space<vmem>>, vector<1x1x16xf32>,
        %parallel_loop3A_1525 = arith.constant 1 : i32
        %parallel_loop3A_1526 = arith.index_cast %parallel_loop3A_1525 : i32 to index
        %parallel_loop3A_1527 = arith.index_cast %parallel_loop3A_1424 : i32 to index
        %parallel_loop3A_1528 = arith.constant 80 : index
        %parallel_loop3A_1529 = tpu.vector_load %arg9[%parallel_loop3A_1526, %parallel_loop3A_1527, %parallel_loop3A_1528] {strides = array<i32>} : memref<2x80x128xf32, #tpu.memory_space<vmem>>, vector<1x1x16xf32>,
        %parallel_loop3A_1530 = vector.shape_cast %parallel_loop3A_1529 : vector<1x1x16xf32> to vector<16xf32>
        %parallel_loop3A_1531 = arith.constant 1 : i32
        %parallel_loop3A_1532 = arith.index_cast %parallel_loop3A_1531 : i32 to index
        %parallel_loop3A_1533 = arith.index_cast %parallel_loop3A_1424 : i32 to index
        %parallel_loop3A_1534 = arith.constant 80 : index
        %parallel_loop3A_1535 = tpu.vector_load %arg10[%parallel_loop3A_1532, %parallel_loop3A_1533, %parallel_loop3A_1534] {strides = array<i32>} : memref<2x80x128xf32, #tpu.memory_space<vmem>>, vector<1x1x16xf32>,
        %parallel_loop3A_1536 = vector.shape_cast %parallel_loop3A_1535 : vector<1x1x16xf32> to vector<16xf32>
        %parallel_loop3A_1537 = arith.mulf %parallel_loop3A_1530, %parallel_loop3A_1536 : vector<16xf32>
        %parallel_loop3A_1538 = arith.constant 1 : i32
        %parallel_loop3A_1539 = arith.index_cast %parallel_loop3A_1538 : i32 to index
        %parallel_loop3A_1540 = arith.index_cast %parallel_loop3A_1424 : i32 to index
        %parallel_loop3A_1541 = arith.constant 80 : index
        %parallel_loop3A_1542 = tpu.vector_load %arg9[%parallel_loop3A_1539, %parallel_loop3A_1540, %parallel_loop3A_1541] {strides = array<i32>} : memref<2x80x128xf32, #tpu.memory_space<vmem>>, vector<1x1x16xf32>,
        %parallel_loop3A_1543 = vector.shape_cast %parallel_loop3A_1542 : vector<1x1x16xf32> to vector<16xf32>
        %parallel_loop3A_1544 = vector.shape_cast %parallel_loop3A_1537 : vector<16xf32> to vector<1x1x16xf32>
        tpu.vector_store %arg9[%parallel_loop3A_1539, %parallel_loop3A_1540, %parallel_loop3A_1541], %parallel_loop3A_1544 {strides = array<i32>} : memref<2x80x128xf32, #tpu.memory_space<vmem>>, vector<1x1x16xf32>,
        %parallel_loop3A_1545 = arith.constant 1 : i32
        %parallel_loop3A_1546 = arith.index_cast %parallel_loop3A_1545 : i32 to index
        %parallel_loop3A_1547 = arith.index_cast %parallel_loop3A_1424 : i32 to index
        %parallel_loop3A_1548 = arith.constant 96 : index
        %parallel_loop3A_1549 = tpu.vector_load %arg9[%parallel_loop3A_1546, %parallel_loop3A_1547, %parallel_loop3A_1548] {strides = array<i32>} : memref<2x80x128xf32, #tpu.memory_space<vmem>>, vector<1x1x16xf32>,
        %parallel_loop3A_1550 = vector.shape_cast %parallel_loop3A_1549 : vector<1x1x16xf32> to vector<16xf32>
        %parallel_loop3A_1551 = arith.constant 1 : i32
        %parallel_loop3A_1552 = arith.index_cast %parallel_loop3A_1551 : i32 to index
        %parallel_loop3A_1553 = arith.index_cast %parallel_loop3A_1424 : i32 to index
        %parallel_loop3A_1554 = arith.constant 96 : index
        %parallel_loop3A_1555 = tpu.vector_load %arg10[%parallel_loop3A_1552, %parallel_loop3A_1553, %parallel_loop3A_1554] {strides = array<i32>} : memref<2x80x128xf32, #tpu.memory_space<vmem>>, vector<1x1x16xf32>,
        %parallel_loop3A_1556 = vector.shape_cast %parallel_loop3A_1555 : vector<1x1x16xf32> to vector<16xf32>
        %parallel_loop3A_1557 = arith.mulf %parallel_loop3A_1550, %parallel_loop3A_1556 : vector<16xf32>
        %parallel_loop3A_1558 = arith.constant 1 : i32
        %parallel_loop3A_1559 = arith.index_cast %parallel_loop3A_1558 : i32 to index
        %parallel_loop3A_1560 = arith.index_cast %parallel_loop3A_1424 : i32 to index
        %parallel_loop3A_1561 = arith.constant 96 : index
        %parallel_loop3A_1562 = tpu.vector_load %arg9[%parallel_loop3A_1559, %parallel_loop3A_1560, %parallel_loop3A_1561] {strides = array<i32>} : memref<2x80x128xf32, #tpu.memory_space<vmem>>, vector<1x1x16xf32>,
        %parallel_loop3A_1563 = vector.shape_cast %parallel_loop3A_1562 : vector<1x1x16xf32> to vector<16xf32>
        %parallel_loop3A_1564 = vector.shape_cast %parallel_loop3A_1557 : vector<16xf32> to vector<1x1x16xf32>
        tpu.vector_store %arg9[%parallel_loop3A_1559, %parallel_loop3A_1560, %parallel_loop3A_1561], %parallel_loop3A_1564 {strides = array<i32>} : memref<2x80x128xf32, #tpu.memory_space<vmem>>, vector<1x1x16xf32>,
        %parallel_loop3A_1565 = arith.constant 1 : i32
        %parallel_loop3A_1566 = arith.index_cast %parallel_loop3A_1565 : i32 to index
        %parallel_loop3A_1567 = arith.index_cast %parallel_loop3A_1424 : i32 to index
        %parallel_loop3A_1568 = arith.constant 112 : index
        %parallel_loop3A_1569 = tpu.vector_load %arg9[%parallel_loop3A_1566, %parallel_loop3A_1567, %parallel_loop3A_1568] {strides = array<i32>} : memref<2x80x128xf32, #tpu.memory_space<vmem>>, vector<1x1x16xf32>,
        %parallel_loop3A_1570 = vector.shape_cast %parallel_loop3A_1569 : vector<1x1x16xf32> to vector<16xf32>
        %parallel_loop3A_1571 = arith.constant 1 : i32
        %parallel_loop3A_1572 = arith.index_cast %parallel_loop3A_1571 : i32 to index
        %parallel_loop3A_1573 = arith.index_cast %parallel_loop3A_1424 : i32 to index
        %parallel_loop3A_1574 = arith.constant 112 : index
        %parallel_loop3A_1575 = tpu.vector_load %arg10[%parallel_loop3A_1572, %parallel_loop3A_1573, %parallel_loop3A_1574] {strides = array<i32>} : memref<2x80x128xf32, #tpu.memory_space<vmem>>, vector<1x1x16xf32>,
        %parallel_loop3A_1576 = vector.shape_cast %parallel_loop3A_1575 : vector<1x1x16xf32> to vector<16xf32>
        %parallel_loop3A_1577 = arith.mulf %parallel_loop3A_1570, %parallel_loop3A_1576 : vector<16xf32>
        %parallel_loop3A_1578 = arith.constant 1 : i32
        %parallel_loop3A_1579 = arith.index_cast %parallel_loop3A_1578 : i32 to index
        %parallel_loop3A_1580 = arith.index_cast %parallel_loop3A_1424 : i32 to index
        %parallel_loop3A_1581 = arith.constant 112 : index
        %parallel_loop3A_1582 = tpu.vector_load %arg9[%parallel_loop3A_1579, %parallel_loop3A_1580, %parallel_loop3A_1581] {strides = array<i32>} : memref<2x80x128xf32, #tpu.memory_space<vmem>>, vector<1x1x16xf32>,
        %parallel_loop3A_1583 = vector.shape_cast %parallel_loop3A_1582 : vector<1x1x16xf32> to vector<16xf32>
        %parallel_loop3A_1584 = vector.shape_cast %parallel_loop3A_1577 : vector<16xf32> to vector<1x1x16xf32>
        tpu.vector_store %arg9[%parallel_loop3A_1579, %parallel_loop3A_1580, %parallel_loop3A_1581], %parallel_loop3A_1584 {strides = array<i32>} : memref<2x80x128xf32, #tpu.memory_space<vmem>>, vector<1x1x16xf32>,
      } {sc.loop_unroll_factor = 4 : i64, sc.parallel_access}
      %dma_start3A_1295 = arith.constant 1 : i32
      %dma_start3A_1296 = arith.constant 1 : i32
      %dma_start3A_1297 = arith.constant 0 : i32
      %dma_start3A_1298 = arith.constant 0 : i32
      %dma_start3A_1299 = tpu.memref_slice %arg9[%dma_start3A_1295, %dma_start3A_1297, %dma_start3A_1298] : memref<2x80x128xf32, #tpu.memory_space<vmem>> -> memref<1x80x128xf32, #tpu.memory_space<vmem>>
      %dma_start3A_1300 = tpu.memref_squeeze %dma_start3A_1299 : memref<1x80x128xf32, #tpu.memory_space<vmem>> -> memref<80x128xf32, #tpu.memory_space<vmem>>
      %dma_start3A_1301 = arith.constant 0 : i32
      %dma_start3A_1302 = tpu.memref_slice %arg7[%dma_start3A_1296, %dma_start3A_1301] : memref<2x80xi32, #tpu.memory_space<vmem>> -> memref<1x80xi32, #tpu.memory_space<vmem>>
      %dma_start3A_1303 = tpu.memref_squeeze %dma_start3A_1302 : memref<1x80xi32, #tpu.memory_space<vmem>> -> memref<80xi32, #tpu.memory_space<vmem>>
      %dma_start3A_1304 = arith.constant 0 : i32
      %dma_start3A_1305 = arith.constant 0 : i32
      %dma_start3A_1306 = tpu.memref_slice %arg12[%dma_start3A_1304, %dma_start3A_1305] : memref<10000x128xf32, #tpu.memory_space<vmem_shared>> -> memref<10000x128xf32, #tpu.memory_space<vmem_shared>>
      tpu.enqueue_indirect_dma source(%dma_start3A_1300 : memref<80x128xf32, #tpu.memory_space<vmem>>) target(%dma_start3A_1306 : memref<10000x128xf32, #tpu.memory_space<vmem_shared>>) offsets(%dma_start3A_1303 : memref<80xi32, #tpu.memory_space<vmem>>) semaphore(%arg22 : memref<!tpu.dma_semaphore, #tpu.memory_space<semaphore_mem>>) {add = true}
      %dma_wait3A_1307 = arith.constant 0 : i32
      %dma_wait3A_1308 = arith.constant 0 : i32
      %dma_wait3A_1309 = arith.constant 0 : i32
      %dma_wait3A_1310 = arith.constant 0 : i32
      %dma_wait3A_1311 = tpu.memref_slice %arg9[%dma_wait3A_1307, %dma_wait3A_1309, %dma_wait3A_1310] : memref<2x80x128xf32, #tpu.memory_space<vmem>> -> memref<1x80x128xf32, #tpu.memory_space<vmem>>
      %dma_wait3A_1312 = tpu.memref_squeeze %dma_wait3A_1311 : memref<1x80x128xf32, #tpu.memory_space<vmem>> -> memref<80x128xf32, #tpu.memory_space<vmem>>
      %dma_wait3A_1313 = arith.constant 0 : i32
      %dma_wait3A_1314 = tpu.memref_slice %arg7[%dma_wait3A_1308, %dma_wait3A_1313] : memref<2x80xi32, #tpu.memory_space<vmem>> -> memref<1x80xi32, #tpu.memory_space<vmem>>
      %dma_wait3A_1315 = tpu.memref_squeeze %dma_wait3A_1314 : memref<1x80xi32, #tpu.memory_space<vmem>> -> memref<80xi32, #tpu.memory_space<vmem>>
      %dma_wait3A_1316 = arith.constant 0 : i32
      %dma_wait3A_1317 = arith.constant 0 : i32
      %dma_wait3A_1318 = tpu.memref_slice %arg12[%dma_wait3A_1316, %dma_wait3A_1317] : memref<10000x128xf32, #tpu.memory_space<vmem_shared>> -> memref<10000x128xf32, #tpu.memory_space<vmem_shared>>
      tpu.wait_indirect_dma semaphore(%arg21 : memref<!tpu.dma_semaphore, #tpu.memory_space<semaphore_mem>>) src(%dma_wait3A_1312 : memref<80x128xf32, #tpu.memory_space<vmem>>) dst(%dma_wait3A_1318 : memref<10000x128xf32, #tpu.memory_space<vmem_shared>>)
      %add3A_1319 = arith.constant 2 : i32
      %add3A_1320 = arith.addi %mul3A_1201, %add3A_1319 : i32
      %mul3A_1321 = arith.constant 80 : i32
      %mul3A_1322 = arith.muli %add3A_1320, %mul3A_1321 : i32
      %add3A_1323 = arith.addi %mul3A_1032, %mul3A_1322 : i32
      %multiple_of3A_1324 = tpu.assume_multiple %add3A_1323, 8 : i32
      %dma_start3A_1325 = arith.constant 0 : i32
      %dma_start3A_1326 = arith.constant 0 : i32
      %dma_start3A_1327 = tpu.memref_slice %arg7[%dma_start3A_1325, %dma_start3A_1326] : memref<2x80xi32, #tpu.memory_space<vmem>> -> memref<1x80xi32, #tpu.memory_space<vmem>>
      %dma_start3A_1328 = tpu.memref_squeeze %dma_start3A_1327 : memref<1x80xi32, #tpu.memory_space<vmem>> -> memref<80xi32, #tpu.memory_space<vmem>>
      %dma_start3A_1329 = tpu.memref_slice %arg4[%multiple_of3A_1324] : memref<320000xi32, #tpu.memory_space<hbm>> -> memref<80xi32, #tpu.memory_space<hbm>>
      %dma_start3A_1330 = arith.constant 0 : i32
      %dma_start3A_1331 = tpu.memref_slice %arg7[%dma_start3A_1325, %dma_start3A_1330] : memref<2x80xi32, #tpu.memory_space<vmem>> -> memref<1x80xi32, #tpu.memory_space<vmem>>
      %dma_start3A_1332 = tpu.memref_squeeze %dma_start3A_1331 : memref<1x80xi32, #tpu.memory_space<vmem>> -> memref<80xi32, #tpu.memory_space<vmem>>
      %dma_start3A_1333 = tpu.memref_slice %arg4[%multiple_of3A_1324] : memref<320000xi32, #tpu.memory_space<hbm>> -> memref<80xi32, #tpu.memory_space<hbm>>
      tpu.enqueue_dma source(%dma_start3A_1333 : memref<80xi32, #tpu.memory_space<hbm>>) target(%dma_start3A_1332 : memref<80xi32, #tpu.memory_space<vmem>>) target_semaphore(%arg13 : memref<!tpu.dma_semaphore, #tpu.memory_space<semaphore_mem>>)
      %dma_start3A_1334 = arith.constant 0 : i32
      %dma_start3A_1335 = arith.constant 0 : i32
      %dma_start3A_1336 = tpu.memref_slice %arg8[%dma_start3A_1334, %dma_start3A_1335] : memref<2x80xi32, #tpu.memory_space<vmem>> -> memref<1x80xi32, #tpu.memory_space<vmem>>
      %dma_start3A_1337 = tpu.memref_squeeze %dma_start3A_1336 : memref<1x80xi32, #tpu.memory_space<vmem>> -> memref<80xi32, #tpu.memory_space<vmem>>
      %dma_start3A_1338 = tpu.memref_slice %arg5[%multiple_of3A_1324] : memref<320000xi32, #tpu.memory_space<hbm>> -> memref<80xi32, #tpu.memory_space<hbm>>
      %dma_start3A_1339 = arith.constant 0 : i32
      %dma_start3A_1340 = tpu.memref_slice %arg8[%dma_start3A_1334, %dma_start3A_1339] : memref<2x80xi32, #tpu.memory_space<vmem>> -> memref<1x80xi32, #tpu.memory_space<vmem>>
      %dma_start3A_1341 = tpu.memref_squeeze %dma_start3A_1340 : memref<1x80xi32, #tpu.memory_space<vmem>> -> memref<80xi32, #tpu.memory_space<vmem>>
      %dma_start3A_1342 = tpu.memref_slice %arg5[%multiple_of3A_1324] : memref<320000xi32, #tpu.memory_space<hbm>> -> memref<80xi32, #tpu.memory_space<hbm>>
      tpu.enqueue_dma source(%dma_start3A_1342 : memref<80xi32, #tpu.memory_space<hbm>>) target(%dma_start3A_1341 : memref<80xi32, #tpu.memory_space<vmem>>) target_semaphore(%arg15 : memref<!tpu.dma_semaphore, #tpu.memory_space<semaphore_mem>>)
      %dma_start3A_1343 = arith.constant 0 : i32
      %dma_start3A_1344 = arith.constant 0 : i32
      %dma_start3A_1345 = arith.constant 0 : i32
      %dma_start3A_1346 = tpu.memref_slice %arg9[%dma_start3A_1343, %dma_start3A_1344, %dma_start3A_1345] : memref<2x80x128xf32, #tpu.memory_space<vmem>> -> memref<1x80x128xf32, #tpu.memory_space<vmem>>
      %dma_start3A_1347 = tpu.memref_squeeze %dma_start3A_1346 : memref<1x80x128xf32, #tpu.memory_space<vmem>> -> memref<80x128xf32, #tpu.memory_space<vmem>>
      %dma_start3A_1348 = arith.constant 0 : i32
      %dma_start3A_1349 = tpu.memref_slice %arg2[%multiple_of3A_1324, %dma_start3A_1348] : memref<320000x128xf32, #tpu.memory_space<hbm>> -> memref<80x128xf32, #tpu.memory_space<hbm>>
      %dma_start3A_1350 = arith.constant 0 : i32
      %dma_start3A_1351 = arith.constant 0 : i32
      %dma_start3A_1352 = tpu.memref_slice %arg9[%dma_start3A_1343, %dma_start3A_1350, %dma_start3A_1351] : memref<2x80x128xf32, #tpu.memory_space<vmem>> -> memref<1x80x128xf32, #tpu.memory_space<vmem>>
      %dma_start3A_1353 = tpu.memref_squeeze %dma_start3A_1352 : memref<1x80x128xf32, #tpu.memory_space<vmem>> -> memref<80x128xf32, #tpu.memory_space<vmem>>
      %dma_start3A_1354 = arith.constant 0 : i32
      %dma_start3A_1355 = tpu.memref_slice %arg2[%multiple_of3A_1324, %dma_start3A_1354] : memref<320000x128xf32, #tpu.memory_space<hbm>> -> memref<80x128xf32, #tpu.memory_space<hbm>>
      tpu.enqueue_dma source(%dma_start3A_1355 : memref<80x128xf32, #tpu.memory_space<hbm>>) target(%dma_start3A_1353 : memref<80x128xf32, #tpu.memory_space<vmem>>) target_semaphore(%arg17 : memref<!tpu.dma_semaphore, #tpu.memory_space<semaphore_mem>>)
      %dma_wait3A_1356 = arith.constant 1 : i32
      %dma_wait3A_1357 = arith.constant 1 : i32
      %dma_wait3A_1358 = arith.constant 0 : i32
      %dma_wait3A_1359 = arith.constant 0 : i32
      %dma_wait3A_1360 = tpu.memref_slice %arg9[%dma_wait3A_1356, %dma_wait3A_1358, %dma_wait3A_1359] : memref<2x80x128xf32, #tpu.memory_space<vmem>> -> memref<1x80x128xf32, #tpu.memory_space<vmem>>
      %dma_wait3A_1361 = tpu.memref_squeeze %dma_wait3A_1360 : memref<1x80x128xf32, #tpu.memory_space<vmem>> -> memref<80x128xf32, #tpu.memory_space<vmem>>
      %dma_wait3A_1362 = arith.constant 0 : i32
      %dma_wait3A_1363 = tpu.memref_slice %arg7[%dma_wait3A_1357, %dma_wait3A_1362] : memref<2x80xi32, #tpu.memory_space<vmem>> -> memref<1x80xi32, #tpu.memory_space<vmem>>
      %dma_wait3A_1364 = tpu.memref_squeeze %dma_wait3A_1363 : memref<1x80xi32, #tpu.memory_space<vmem>> -> memref<80xi32, #tpu.memory_space<vmem>>
      %dma_wait3A_1365 = arith.constant 0 : i32
      %dma_wait3A_1366 = arith.constant 0 : i32
      %dma_wait3A_1367 = tpu.memref_slice %arg12[%dma_wait3A_1365, %dma_wait3A_1366] : memref<10000x128xf32, #tpu.memory_space<vmem_shared>> -> memref<10000x128xf32, #tpu.memory_space<vmem_shared>>
      tpu.wait_indirect_dma semaphore(%arg22 : memref<!tpu.dma_semaphore, #tpu.memory_space<semaphore_mem>>) src(%dma_wait3A_1361 : memref<80x128xf32, #tpu.memory_space<vmem>>) dst(%dma_wait3A_1367 : memref<10000x128xf32, #tpu.memory_space<vmem_shared>>)
      %add3A_1368 = arith.constant 2 : i32
      %add3A_1369 = arith.addi %add3A_1205, %add3A_1368 : i32
      %lt3A = arith.constant 125 : i32
      %lt3A_1370 = arith.cmpi slt, %add3A_1369, %lt3A : i32
      %convert_element_type3A_1371 = arith.extui %lt3A_1370 : i1 to i32
      %cond3A_1372 = arith.constant 0 : i32
      %cond3A_1373 = arith.cmpi ne, %convert_element_type3A_1371, %cond3A_1372 : i32
      scf.if %cond3A_1373 {
        %add3A_1424 = arith.constant 2 : i32
        %add3A_1425 = arith.addi %add3A_1205, %add3A_1424 : i32
        %mul3A_1426 = arith.constant 80 : i32
        %mul3A_1427 = arith.muli %add3A_1425, %mul3A_1426 : i32
        %add3A_1428 = arith.addi %mul3A_1032, %mul3A_1427 : i32
        %multiple_of3A_1429 = tpu.assume_multiple %add3A_1428, 8 : i32
        %dma_start3A_1430 = arith.constant 1 : i32
        %dma_start3A_1431 = arith.constant 0 : i32
        %dma_start3A_1432 = tpu.memref_slice %arg7[%dma_start3A_1430, %dma_start3A_1431] : memref<2x80xi32, #tpu.memory_space<vmem>> -> memref<1x80xi32, #tpu.memory_space<vmem>>
        %dma_start3A_1433 = tpu.memref_squeeze %dma_start3A_1432 : memref<1x80xi32, #tpu.memory_space<vmem>> -> memref<80xi32, #tpu.memory_space<vmem>>
        %dma_start3A_1434 = tpu.memref_slice %arg4[%multiple_of3A_1429] : memref<320000xi32, #tpu.memory_space<hbm>> -> memref<80xi32, #tpu.memory_space<hbm>>
        %dma_start3A_1435 = arith.constant 0 : i32
        %dma_start3A_1436 = tpu.memref_slice %arg7[%dma_start3A_1430, %dma_start3A_1435] : memref<2x80xi32, #tpu.memory_space<vmem>> -> memref<1x80xi32, #tpu.memory_space<vmem>>
        %dma_start3A_1437 = tpu.memref_squeeze %dma_start3A_1436 : memref<1x80xi32, #tpu.memory_space<vmem>> -> memref<80xi32, #tpu.memory_space<vmem>>
        %dma_start3A_1438 = tpu.memref_slice %arg4[%multiple_of3A_1429] : memref<320000xi32, #tpu.memory_space<hbm>> -> memref<80xi32, #tpu.memory_space<hbm>>
        tpu.enqueue_dma source(%dma_start3A_1438 : memref<80xi32, #tpu.memory_space<hbm>>) target(%dma_start3A_1437 : memref<80xi32, #tpu.memory_space<vmem>>) target_semaphore(%arg14 : memref<!tpu.dma_semaphore, #tpu.memory_space<semaphore_mem>>)
        %dma_start3A_1439 = arith.constant 1 : i32
        %dma_start3A_1440 = arith.constant 0 : i32
        %dma_start3A_1441 = tpu.memref_slice %arg8[%dma_start3A_1439, %dma_start3A_1440] : memref<2x80xi32, #tpu.memory_space<vmem>> -> memref<1x80xi32, #tpu.memory_space<vmem>>
        %dma_start3A_1442 = tpu.memref_squeeze %dma_start3A_1441 : memref<1x80xi32, #tpu.memory_space<vmem>> -> memref<80xi32, #tpu.memory_space<vmem>>
        %dma_start3A_1443 = tpu.memref_slice %arg5[%multiple_of3A_1429] : memref<320000xi32, #tpu.memory_space<hbm>> -> memref<80xi32, #tpu.memory_space<hbm>>
        %dma_start3A_1444 = arith.constant 0 : i32
        %dma_start3A_1445 = tpu.memref_slice %arg8[%dma_start3A_1439, %dma_start3A_1444] : memref<2x80xi32, #tpu.memory_space<vmem>> -> memref<1x80xi32, #tpu.memory_space<vmem>>
        %dma_start3A_1446 = tpu.memref_squeeze %dma_start3A_1445 : memref<1x80xi32, #tpu.memory_space<vmem>> -> memref<80xi32, #tpu.memory_space<vmem>>
        %dma_start3A_1447 = tpu.memref_slice %arg5[%multiple_of3A_1429] : memref<320000xi32, #tpu.memory_space<hbm>> -> memref<80xi32, #tpu.memory_space<hbm>>
        tpu.enqueue_dma source(%dma_start3A_1447 : memref<80xi32, #tpu.memory_space<hbm>>) target(%dma_start3A_1446 : memref<80xi32, #tpu.memory_space<vmem>>) target_semaphore(%arg16 : memref<!tpu.dma_semaphore, #tpu.memory_space<semaphore_mem>>)
        %dma_start3A_1448 = arith.constant 1 : i32
        %dma_start3A_1449 = arith.constant 0 : i32
        %dma_start3A_1450 = arith.constant 0 : i32
        %dma_start3A_1451 = tpu.memref_slice %arg9[%dma_start3A_1448, %dma_start3A_1449, %dma_start3A_1450] : memref<2x80x128xf32, #tpu.memory_space<vmem>> -> memref<1x80x128xf32, #tpu.memory_space<vmem>>
        %dma_start3A_1452 = tpu.memref_squeeze %dma_start3A_1451 : memref<1x80x128xf32, #tpu.memory_space<vmem>> -> memref<80x128xf32, #tpu.memory_space<vmem>>
        %dma_start3A_1453 = arith.constant 0 : i32
        %dma_start3A_1454 = tpu.memref_slice %arg2[%multiple_of3A_1429, %dma_start3A_1453] : memref<320000x128xf32, #tpu.memory_space<hbm>> -> memref<80x128xf32, #tpu.memory_space<hbm>>
        %dma_start3A_1455 = arith.constant 0 : i32
        %dma_start3A_1456 = arith.constant 0 : i32
        %dma_start3A_1457 = tpu.memref_slice %arg9[%dma_start3A_1448, %dma_start3A_1455, %dma_start3A_1456] : memref<2x80x128xf32, #tpu.memory_space<vmem>> -> memref<1x80x128xf32, #tpu.memory_space<vmem>>
        %dma_start3A_1458 = tpu.memref_squeeze %dma_start3A_1457 : memref<1x80x128xf32, #tpu.memory_space<vmem>> -> memref<80x128xf32, #tpu.memory_space<vmem>>
        %dma_start3A_1459 = arith.constant 0 : i32
        %dma_start3A_1460 = tpu.memref_slice %arg2[%multiple_of3A_1429, %dma_start3A_1459] : memref<320000x128xf32, #tpu.memory_space<hbm>> -> memref<80x128xf32, #tpu.memory_space<hbm>>
        tpu.enqueue_dma source(%dma_start3A_1460 : memref<80x128xf32, #tpu.memory_space<hbm>>) target(%dma_start3A_1458 : memref<80x128xf32, #tpu.memory_space<vmem>>) target_semaphore(%arg18 : memref<!tpu.dma_semaphore, #tpu.memory_space<semaphore_mem>>)
      } else {
      }
      %add3A_1374 = arith.constant 2 : i32
      %add3A_1375 = arith.addi %mul3A_1201, %add3A_1374 : i32
      %mul3A_1376 = arith.constant 80 : i32
      %mul3A_1377 = arith.muli %add3A_1375, %mul3A_1376 : i32
      %add3A_1378 = arith.addi %mul3A_1032, %mul3A_1377 : i32
      %multiple_of3A_1379 = tpu.assume_multiple %add3A_1378, 8 : i32
      %dma_wait3A_1380 = arith.constant 0 : i32
      %dma_wait3A_1381 = arith.constant 0 : i32
      %dma_wait3A_1382 = tpu.memref_slice %arg7[%dma_wait3A_1380, %dma_wait3A_1381] : memref<2x80xi32, #tpu.memory_space<vmem>> -> memref<1x80xi32, #tpu.memory_space<vmem>>
      %dma_wait3A_1383 = tpu.memref_squeeze %dma_wait3A_1382 : memref<1x80xi32, #tpu.memory_space<vmem>> -> memref<80xi32, #tpu.memory_space<vmem>>
      %dma_wait3A_1384 = tpu.memref_slice %arg4[%multiple_of3A_1379] : memref<320000xi32, #tpu.memory_space<hbm>> -> memref<80xi32, #tpu.memory_space<hbm>>
      %dma_wait3A_1385 = arith.constant 0 : i32
      %dma_wait3A_1386 = tpu.memref_slice %arg7[%dma_wait3A_1380, %dma_wait3A_1385] : memref<2x80xi32, #tpu.memory_space<vmem>> -> memref<1x80xi32, #tpu.memory_space<vmem>>
      %dma_wait3A_1387 = tpu.memref_squeeze %dma_wait3A_1386 : memref<1x80xi32, #tpu.memory_space<vmem>> -> memref<80xi32, #tpu.memory_space<vmem>>
      %dma_wait3A_1388 = tpu.memref_slice %arg4[%multiple_of3A_1379] : memref<320000xi32, #tpu.memory_space<hbm>> -> memref<80xi32, #tpu.memory_space<hbm>>
      tpu.wait_dma2 semaphore(%arg13 : memref<!tpu.dma_semaphore, #tpu.memory_space<semaphore_mem>>) src(%dma_wait3A_1388 : memref<80xi32, #tpu.memory_space<hbm>>) dst(%dma_wait3A_1387 : memref<80xi32, #tpu.memory_space<vmem>>)
      %dma_wait3A_1389 = arith.constant 0 : i32
      %dma_wait3A_1390 = arith.constant 0 : i32
      %dma_wait3A_1391 = tpu.memref_slice %arg8[%dma_wait3A_1389, %dma_wait3A_1390] : memref<2x80xi32, #tpu.memory_space<vmem>> -> memref<1x80xi32, #tpu.memory_space<vmem>>
      %dma_wait3A_1392 = tpu.memref_squeeze %dma_wait3A_1391 : memref<1x80xi32, #tpu.memory_space<vmem>> -> memref<80xi32, #tpu.memory_space<vmem>>
      %dma_wait3A_1393 = tpu.memref_slice %arg5[%multiple_of3A_1379] : memref<320000xi32, #tpu.memory_space<hbm>> -> memref<80xi32, #tpu.memory_space<hbm>>
      %dma_wait3A_1394 = arith.constant 0 : i32
      %dma_wait3A_1395 = tpu.memref_slice %arg8[%dma_wait3A_1389, %dma_wait3A_1394] : memref<2x80xi32, #tpu.memory_space<vmem>> -> memref<1x80xi32, #tpu.memory_space<vmem>>
      %dma_wait3A_1396 = tpu.memref_squeeze %dma_wait3A_1395 : memref<1x80xi32, #tpu.memory_space<vmem>> -> memref<80xi32, #tpu.memory_space<vmem>>
      %dma_wait3A_1397 = tpu.memref_slice %arg5[%multiple_of3A_1379] : memref<320000xi32, #tpu.memory_space<hbm>> -> memref<80xi32, #tpu.memory_space<hbm>>
      tpu.wait_dma2 semaphore(%arg15 : memref<!tpu.dma_semaphore, #tpu.memory_space<semaphore_mem>>) src(%dma_wait3A_1397 : memref<80xi32, #tpu.memory_space<hbm>>) dst(%dma_wait3A_1396 : memref<80xi32, #tpu.memory_space<vmem>>)
      %dma_wait3A_1398 = arith.constant 0 : i32
      %dma_wait3A_1399 = arith.constant 0 : i32
      %dma_wait3A_1400 = arith.constant 0 : i32
      %dma_wait3A_1401 = tpu.memref_slice %arg9[%dma_wait3A_1398, %dma_wait3A_1399, %dma_wait3A_1400] : memref<2x80x128xf32, #tpu.memory_space<vmem>> -> memref<1x80x128xf32, #tpu.memory_space<vmem>>
      %dma_wait3A_1402 = tpu.memref_squeeze %dma_wait3A_1401 : memref<1x80x128xf32, #tpu.memory_space<vmem>> -> memref<80x128xf32, #tpu.memory_space<vmem>>
      %dma_wait3A_1403 = arith.constant 0 : i32
      %dma_wait3A_1404 = tpu.memref_slice %arg2[%multiple_of3A_1379, %dma_wait3A_1403] : memref<320000x128xf32, #tpu.memory_space<hbm>> -> memref<80x128xf32, #tpu.memory_space<hbm>>
      %dma_wait3A_1405 = arith.constant 0 : i32
      %dma_wait3A_1406 = arith.constant 0 : i32
      %dma_wait3A_1407 = tpu.memref_slice %arg9[%dma_wait3A_1398, %dma_wait3A_1405, %dma_wait3A_1406] : memref<2x80x128xf32, #tpu.memory_space<vmem>> -> memref<1x80x128xf32, #tpu.memory_space<vmem>>
      %dma_wait3A_1408 = tpu.memref_squeeze %dma_wait3A_1407 : memref<1x80x128xf32, #tpu.memory_space<vmem>> -> memref<80x128xf32, #tpu.memory_space<vmem>>
      %dma_wait3A_1409 = arith.constant 0 : i32
      %dma_wait3A_1410 = tpu.memref_slice %arg2[%multiple_of3A_1379, %dma_wait3A_1409] : memref<320000x128xf32, #tpu.memory_space<hbm>> -> memref<80x128xf32, #tpu.memory_space<hbm>>
      tpu.wait_dma2 semaphore(%arg17 : memref<!tpu.dma_semaphore, #tpu.memory_space<semaphore_mem>>) src(%dma_wait3A_1410 : memref<80x128xf32, #tpu.memory_space<hbm>>) dst(%dma_wait3A_1408 : memref<80x128xf32, #tpu.memory_space<vmem>>)
      %dma_start3A_1411 = arith.constant 0 : i32
      %dma_start3A_1412 = arith.constant 0 : i32
      %dma_start3A_1413 = arith.constant 0 : i32
      %dma_start3A_1414 = arith.constant 0 : i32
      %dma_start3A_1415 = tpu.memref_slice %arg10[%dma_start3A_1412, %dma_start3A_1413, %dma_start3A_1414] : memref<2x80x128xf32, #tpu.memory_space<vmem>> -> memref<1x80x128xf32, #tpu.memory_space<vmem>>
      %dma_start3A_1416 = tpu.memref_squeeze %dma_start3A_1415 : memref<1x80x128xf32, #tpu.memory_space<vmem>> -> memref<80x128xf32, #tpu.memory_space<vmem>>
      %dma_start3A_1417 = arith.constant 0 : i32
      %dma_start3A_1418 = tpu.memref_slice %arg8[%dma_start3A_1411, %dma_start3A_1417] : memref<2x80xi32, #tpu.memory_space<vmem>> -> memref<1x80xi32, #tpu.memory_space<vmem>>
      %dma_start3A_1419 = tpu.memref_squeeze %dma_start3A_1418 : memref<1x80xi32, #tpu.memory_space<vmem>> -> memref<80xi32, #tpu.memory_space<vmem>>
      %dma_start3A_1420 = arith.constant 0 : i32
      %dma_start3A_1421 = arith.constant 0 : i32
      %dma_start3A_1422 = tpu.memref_slice %arg3[%dma_start3A_1420, %dma_start3A_1421] : memref<10000x128xf32, #tpu.memory_space<hbm>> -> memref<10000x128xf32, #tpu.memory_space<hbm>>
      tpu.enqueue_indirect_dma source(%dma_start3A_1422 : memref<10000x128xf32, #tpu.memory_space<hbm>>) target(%dma_start3A_1416 : memref<80x128xf32, #tpu.memory_space<vmem>>) offsets(%dma_start3A_1419 : memref<80xi32, #tpu.memory_space<vmem>>) semaphore(%arg19 : memref<!tpu.dma_semaphore, #tpu.memory_space<semaphore_mem>>)
      %scan3A_1423 = arith.constant 0 : i32
      scf.yield %scan3A_1423 : i32
    }
    %scan3A_1150 = arith.constant 62 : i32
    %dma_wait3A_1151 = arith.constant 0 : i32
    %dma_wait3A_1152 = arith.constant 0 : i32
    %dma_wait3A_1153 = arith.constant 0 : i32
    %dma_wait3A_1154 = arith.constant 0 : i32
    %dma_wait3A_1155 = tpu.memref_slice %arg10[%dma_wait3A_1152, %dma_wait3A_1153, %dma_wait3A_1154] : memref<2x80x128xf32, #tpu.memory_space<vmem>> -> memref<1x80x128xf32, #tpu.memory_space<vmem>>
    %dma_wait3A_1156 = tpu.memref_squeeze %dma_wait3A_1155 : memref<1x80x128xf32, #tpu.memory_space<vmem>> -> memref<80x128xf32, #tpu.memory_space<vmem>>
    %dma_wait3A_1157 = arith.constant 0 : i32
    %dma_wait3A_1158 = tpu.memref_slice %arg8[%dma_wait3A_1151, %dma_wait3A_1157] : memref<2x80xi32, #tpu.memory_space<vmem>> -> memref<1x80xi32, #tpu.memory_space<vmem>>
    %dma_wait3A_1159 = tpu.memref_squeeze %dma_wait3A_1158 : memref<1x80xi32, #tpu.memory_space<vmem>> -> memref<80xi32, #tpu.memory_space<vmem>>
    %dma_wait3A_1160 = arith.constant 0 : i32
    %dma_wait3A_1161 = arith.constant 0 : i32
    %dma_wait3A_1162 = tpu.memref_slice %arg3[%dma_wait3A_1160, %dma_wait3A_1161] : memref<10000x128xf32, #tpu.memory_space<hbm>> -> memref<10000x128xf32, #tpu.memory_space<hbm>>
    tpu.wait_indirect_dma semaphore(%arg19 : memref<!tpu.dma_semaphore, #tpu.memory_space<semaphore_mem>>) src(%dma_wait3A_1162 : memref<10000x128xf32, #tpu.memory_space<hbm>>) dst(%dma_wait3A_1156 : memref<80x128xf32, #tpu.memory_space<vmem>>)
    %parallel_loop3A = arith.constant 0 : i32
    %parallel_loop3A_1163 = arith.constant 80 : i32
    %parallel_loop3A_1164 = arith.constant 1 : i32
    scf.for %parallel_loop3A_1198 = %parallel_loop3A to %parallel_loop3A_1163 step %parallel_loop3A_1164  : i32 {
      %parallel_loop3A_1199 = arith.constant 0 : i32
      %parallel_loop3A_1200 = arith.index_cast %parallel_loop3A_1199 : i32 to index
      %parallel_loop3A_1201 = arith.index_cast %parallel_loop3A_1198 : i32 to index
      %parallel_loop3A_1202 = arith.constant 0 : index
      %parallel_loop3A_1203 = tpu.vector_load %arg9[%parallel_loop3A_1200, %parallel_loop3A_1201, %parallel_loop3A_1202] {strides = array<i32>} : memref<2x80x128xf32, #tpu.memory_space<vmem>>, vector<1x1x16xf32>,
      %parallel_loop3A_1204 = vector.shape_cast %parallel_loop3A_1203 : vector<1x1x16xf32> to vector<16xf32>
      %parallel_loop3A_1205 = arith.constant 0 : i32
      %parallel_loop3A_1206 = arith.index_cast %parallel_loop3A_1205 : i32 to index
      %parallel_loop3A_1207 = arith.index_cast %parallel_loop3A_1198 : i32 to index
      %parallel_loop3A_1208 = arith.constant 0 : index
      %parallel_loop3A_1209 = tpu.vector_load %arg10[%parallel_loop3A_1206, %parallel_loop3A_1207, %parallel_loop3A_1208] {strides = array<i32>} : memref<2x80x128xf32, #tpu.memory_space<vmem>>, vector<1x1x16xf32>,
      %parallel_loop3A_1210 = vector.shape_cast %parallel_loop3A_1209 : vector<1x1x16xf32> to vector<16xf32>
      %parallel_loop3A_1211 = arith.mulf %parallel_loop3A_1204, %parallel_loop3A_1210 : vector<16xf32>
      %parallel_loop3A_1212 = arith.constant 0 : i32
      %parallel_loop3A_1213 = arith.index_cast %parallel_loop3A_1212 : i32 to index
      %parallel_loop3A_1214 = arith.index_cast %parallel_loop3A_1198 : i32 to index
      %parallel_loop3A_1215 = arith.constant 0 : index
      %parallel_loop3A_1216 = tpu.vector_load %arg9[%parallel_loop3A_1213, %parallel_loop3A_1214, %parallel_loop3A_1215] {strides = array<i32>} : memref<2x80x128xf32, #tpu.memory_space<vmem>>, vector<1x1x16xf32>,
      %parallel_loop3A_1217 = vector.shape_cast %parallel_loop3A_1216 : vector<1x1x16xf32> to vector<16xf32>
      %parallel_loop3A_1218 = vector.shape_cast %parallel_loop3A_1211 : vector<16xf32> to vector<1x1x16xf32>
      tpu.vector_store %arg9[%parallel_loop3A_1213, %parallel_loop3A_1214, %parallel_loop3A_1215], %parallel_loop3A_1218 {strides = array<i32>} : memref<2x80x128xf32, #tpu.memory_space<vmem>>, vector<1x1x16xf32>,
      %parallel_loop3A_1219 = arith.constant 0 : i32
      %parallel_loop3A_1220 = arith.index_cast %parallel_loop3A_1219 : i32 to index
      %parallel_loop3A_1221 = arith.index_cast %parallel_loop3A_1198 : i32 to index
      %parallel_loop3A_1222 = arith.constant 16 : index
      %parallel_loop3A_1223 = tpu.vector_load %arg9[%parallel_loop3A_1220, %parallel_loop3A_1221, %parallel_loop3A_1222] {strides = array<i32>} : memref<2x80x128xf32, #tpu.memory_space<vmem>>, vector<1x1x16xf32>,
      %parallel_loop3A_1224 = vector.shape_cast %parallel_loop3A_1223 : vector<1x1x16xf32> to vector<16xf32>
      %parallel_loop3A_1225 = arith.constant 0 : i32
      %parallel_loop3A_1226 = arith.index_cast %parallel_loop3A_1225 : i32 to index
      %parallel_loop3A_1227 = arith.index_cast %parallel_loop3A_1198 : i32 to index
      %parallel_loop3A_1228 = arith.constant 16 : index
      %parallel_loop3A_1229 = tpu.vector_load %arg10[%parallel_loop3A_1226, %parallel_loop3A_1227, %parallel_loop3A_1228] {strides = array<i32>} : memref<2x80x128xf32, #tpu.memory_space<vmem>>, vector<1x1x16xf32>,
      %parallel_loop3A_1230 = vector.shape_cast %parallel_loop3A_1229 : vector<1x1x16xf32> to vector<16xf32>
      %parallel_loop3A_1231 = arith.mulf %parallel_loop3A_1224, %parallel_loop3A_1230 : vector<16xf32>
      %parallel_loop3A_1232 = arith.constant 0 : i32
      %parallel_loop3A_1233 = arith.index_cast %parallel_loop3A_1232 : i32 to index
      %parallel_loop3A_1234 = arith.index_cast %parallel_loop3A_1198 : i32 to index
      %parallel_loop3A_1235 = arith.constant 16 : index
      %parallel_loop3A_1236 = tpu.vector_load %arg9[%parallel_loop3A_1233, %parallel_loop3A_1234, %parallel_loop3A_1235] {strides = array<i32>} : memref<2x80x128xf32, #tpu.memory_space<vmem>>, vector<1x1x16xf32>,
      %parallel_loop3A_1237 = vector.shape_cast %parallel_loop3A_1236 : vector<1x1x16xf32> to vector<16xf32>
      %parallel_loop3A_1238 = vector.shape_cast %parallel_loop3A_1231 : vector<16xf32> to vector<1x1x16xf32>
      tpu.vector_store %arg9[%parallel_loop3A_1233, %parallel_loop3A_1234, %parallel_loop3A_1235], %parallel_loop3A_1238 {strides = array<i32>} : memref<2x80x128xf32, #tpu.memory_space<vmem>>, vector<1x1x16xf32>,
      %parallel_loop3A_1239 = arith.constant 0 : i32
      %parallel_loop3A_1240 = arith.index_cast %parallel_loop3A_1239 : i32 to index
      %parallel_loop3A_1241 = arith.index_cast %parallel_loop3A_1198 : i32 to index
      %parallel_loop3A_1242 = arith.constant 32 : index
      %parallel_loop3A_1243 = tpu.vector_load %arg9[%parallel_loop3A_1240, %parallel_loop3A_1241, %parallel_loop3A_1242] {strides = array<i32>} : memref<2x80x128xf32, #tpu.memory_space<vmem>>, vector<1x1x16xf32>,
      %parallel_loop3A_1244 = vector.shape_cast %parallel_loop3A_1243 : vector<1x1x16xf32> to vector<16xf32>
      %parallel_loop3A_1245 = arith.constant 0 : i32
      %parallel_loop3A_1246 = arith.index_cast %parallel_loop3A_1245 : i32 to index
      %parallel_loop3A_1247 = arith.index_cast %parallel_loop3A_1198 : i32 to index
      %parallel_loop3A_1248 = arith.constant 32 : index
      %parallel_loop3A_1249 = tpu.vector_load %arg10[%parallel_loop3A_1246, %parallel_loop3A_1247, %parallel_loop3A_1248] {strides = array<i32>} : memref<2x80x128xf32, #tpu.memory_space<vmem>>, vector<1x1x16xf32>,
      %parallel_loop3A_1250 = vector.shape_cast %parallel_loop3A_1249 : vector<1x1x16xf32> to vector<16xf32>
      %parallel_loop3A_1251 = arith.mulf %parallel_loop3A_1244, %parallel_loop3A_1250 : vector<16xf32>
      %parallel_loop3A_1252 = arith.constant 0 : i32
      %parallel_loop3A_1253 = arith.index_cast %parallel_loop3A_1252 : i32 to index
      %parallel_loop3A_1254 = arith.index_cast %parallel_loop3A_1198 : i32 to index
      %parallel_loop3A_1255 = arith.constant 32 : index
      %parallel_loop3A_1256 = tpu.vector_load %arg9[%parallel_loop3A_1253, %parallel_loop3A_1254, %parallel_loop3A_1255] {strides = array<i32>} : memref<2x80x128xf32, #tpu.memory_space<vmem>>, vector<1x1x16xf32>,
      %parallel_loop3A_1257 = vector.shape_cast %parallel_loop3A_1256 : vector<1x1x16xf32> to vector<16xf32>
      %parallel_loop3A_1258 = vector.shape_cast %parallel_loop3A_1251 : vector<16xf32> to vector<1x1x16xf32>
      tpu.vector_store %arg9[%parallel_loop3A_1253, %parallel_loop3A_1254, %parallel_loop3A_1255], %parallel_loop3A_1258 {strides = array<i32>} : memref<2x80x128xf32, #tpu.memory_space<vmem>>, vector<1x1x16xf32>,
      %parallel_loop3A_1259 = arith.constant 0 : i32
      %parallel_loop3A_1260 = arith.index_cast %parallel_loop3A_1259 : i32 to index
      %parallel_loop3A_1261 = arith.index_cast %parallel_loop3A_1198 : i32 to index
      %parallel_loop3A_1262 = arith.constant 48 : index
      %parallel_loop3A_1263 = tpu.vector_load %arg9[%parallel_loop3A_1260, %parallel_loop3A_1261, %parallel_loop3A_1262] {strides = array<i32>} : memref<2x80x128xf32, #tpu.memory_space<vmem>>, vector<1x1x16xf32>,
      %parallel_loop3A_1264 = vector.shape_cast %parallel_loop3A_1263 : vector<1x1x16xf32> to vector<16xf32>
      %parallel_loop3A_1265 = arith.constant 0 : i32
      %parallel_loop3A_1266 = arith.index_cast %parallel_loop3A_1265 : i32 to index
      %parallel_loop3A_1267 = arith.index_cast %parallel_loop3A_1198 : i32 to index
      %parallel_loop3A_1268 = arith.constant 48 : index
      %parallel_loop3A_1269 = tpu.vector_load %arg10[%parallel_loop3A_1266, %parallel_loop3A_1267, %parallel_loop3A_1268] {strides = array<i32>} : memref<2x80x128xf32, #tpu.memory_space<vmem>>, vector<1x1x16xf32>,
      %parallel_loop3A_1270 = vector.shape_cast %parallel_loop3A_1269 : vector<1x1x16xf32> to vector<16xf32>
      %parallel_loop3A_1271 = arith.mulf %parallel_loop3A_1264, %parallel_loop3A_1270 : vector<16xf32>
      %parallel_loop3A_1272 = arith.constant 0 : i32
      %parallel_loop3A_1273 = arith.index_cast %parallel_loop3A_1272 : i32 to index
      %parallel_loop3A_1274 = arith.index_cast %parallel_loop3A_1198 : i32 to index
      %parallel_loop3A_1275 = arith.constant 48 : index
      %parallel_loop3A_1276 = tpu.vector_load %arg9[%parallel_loop3A_1273, %parallel_loop3A_1274, %parallel_loop3A_1275] {strides = array<i32>} : memref<2x80x128xf32, #tpu.memory_space<vmem>>, vector<1x1x16xf32>,
      %parallel_loop3A_1277 = vector.shape_cast %parallel_loop3A_1276 : vector<1x1x16xf32> to vector<16xf32>
      %parallel_loop3A_1278 = vector.shape_cast %parallel_loop3A_1271 : vector<16xf32> to vector<1x1x16xf32>
      tpu.vector_store %arg9[%parallel_loop3A_1273, %parallel_loop3A_1274, %parallel_loop3A_1275], %parallel_loop3A_1278 {strides = array<i32>} : memref<2x80x128xf32, #tpu.memory_space<vmem>>, vector<1x1x16xf32>,
      %parallel_loop3A_1279 = arith.constant 0 : i32
      %parallel_loop3A_1280 = arith.index_cast %parallel_loop3A_1279 : i32 to index
      %parallel_loop3A_1281 = arith.index_cast %parallel_loop3A_1198 : i32 to index
      %parallel_loop3A_1282 = arith.constant 64 : index
      %parallel_loop3A_1283 = tpu.vector_load %arg9[%parallel_loop3A_1280, %parallel_loop3A_1281, %parallel_loop3A_1282] {strides = array<i32>} : memref<2x80x128xf32, #tpu.memory_space<vmem>>, vector<1x1x16xf32>,
      %parallel_loop3A_1284 = vector.shape_cast %parallel_loop3A_1283 : vector<1x1x16xf32> to vector<16xf32>
      %parallel_loop3A_1285 = arith.constant 0 : i32
      %parallel_loop3A_1286 = arith.index_cast %parallel_loop3A_1285 : i32 to index
      %parallel_loop3A_1287 = arith.index_cast %parallel_loop3A_1198 : i32 to index
      %parallel_loop3A_1288 = arith.constant 64 : index
      %parallel_loop3A_1289 = tpu.vector_load %arg10[%parallel_loop3A_1286, %parallel_loop3A_1287, %parallel_loop3A_1288] {strides = array<i32>} : memref<2x80x128xf32, #tpu.memory_space<vmem>>, vector<1x1x16xf32>,
      %parallel_loop3A_1290 = vector.shape_cast %parallel_loop3A_1289 : vector<1x1x16xf32> to vector<16xf32>
      %parallel_loop3A_1291 = arith.mulf %parallel_loop3A_1284, %parallel_loop3A_1290 : vector<16xf32>
      %parallel_loop3A_1292 = arith.constant 0 : i32
      %parallel_loop3A_1293 = arith.index_cast %parallel_loop3A_1292 : i32 to index
      %parallel_loop3A_1294 = arith.index_cast %parallel_loop3A_1198 : i32 to index
      %parallel_loop3A_1295 = arith.constant 64 : index
      %parallel_loop3A_1296 = tpu.vector_load %arg9[%parallel_loop3A_1293, %parallel_loop3A_1294, %parallel_loop3A_1295] {strides = array<i32>} : memref<2x80x128xf32, #tpu.memory_space<vmem>>, vector<1x1x16xf32>,
      %parallel_loop3A_1297 = vector.shape_cast %parallel_loop3A_1296 : vector<1x1x16xf32> to vector<16xf32>
      %parallel_loop3A_1298 = vector.shape_cast %parallel_loop3A_1291 : vector<16xf32> to vector<1x1x16xf32>
      tpu.vector_store %arg9[%parallel_loop3A_1293, %parallel_loop3A_1294, %parallel_loop3A_1295], %parallel_loop3A_1298 {strides = array<i32>} : memref<2x80x128xf32, #tpu.memory_space<vmem>>, vector<1x1x16xf32>,
      %parallel_loop3A_1299 = arith.constant 0 : i32
      %parallel_loop3A_1300 = arith.index_cast %parallel_loop3A_1299 : i32 to index
      %parallel_loop3A_1301 = arith.index_cast %parallel_loop3A_1198 : i32 to index
      %parallel_loop3A_1302 = arith.constant 80 : index
      %parallel_loop3A_1303 = tpu.vector_load %arg9[%parallel_loop3A_1300, %parallel_loop3A_1301, %parallel_loop3A_1302] {strides = array<i32>} : memref<2x80x128xf32, #tpu.memory_space<vmem>>, vector<1x1x16xf32>,
      %parallel_loop3A_1304 = vector.shape_cast %parallel_loop3A_1303 : vector<1x1x16xf32> to vector<16xf32>
      %parallel_loop3A_1305 = arith.constant 0 : i32
      %parallel_loop3A_1306 = arith.index_cast %parallel_loop3A_1305 : i32 to index
      %parallel_loop3A_1307 = arith.index_cast %parallel_loop3A_1198 : i32 to index
      %parallel_loop3A_1308 = arith.constant 80 : index
      %parallel_loop3A_1309 = tpu.vector_load %arg10[%parallel_loop3A_1306, %parallel_loop3A_1307, %parallel_loop3A_1308] {strides = array<i32>} : memref<2x80x128xf32, #tpu.memory_space<vmem>>, vector<1x1x16xf32>,
      %parallel_loop3A_1310 = vector.shape_cast %parallel_loop3A_1309 : vector<1x1x16xf32> to vector<16xf32>
      %parallel_loop3A_1311 = arith.mulf %parallel_loop3A_1304, %parallel_loop3A_1310 : vector<16xf32>
      %parallel_loop3A_1312 = arith.constant 0 : i32
      %parallel_loop3A_1313 = arith.index_cast %parallel_loop3A_1312 : i32 to index
      %parallel_loop3A_1314 = arith.index_cast %parallel_loop3A_1198 : i32 to index
      %parallel_loop3A_1315 = arith.constant 80 : index
      %parallel_loop3A_1316 = tpu.vector_load %arg9[%parallel_loop3A_1313, %parallel_loop3A_1314, %parallel_loop3A_1315] {strides = array<i32>} : memref<2x80x128xf32, #tpu.memory_space<vmem>>, vector<1x1x16xf32>,
      %parallel_loop3A_1317 = vector.shape_cast %parallel_loop3A_1316 : vector<1x1x16xf32> to vector<16xf32>
      %parallel_loop3A_1318 = vector.shape_cast %parallel_loop3A_1311 : vector<16xf32> to vector<1x1x16xf32>
      tpu.vector_store %arg9[%parallel_loop3A_1313, %parallel_loop3A_1314, %parallel_loop3A_1315], %parallel_loop3A_1318 {strides = array<i32>} : memref<2x80x128xf32, #tpu.memory_space<vmem>>, vector<1x1x16xf32>,
      %parallel_loop3A_1319 = arith.constant 0 : i32
      %parallel_loop3A_1320 = arith.index_cast %parallel_loop3A_1319 : i32 to index
      %parallel_loop3A_1321 = arith.index_cast %parallel_loop3A_1198 : i32 to index
      %parallel_loop3A_1322 = arith.constant 96 : index
      %parallel_loop3A_1323 = tpu.vector_load %arg9[%parallel_loop3A_1320, %parallel_loop3A_1321, %parallel_loop3A_1322] {strides = array<i32>} : memref<2x80x128xf32, #tpu.memory_space<vmem>>, vector<1x1x16xf32>,
      %parallel_loop3A_1324 = vector.shape_cast %parallel_loop3A_1323 : vector<1x1x16xf32> to vector<16xf32>
      %parallel_loop3A_1325 = arith.constant 0 : i32
      %parallel_loop3A_1326 = arith.index_cast %parallel_loop3A_1325 : i32 to index
      %parallel_loop3A_1327 = arith.index_cast %parallel_loop3A_1198 : i32 to index
      %parallel_loop3A_1328 = arith.constant 96 : index
      %parallel_loop3A_1329 = tpu.vector_load %arg10[%parallel_loop3A_1326, %parallel_loop3A_1327, %parallel_loop3A_1328] {strides = array<i32>} : memref<2x80x128xf32, #tpu.memory_space<vmem>>, vector<1x1x16xf32>,
      %parallel_loop3A_1330 = vector.shape_cast %parallel_loop3A_1329 : vector<1x1x16xf32> to vector<16xf32>
      %parallel_loop3A_1331 = arith.mulf %parallel_loop3A_1324, %parallel_loop3A_1330 : vector<16xf32>
      %parallel_loop3A_1332 = arith.constant 0 : i32
      %parallel_loop3A_1333 = arith.index_cast %parallel_loop3A_1332 : i32 to index
      %parallel_loop3A_1334 = arith.index_cast %parallel_loop3A_1198 : i32 to index
      %parallel_loop3A_1335 = arith.constant 96 : index
      %parallel_loop3A_1336 = tpu.vector_load %arg9[%parallel_loop3A_1333, %parallel_loop3A_1334, %parallel_loop3A_1335] {strides = array<i32>} : memref<2x80x128xf32, #tpu.memory_space<vmem>>, vector<1x1x16xf32>,
      %parallel_loop3A_1337 = vector.shape_cast %parallel_loop3A_1336 : vector<1x1x16xf32> to vector<16xf32>
      %parallel_loop3A_1338 = vector.shape_cast %parallel_loop3A_1331 : vector<16xf32> to vector<1x1x16xf32>
      tpu.vector_store %arg9[%parallel_loop3A_1333, %parallel_loop3A_1334, %parallel_loop3A_1335], %parallel_loop3A_1338 {strides = array<i32>} : memref<2x80x128xf32, #tpu.memory_space<vmem>>, vector<1x1x16xf32>,
      %parallel_loop3A_1339 = arith.constant 0 : i32
      %parallel_loop3A_1340 = arith.index_cast %parallel_loop3A_1339 : i32 to index
      %parallel_loop3A_1341 = arith.index_cast %parallel_loop3A_1198 : i32 to index
      %parallel_loop3A_1342 = arith.constant 112 : index
      %parallel_loop3A_1343 = tpu.vector_load %arg9[%parallel_loop3A_1340, %parallel_loop3A_1341, %parallel_loop3A_1342] {strides = array<i32>} : memref<2x80x128xf32, #tpu.memory_space<vmem>>, vector<1x1x16xf32>,
      %parallel_loop3A_1344 = vector.shape_cast %parallel_loop3A_1343 : vector<1x1x16xf32> to vector<16xf32>
      %parallel_loop3A_1345 = arith.constant 0 : i32
      %parallel_loop3A_1346 = arith.index_cast %parallel_loop3A_1345 : i32 to index
      %parallel_loop3A_1347 = arith.index_cast %parallel_loop3A_1198 : i32 to index
      %parallel_loop3A_1348 = arith.constant 112 : index
      %parallel_loop3A_1349 = tpu.vector_load %arg10[%parallel_loop3A_1346, %parallel_loop3A_1347, %parallel_loop3A_1348] {strides = array<i32>} : memref<2x80x128xf32, #tpu.memory_space<vmem>>, vector<1x1x16xf32>,
      %parallel_loop3A_1350 = vector.shape_cast %parallel_loop3A_1349 : vector<1x1x16xf32> to vector<16xf32>
      %parallel_loop3A_1351 = arith.mulf %parallel_loop3A_1344, %parallel_loop3A_1350 : vector<16xf32>
      %parallel_loop3A_1352 = arith.constant 0 : i32
      %parallel_loop3A_1353 = arith.index_cast %parallel_loop3A_1352 : i32 to index
      %parallel_loop3A_1354 = arith.index_cast %parallel_loop3A_1198 : i32 to index
      %parallel_loop3A_1355 = arith.constant 112 : index
      %parallel_loop3A_1356 = tpu.vector_load %arg9[%parallel_loop3A_1353, %parallel_loop3A_1354, %parallel_loop3A_1355] {strides = array<i32>} : memref<2x80x128xf32, #tpu.memory_space<vmem>>, vector<1x1x16xf32>,
      %parallel_loop3A_1357 = vector.shape_cast %parallel_loop3A_1356 : vector<1x1x16xf32> to vector<16xf32>
      %parallel_loop3A_1358 = vector.shape_cast %parallel_loop3A_1351 : vector<16xf32> to vector<1x1x16xf32>
      tpu.vector_store %arg9[%parallel_loop3A_1353, %parallel_loop3A_1354, %parallel_loop3A_1355], %parallel_loop3A_1358 {strides = array<i32>} : memref<2x80x128xf32, #tpu.memory_space<vmem>>, vector<1x1x16xf32>,
    } {sc.loop_unroll_factor = 4 : i64, sc.parallel_access}
    %dma_start3A_1165 = arith.constant 0 : i32
    %dma_start3A_1166 = arith.constant 0 : i32
    %dma_start3A_1167 = arith.constant 0 : i32
    %dma_start3A_1168 = arith.constant 0 : i32
    %dma_start3A_1169 = tpu.memref_slice %arg9[%dma_start3A_1165, %dma_start3A_1167, %dma_start3A_1168] : memref<2x80x128xf32, #tpu.memory_space<vmem>> -> memref<1x80x128xf32, #tpu.memory_space<vmem>>
    %dma_start3A_1170 = tpu.memref_squeeze %dma_start3A_1169 : memref<1x80x128xf32, #tpu.memory_space<vmem>> -> memref<80x128xf32, #tpu.memory_space<vmem>>
    %dma_start3A_1171 = arith.constant 0 : i32
    %dma_start3A_1172 = tpu.memref_slice %arg7[%dma_start3A_1166, %dma_start3A_1171] : memref<2x80xi32, #tpu.memory_space<vmem>> -> memref<1x80xi32, #tpu.memory_space<vmem>>
    %dma_start3A_1173 = tpu.memref_squeeze %dma_start3A_1172 : memref<1x80xi32, #tpu.memory_space<vmem>> -> memref<80xi32, #tpu.memory_space<vmem>>
    %dma_start3A_1174 = arith.constant 0 : i32
    %dma_start3A_1175 = arith.constant 0 : i32
    %dma_start3A_1176 = tpu.memref_slice %arg12[%dma_start3A_1174, %dma_start3A_1175] : memref<10000x128xf32, #tpu.memory_space<vmem_shared>> -> memref<10000x128xf32, #tpu.memory_space<vmem_shared>>
    tpu.enqueue_indirect_dma source(%dma_start3A_1170 : memref<80x128xf32, #tpu.memory_space<vmem>>) target(%dma_start3A_1176 : memref<10000x128xf32, #tpu.memory_space<vmem_shared>>) offsets(%dma_start3A_1173 : memref<80xi32, #tpu.memory_space<vmem>>) semaphore(%arg21 : memref<!tpu.dma_semaphore, #tpu.memory_space<semaphore_mem>>) {add = true}
    %dma_wait3A_1177 = arith.constant 0 : i32
    %dma_wait3A_1178 = arith.constant 0 : i32
    %dma_wait3A_1179 = arith.constant 0 : i32
    %dma_wait3A_1180 = arith.constant 0 : i32
    %dma_wait3A_1181 = tpu.memref_slice %arg9[%dma_wait3A_1177, %dma_wait3A_1179, %dma_wait3A_1180] : memref<2x80x128xf32, #tpu.memory_space<vmem>> -> memref<1x80x128xf32, #tpu.memory_space<vmem>>
    %dma_wait3A_1182 = tpu.memref_squeeze %dma_wait3A_1181 : memref<1x80x128xf32, #tpu.memory_space<vmem>> -> memref<80x128xf32, #tpu.memory_space<vmem>>
    %dma_wait3A_1183 = arith.constant 0 : i32
    %dma_wait3A_1184 = tpu.memref_slice %arg7[%dma_wait3A_1178, %dma_wait3A_1183] : memref<2x80xi32, #tpu.memory_space<vmem>> -> memref<1x80xi32, #tpu.memory_space<vmem>>
    %dma_wait3A_1185 = tpu.memref_squeeze %dma_wait3A_1184 : memref<1x80xi32, #tpu.memory_space<vmem>> -> memref<80xi32, #tpu.memory_space<vmem>>
    %dma_wait3A_1186 = arith.constant 0 : i32
    %dma_wait3A_1187 = arith.constant 0 : i32
    %dma_wait3A_1188 = tpu.memref_slice %arg12[%dma_wait3A_1186, %dma_wait3A_1187] : memref<10000x128xf32, #tpu.memory_space<vmem_shared>> -> memref<10000x128xf32, #tpu.memory_space<vmem_shared>>
    tpu.wait_indirect_dma semaphore(%arg21 : memref<!tpu.dma_semaphore, #tpu.memory_space<semaphore_mem>>) src(%dma_wait3A_1182 : memref<80x128xf32, #tpu.memory_space<vmem>>) dst(%dma_wait3A_1188 : memref<10000x128xf32, #tpu.memory_space<vmem_shared>>)
    %barrier3A_1189 = arith.constant 0 : index
    tpu.barrier barrier_id(%barrier3A_1189)
    %mul3A_1190 = arith.constant 624 : i32
    %mul3A_1191 = arith.muli %arg1, %mul3A_1190 : i32
    %multiple_of3A_1192 = tpu.assume_multiple %mul3A_1191, 8 : i32
    "tpu.region"() ({
      %run_scoped3A = tpu.sem_alloc : memref<!tpu.dma_semaphore, #tpu.memory_space<semaphore_mem>>
      %dma_start3A_1198 = arith.constant 0 : i32
      %dma_start3A_1199 = tpu.memref_slice %arg6[%arg0, %multiple_of3A_1192, %dma_start3A_1198] : memref<2x10000x128xf32, #tpu.memory_space<hbm>> -> memref<1x624x128xf32, #tpu.memory_space<hbm>>
      %dma_start3A_1200 = tpu.memref_squeeze %dma_start3A_1199 : memref<1x624x128xf32, #tpu.memory_space<hbm>> -> memref<624x128xf32, #tpu.memory_space<hbm>>
      %dma_start3A_1201 = arith.constant 0 : i32
      %dma_start3A_1202 = tpu.memref_slice %arg12[%multiple_of3A_1192, %dma_start3A_1201] : memref<10000x128xf32, #tpu.memory_space<vmem_shared>> -> memref<624x128xf32, #tpu.memory_space<vmem_shared>>
      tpu.enqueue_dma source(%dma_start3A_1202 : memref<624x128xf32, #tpu.memory_space<vmem_shared>>) target(%dma_start3A_1200 : memref<624x128xf32, #tpu.memory_space<hbm>>) target_semaphore(%run_scoped3A : memref<!tpu.dma_semaphore, #tpu.memory_space<semaphore_mem>>)
      %dma_wait3A_1203 = arith.constant 0 : i32
      %dma_wait3A_1204 = tpu.memref_slice %arg6[%arg0, %multiple_of3A_1192, %dma_wait3A_1203] : memref<2x10000x128xf32, #tpu.memory_space<hbm>> -> memref<1x624x128xf32, #tpu.memory_space<hbm>>
      %dma_wait3A_1205 = tpu.memref_squeeze %dma_wait3A_1204 : memref<1x624x128xf32, #tpu.memory_space<hbm>> -> memref<624x128xf32, #tpu.memory_space<hbm>>
      %dma_wait3A_1206 = arith.constant 0 : i32
      %dma_wait3A_1207 = tpu.memref_slice %arg12[%multiple_of3A_1192, %dma_wait3A_1206] : memref<10000x128xf32, #tpu.memory_space<vmem_shared>> -> memref<624x128xf32, #tpu.memory_space<vmem_shared>>
      tpu.wait_dma2 semaphore(%run_scoped3A : memref<!tpu.dma_semaphore, #tpu.memory_space<semaphore_mem>>) src(%dma_wait3A_1207 : memref<624x128xf32, #tpu.memory_space<vmem_shared>>) dst(%dma_wait3A_1205 : memref<624x128xf32, #tpu.memory_space<hbm>>)
      tpu.yield
    }) : () -> ()
    %eq3A_1193 = arith.constant 15 : i32
    %eq3A_1194 = arith.cmpi eq, %arg1, %eq3A_1193 : i32
    %convert_element_type3A_1195 = arith.extui %eq3A_1194 : i1 to i32
    %cond3A_1196 = arith.constant 0 : i32
    %cond3A_1197 = arith.cmpi ne, %convert_element_type3A_1195, %cond3A_1196 : i32
    scf.if %cond3A_1197 {
      "tpu.region"() ({
        %run_scoped3A = tpu.sem_alloc : memref<!tpu.dma_semaphore, #tpu.memory_space<semaphore_mem>>
        %dma_start3A_1198 = arith.constant 9984 : i32
        %dma_start3A_1199 = arith.constant 0 : i32
        %dma_start3A_1200 = tpu.memref_slice %arg6[%arg0, %dma_start3A_1198, %dma_start3A_1199] : memref<2x10000x128xf32, #tpu.memory_space<hbm>> -> memref<1x16x128xf32, #tpu.memory_space<hbm>>
        %dma_start3A_1201 = tpu.memref_squeeze %dma_start3A_1200 : memref<1x16x128xf32, #tpu.memory_space<hbm>> -> memref<16x128xf32, #tpu.memory_space<hbm>>
        %dma_start3A_1202 = arith.constant 9984 : i32
        %dma_start3A_1203 = arith.constant 0 : i32
        %dma_start3A_1204 = tpu.memref_slice %arg12[%dma_start3A_1202, %dma_start3A_1203] : memref<10000x128xf32, #tpu.memory_space<vmem_shared>> -> memref<16x128xf32, #tpu.memory_space<vmem_shared>>
        tpu.enqueue_dma source(%dma_start3A_1204 : memref<16x128xf32, #tpu.memory_space<vmem_shared>>) target(%dma_start3A_1201 : memref<16x128xf32, #tpu.memory_space<hbm>>) target_semaphore(%run_scoped3A : memref<!tpu.dma_semaphore, #tpu.memory_space<semaphore_mem>>)
        %dma_wait3A_1205 = arith.constant 9984 : i32
        %dma_wait3A_1206 = arith.constant 0 : i32
        %dma_wait3A_1207 = tpu.memref_slice %arg6[%arg0, %dma_wait3A_1205, %dma_wait3A_1206] : memref<2x10000x128xf32, #tpu.memory_space<hbm>> -> memref<1x16x128xf32, #tpu.memory_space<hbm>>
        %dma_wait3A_1208 = tpu.memref_squeeze %dma_wait3A_1207 : memref<1x16x128xf32, #tpu.memory_space<hbm>> -> memref<16x128xf32, #tpu.memory_space<hbm>>
        %dma_wait3A_1209 = arith.constant 9984 : i32
        %dma_wait3A_1210 = arith.constant 0 : i32
        %dma_wait3A_1211 = tpu.memref_slice %arg12[%dma_wait3A_1209, %dma_wait3A_1210] : memref<10000x128xf32, #tpu.memory_space<vmem_shared>> -> memref<16x128xf32, #tpu.memory_space<vmem_shared>>
        tpu.wait_dma2 semaphore(%run_scoped3A : memref<!tpu.dma_semaphore, #tpu.memory_space<semaphore_mem>>) src(%dma_wait3A_1211 : memref<16x128xf32, #tpu.memory_space<vmem_shared>>) dst(%dma_wait3A_1208 : memref<16x128xf32, #tpu.memory_space<hbm>>)
        tpu.yield
      }) : () -> ()
    } else {
    }
    return
  }
}

module attributes {stable_mosaic.version = 14 : i64} {
  func.func @_table_body(%arg0: memref<10000x128xf32, #tpu.memory_space<vmem>>, %arg1: memref<128x128xf32, #tpu.memory_space<vmem>>, %arg2: memref<1x128xf32, #tpu.memory_space<vmem>>, %arg3: memref<10000x128xf32, #tpu.memory_space<vmem>>) attributes {dimension_semantics = [], scalar_prefetch = 0 : i64, scratch_operands = 0 : i64, tpu.core_type = #tpu.core_type<tc>} {
    %get3A = arith.constant 0 : index
    %get3A_0 = arith.constant 0 : index
    %get3A_1 = vector.load %arg0[%get3A, %get3A_0] : memref<10000x128xf32, #tpu.memory_space<vmem>>, vector<10000x128xf32>
    %get3A_2 = arith.constant 0 : index
    %get3A_3 = arith.constant 0 : index
    %get3A_4 = vector.load %arg1[%get3A_2, %get3A_3] : memref<128x128xf32, #tpu.memory_space<vmem>>, vector<128x128xf32>
    %dot_general3A = arith.constant dense<0.000000e+00> : vector<10000x128xf32>
    %dot_general3A_5 = tpu.matmul %get3A_1, %get3A_4, %dot_general3A {dimension_numbers = #tpu.dot_dimension_numbers<[1], [0], [0], [1], [0, 0, 1, 1], [], []>, transpose_lhs_hint = false} : vector<10000x128xf32>, vector<128x128xf32>, vector<10000x128xf32> -> vector<10000x128xf32>
    %get3A_6 = arith.constant 0 : index
    %get3A_7 = arith.constant 0 : index
    %get3A_8 = vector.load %arg2[%get3A_6, %get3A_7] : memref<1x128xf32, #tpu.memory_space<vmem>>, vector<1x128xf32>
    %add3A = vector.broadcast %get3A_8 : vector<1x128xf32> to vector<10000x128xf32>
    %add3A_9 = arith.addf %dot_general3A_5, %add3A : vector<10000x128xf32>
    %swap3A = arith.constant 0 : index
    %swap3A_10 = arith.constant 0 : index
    %swap3A_11 = vector.load %arg3[%swap3A, %swap3A_10] : memref<10000x128xf32, #tpu.memory_space<vmem>>, vector<10000x128xf32>
    tpu.vector_store %arg3[%swap3A, %swap3A_10], %add3A_9 {strides = array<i32>} : memref<10000x128xf32, #tpu.memory_space<vmem>>, vector<10000x128xf32>,
    return
  }
}

module attributes {stable_mosaic.version = 14 : i64} {
  func.func @_g_body(%arg0: i32, %arg1: memref<2000x64xf32, #tpu.memory_space<vmem>>, %arg2: memref<64x128xf32, #tpu.memory_space<vmem>>, %arg3: memref<2000x128xf32, #tpu.memory_space<vmem>>) attributes {dimension_semantics = [#tpu.dimension_semantics<arbitrary>], iteration_bounds = array<i64: 160>, scalar_prefetch = 0 : i64, scratch_operands = 0 : i64, tpu.core_type = #tpu.core_type<tc>, window_params = [{transform_indices = @transform_0, window_bounds = array<i64: 2000, 64>}, {pipeline_mode = #tpu.pipeline_mode<synchronous>, transform_indices = @transform_1, window_bounds = array<i64: 64, 128>}, {transform_indices = @transform_2, window_bounds = array<i64: 2000, 128>}]} {
    %get3A = arith.constant 0 : index
    %get3A_0 = arith.constant 0 : index
    %get3A_1 = vector.load %arg1[%get3A, %get3A_0] : memref<2000x64xf32, #tpu.memory_space<vmem>>, vector<2000x64xf32>
    %get3A_2 = arith.constant 0 : index
    %get3A_3 = arith.constant 0 : index
    %get3A_4 = vector.load %arg2[%get3A_2, %get3A_3] : memref<64x128xf32, #tpu.memory_space<vmem>>, vector<64x128xf32>
    %dot_general3A = arith.constant dense<0.000000e+00> : vector<2000x128xf32>
    %dot_general3A_5 = tpu.matmul %get3A_1, %get3A_4, %dot_general3A {dimension_numbers = #tpu.dot_dimension_numbers<[1], [0], [0], [1], [0, 0, 1, 1], [], []>, transpose_lhs_hint = false} : vector<2000x64xf32>, vector<64x128xf32>, vector<2000x128xf32> -> vector<2000x128xf32>
    %swap3A = arith.constant 0 : index
    %swap3A_6 = arith.constant 0 : index
    %swap3A_7 = vector.load %arg3[%swap3A, %swap3A_6] : memref<2000x128xf32, #tpu.memory_space<vmem>>, vector<2000x128xf32>
    tpu.vector_store %arg3[%swap3A, %swap3A_6], %dot_general3A_5 {strides = array<i32>} : memref<2000x128xf32, #tpu.memory_space<vmem>>, vector<2000x128xf32>,
    return
  }
  func.func @transform_0(%arg0: i32) -> (i32, i32) {
    %c0_i32 = arith.constant 0 : i32
    %c0_i32_0 = arith.constant 0 : i32
    return %arg0, %c0_i32 : i32, i32
  }
  func.func @transform_1(%arg0: i32) -> (i32, i32) {
    %c0_i32 = arith.constant 0 : i32
    %c0_i32_0 = arith.constant 0 : i32
    %c0_i32_1 = arith.constant 0 : i32
    return %c0_i32, %c0_i32_0 : i32, i32
  }
  func.func @transform_2(%arg0: i32) -> (i32, i32) {
    %c0_i32 = arith.constant 0 : i32
    %c0_i32_0 = arith.constant 0 : i32
    return %arg0, %c0_i32 : i32, i32
  }
}

module attributes {stable_mosaic.version = 14 : i64} {
  func.func @_tail_body(%arg0: memref<2x10000x128xf32, #tpu.memory_space<vmem>>, %arg1: memref<10000x128xf32, #tpu.memory_space<vmem>>, %arg2: memref<128x128xf32, #tpu.memory_space<vmem>>, %arg3: memref<1x128xf32, #tpu.memory_space<vmem>>, %arg4: memref<128x128xf32, #tpu.memory_space<vmem>>, %arg5: memref<1x128xf32, #tpu.memory_space<vmem>>, %arg6: memref<128x128xf32, #tpu.memory_space<vmem>>, %arg7: memref<1x128xf32, #tpu.memory_space<vmem>>, %arg8: memref<128x128xf32, #tpu.memory_space<vmem>>, %arg9: memref<1x128xf32, #tpu.memory_space<vmem>>, %arg10: memref<1x128xf32, #tpu.memory_space<vmem>>, %arg11: memref<10000x128xf32, #tpu.memory_space<vmem>>) attributes {dimension_semantics = [], scalar_prefetch = 0 : i64, scratch_operands = 0 : i64, tpu.core_type = #tpu.core_type<tc>} {
    %get3A = arith.constant 0 : index
    %get3A_0 = arith.constant 0 : index
    %get3A_1 = vector.load %arg1[%get3A, %get3A_0] : memref<10000x128xf32, #tpu.memory_space<vmem>>, vector<10000x128xf32>
    %get3A_2 = arith.constant 0 : index
    %get3A_3 = arith.constant 0 : index
    %get3A_4 = arith.constant 0 : index
    %get3A_5 = vector.load %arg0[%get3A_2, %get3A_3, %get3A_4] : memref<2x10000x128xf32, #tpu.memory_space<vmem>>, vector<1x10000x128xf32>
    %get3A_6 = vector.shape_cast %get3A_5 : vector<1x10000x128xf32> to vector<10000x128xf32>
    %get3A_7 = arith.constant 1 : index
    %get3A_8 = arith.constant 0 : index
    %get3A_9 = arith.constant 0 : index
    %get3A_10 = vector.load %arg0[%get3A_7, %get3A_8, %get3A_9] : memref<2x10000x128xf32, #tpu.memory_space<vmem>>, vector<1x10000x128xf32>
    %get3A_11 = vector.shape_cast %get3A_10 : vector<1x10000x128xf32> to vector<10000x128xf32>
    %add3A = arith.addf %get3A_6, %get3A_11 : vector<10000x128xf32>
    %get3A_12 = arith.constant 0 : index
    %get3A_13 = arith.constant 0 : index
    %get3A_14 = vector.load %arg2[%get3A_12, %get3A_13] : memref<128x128xf32, #tpu.memory_space<vmem>>, vector<128x128xf32>
    %dot_general3A = arith.constant dense<0.000000e+00> : vector<10000x128xf32>
    %dot_general3A_15 = tpu.matmul %get3A_1, %get3A_14, %dot_general3A {dimension_numbers = #tpu.dot_dimension_numbers<[1], [0], [0], [1], [0, 0, 1, 1], [], []>, transpose_lhs_hint = false} : vector<10000x128xf32>, vector<128x128xf32>, vector<10000x128xf32> -> vector<10000x128xf32>
    %get3A_16 = arith.constant 0 : index
    %get3A_17 = arith.constant 0 : index
    %get3A_18 = vector.load %arg3[%get3A_16, %get3A_17] : memref<1x128xf32, #tpu.memory_space<vmem>>, vector<1x128xf32>
    %add3A_19 = vector.broadcast %get3A_18 : vector<1x128xf32> to vector<10000x128xf32>
    %add3A_20 = arith.addf %dot_general3A_15, %add3A_19 : vector<10000x128xf32>
    %add3A_21 = arith.addf %add3A_20, %add3A : vector<10000x128xf32>
    %get3A_22 = arith.constant 0 : index
    %get3A_23 = arith.constant 0 : index
    %get3A_24 = vector.load %arg4[%get3A_22, %get3A_23] : memref<128x128xf32, #tpu.memory_space<vmem>>, vector<128x128xf32>
    %dot_general3A_25 = arith.constant dense<0.000000e+00> : vector<10000x128xf32>
    %dot_general3A_26 = tpu.matmul %add3A_21, %get3A_24, %dot_general3A_25 {dimension_numbers = #tpu.dot_dimension_numbers<[1], [0], [0], [1], [0, 0, 1, 1], [], []>, transpose_lhs_hint = false} : vector<10000x128xf32>, vector<128x128xf32>, vector<10000x128xf32> -> vector<10000x128xf32>
    %get3A_27 = arith.constant 0 : index
    %get3A_28 = arith.constant 0 : index
    %get3A_29 = vector.load %arg5[%get3A_27, %get3A_28] : memref<1x128xf32, #tpu.memory_space<vmem>>, vector<1x128xf32>
    %add3A_30 = vector.broadcast %get3A_29 : vector<1x128xf32> to vector<10000x128xf32>
    %add3A_31 = arith.addf %dot_general3A_26, %add3A_30 : vector<10000x128xf32>
    %get3A_32 = arith.constant 0 : index
    %get3A_33 = arith.constant 0 : index
    %get3A_34 = vector.load %arg6[%get3A_32, %get3A_33] : memref<128x128xf32, #tpu.memory_space<vmem>>, vector<128x128xf32>
    %dot_general3A_35 = arith.constant dense<0.000000e+00> : vector<10000x128xf32>
    %dot_general3A_36 = tpu.matmul %add3A_31, %get3A_34, %dot_general3A_35 {dimension_numbers = #tpu.dot_dimension_numbers<[1], [0], [0], [1], [0, 0, 1, 1], [], []>, transpose_lhs_hint = false} : vector<10000x128xf32>, vector<128x128xf32>, vector<10000x128xf32> -> vector<10000x128xf32>
    %add3A_37 = arith.addf %add3A_21, %dot_general3A_36 : vector<10000x128xf32>
    %get3A_38 = arith.constant 0 : index
    %get3A_39 = arith.constant 0 : index
    %get3A_40 = vector.load %arg7[%get3A_38, %get3A_39] : memref<1x128xf32, #tpu.memory_space<vmem>>, vector<1x128xf32>
    %add3A_41 = vector.broadcast %get3A_40 : vector<1x128xf32> to vector<10000x128xf32>
    %add3A_42 = arith.addf %add3A_37, %add3A_41 : vector<10000x128xf32>
    %get3A_43 = arith.constant 0 : index
    %get3A_44 = arith.constant 0 : index
    %get3A_45 = vector.load %arg10[%get3A_43, %get3A_44] : memref<1x128xf32, #tpu.memory_space<vmem>>, vector<1x128xf32>
    %mul3A = vector.broadcast %get3A_45 : vector<1x128xf32> to vector<10000x128xf32>
    %mul3A_46 = arith.mulf %mul3A, %get3A_1 : vector<10000x128xf32>
    %get3A_47 = arith.constant 0 : index
    %get3A_48 = arith.constant 0 : index
    %get3A_49 = vector.load %arg8[%get3A_47, %get3A_48] : memref<128x128xf32, #tpu.memory_space<vmem>>, vector<128x128xf32>
    %dot_general3A_50 = arith.constant dense<0.000000e+00> : vector<10000x128xf32>
    %dot_general3A_51 = tpu.matmul %add3A_42, %get3A_49, %dot_general3A_50 {dimension_numbers = #tpu.dot_dimension_numbers<[1], [0], [0], [1], [0, 0, 1, 1], [], []>, transpose_lhs_hint = false} : vector<10000x128xf32>, vector<128x128xf32>, vector<10000x128xf32> -> vector<10000x128xf32>
    %add3A_52 = arith.addf %mul3A_46, %dot_general3A_51 : vector<10000x128xf32>
    %get3A_53 = arith.constant 0 : index
    %get3A_54 = arith.constant 0 : index
    %get3A_55 = vector.load %arg9[%get3A_53, %get3A_54] : memref<1x128xf32, #tpu.memory_space<vmem>>, vector<1x128xf32>
    %add3A_56 = vector.broadcast %get3A_55 : vector<1x128xf32> to vector<10000x128xf32>
    %add3A_57 = arith.addf %add3A_52, %add3A_56 : vector<10000x128xf32>
    %swap3A = arith.constant 0 : index
    %swap3A_58 = arith.constant 0 : index
    %swap3A_59 = vector.load %arg11[%swap3A, %swap3A_58] : memref<10000x128xf32, #tpu.memory_space<vmem>>, vector<10000x128xf32>
    tpu.vector_store %arg11[%swap3A, %swap3A_58], %add3A_57 {strides = array<i32>} : memref<10000x128xf32, #tpu.memory_space<vmem>>, vector<10000x128xf32>,
    return
  }
}

</mosaic_0001>

<sc_bundles>
// kernel: kernel.6.cloned.1.call-start
scs
__scs_entry_jumppad:
0x0: {  	(pc) =	sbr.rel $0x88, $3  }
0x1: {  	(tag) =	ssettag $0x0;
	lr =	simm.s32 $0x1  }
0x2: {  	[smem:$0x3F91] =	sst lr;
	_ =	strace $0xD0000000  }
0x3: {  	_ = 	snop  }
0x4: {  	_ = 	snop  }
0x5: {  	_ = 	snop  }
0x6: {  	_ = 	snop  }
0x7: {  	_ = 	snop  }
__scs_overlays_trampoline_lowered:
0x8: {  	[smem:$0x3FA0] =	sst s0  }
0x9: {  	[smem:$0x3FA1] =	sst s1  }
0xa: {  	[smem:$0x3FA2] =	sst s2  }
0xb: {  	[smem:$0x3FA3] =	sst s3  }
0xc: {  	[smem:$0x3FA4] =	sst s4  }
0xd: {  	[smem:$0x3FA5] =	sst s5  }
0xe: {  	[smem:$0x3FA6] =	sst s6  }
0xf: {  	[smem:$0x3FA7] =	sst s7  }
0x10: {  	[smem:$0x3FA8] =	sst s8  }
0x11: {  	[smem:$0x3FA9] =	sst s9;
	s0 =	simm.s32 @!p0 $0x0  }
0x12: {  	s1 =	sld [smem:$0x3F8F];
	s0 =	simm.s32 @p0 $0x1  }
0x13: {  	[smem:$0x3FAA] =	sst s0;
	s0 =	simm.s32 @!p1 $0x0  }
0x14: {  	s2 =	sld [smem:$0x3F8E];
	s0 =	simm.s32 @p1 $0x1  }
0x15: {  	[smem:$0x3FAB] =	sst s0;
	s0 =	simm.s32 @!p2 $0x0  }
0x16: {  	s3 =	sld [smem:$0x3FDB];
	s0 =	simm.s32 @p2 $0x1  }
0x17: {  	s4 =	simm.s32 $0x1BF5;
	[smem:$0x3FAD] =	sst s0  }
0x18: {  	s0 =	sld [smem:$0x3F90];
	_ =	swait.ge [sflag:s4], $0x0  }
0x19: {  	s7 =	sld [smem:$0x3F91]  }
0x1a: {  	s8 =	sadd.s32 $0xFFFFE003, lr  }
0x1b: {  	s9 =	sadd.s32 $0xFFFFFEF7, lr;
	s5 =	simm.s32 $0xFFFFFFFF;
	p2 =	slt.u32 s8, $0xFFFFF086  }
0x1c: {  	p1 =	slt.u32 s9, $0xF7A;
	s5 =	simm.s32 @!p2 $0x0  }
0x1d: {  	s5 =	simm.s32 @p1 $0x1;
	p0 =	seq.s32 s7, s2  }
0x1e: {  	s7 =	smul.u32 @!p0 $0xF7A, s2;
	p2 =	seq.s32 @!p0 s5, $0x0  }
0x1f: {  	s9 =	smul.u32 $0xF7A, s1;
	s8 =	simm.s32 @!p0 $0x1BF5;
	p2 =	por !p2, p0  }
0x20: {  	[sflag:s8] =	ssyncset.s32 @!p0 $0xFFFFF086;
	s6 =	sadd.s32 @!p0 s3, s7;
	s7 =	simm.s32 @!p0 $0x108  }
0x21: {  	s3 =	sadd.s32 s3, s9;
	s6 =	sadd.s32 @!p0 $0x88, s6;
	s7 =	simm.s32 @p2 $0x1082  }
0x22: {  	[simem:s7], [sflag:s8] =	dma.local @!p0 [hbm:s6], $0xF7A  }
0x23: {  	s9 =	sor.u32 $0xD0000000, s2;
	s6 =	simm.s32 $0x108;
	_ =	swait.ge @!p0 [sflag:s8], $0x0  }
0x24: {  	s3 =	sadd.s32 $0x88, s3;
	s6 =	simm.s32 @!p1 $0x1082;
	[sflag:s4] =	ssyncset.s32 $0xFFFFF086  }
0x25: {  	[simem:s6], [sflag:s4] =	dma.local [hbm:s3], $0xF7A  }
0x26: {  	[smem:$0x3F91] =	sst s1;
	(tag) =	ssettag s2;
	_ =	strace s9  }
0x27: {  	s1 =	sld [smem:$0x3FA1]  }
0x28: {  	s2 =	sld [smem:$0x3FA2]  }
0x29: {  	s4 =	sld [smem:$0x3FA4]  }
0x2a: {  	p0 =	seq.s32 s5, $0x0;
	s5 =	sld [smem:$0x3FA5]  }
0x2b: {  	s6 =	sld [smem:$0x3FA6]  }
0x2c: {  	s7 =	sld [smem:$0x3FA7]  }
0x2d: {  	s3 =	simm.s32 $0x108;
	s8 =	sld [smem:$0x3FA8]  }
0x2e: {  	s3 =	simm.s32 @!p0 $0x1082;
	s9 =	sld [smem:$0x3FA9]  }
0x2f: {  	lr =	sadd.s32 s0, s3;
	s0 =	sld [smem:$0x3FA0]  }
0x30: {  	s3 =	sld [smem:$0x3FA3]  }
0x31: {  	[smem:$0x3FAC] =	sst s10  }
0x32: {  	s10 =	sld [smem:$0x3FAA];
	_ =	sdelay $0x3  }
0x33: {  	p0 =	seq.s32 s10, $0x1;
	s10 =	sld [smem:$0x3FAC];
	_ =	sdelay $0x3  }
0x34: {  	[smem:$0x3FAC] =	sst s10  }
0x35: {  	s10 =	sld [smem:$0x3FAB];
	_ =	sdelay $0x3  }
0x36: {  	p1 =	seq.s32 s10, $0x1;
	s10 =	sld [smem:$0x3FAC];
	_ =	sdelay $0x3  }
0x37: {  	[smem:$0x3FAC] =	sst s10  }
0x38: {  	s10 =	sld [smem:$0x3FAD]  }
0x39: {  	_ = 	snop;
	(pc) =	sbr.ind lr, $3  }
0x3a: {  	_ = 	snop  }
0x3b: {  	_ = 	snop  }
0x3c: {  	p2 =	seq.s32 s10, $0x1;
	s10 =	sld [smem:$0x3FAC]  }
0x3d: {  	_ =	shalt  }
0x3e: {  	_ =	shalt  }
0x3f: {  	_ =	shalt  }
0x40: {  	_ =	shalt  }
0x41: {  	_ =	shalt  }
0x42: {  	_ =	shalt  }
0x43: {  	_ =	shalt  }
0x44: {  	_ =	shalt  }
0x45: {  	_ =	shalt  }
0x46: {  	_ =	shalt  }
0x47: {  	_ =	shalt  }
0x48: {  	_ =	shalt  }
0x49: {  	_ =	shalt  }
0x4a: {  	_ =	shalt  }
0x4b: {  	_ =	shalt  }
0x4c: {  	_ =	shalt  }
0x4d: {  	_ =	shalt  }
0x4e: {  	_ =	shalt  }
0x4f: {  	_ =	shalt  }
0x50: {  	_ =	shalt  }
0x51: {  	_ =	shalt  }
0x52: {  	_ =	shalt  }
0x53: {  	_ =	shalt  }
0x54: {  	_ =	shalt  }
0x55: {  	_ =	shalt  }
0x56: {  	_ =	shalt  }
0x57: {  	_ =	shalt  }
0x58: {  	_ =	shalt  }
0x59: {  	_ =	shalt  }
0x5a: {  	_ =	shalt  }
0x5b: {  	_ =	shalt  }
0x5c: {  	_ =	shalt  }
0x5d: {  	_ =	shalt  }
0x5e: {  	_ =	shalt  }
0x5f: {  	_ =	shalt  }
0x60: {  	_ =	shalt  }
0x61: {  	_ =	shalt  }
0x62: {  	_ =	shalt  }
0x63: {  	_ =	shalt  }
0x64: {  	_ =	shalt  }
0x65: {  	_ =	shalt  }
0x66: {  	_ =	shalt  }
0x67: {  	_ =	shalt  }
0x68: {  	_ =	shalt  }
0x69: {  	_ =	shalt  }
0x6a: {  	_ =	shalt  }
0x6b: {  	_ =	shalt  }
0x6c: {  	_ =	shalt  }
0x6d: {  	_ =	shalt  }
0x6e: {  	_ =	shalt  }
0x6f: {  	_ =	shalt  }
0x70: {  	_ =	shalt  }
0x71: {  	_ =	shalt  }
0x72: {  	_ =	shalt  }
0x73: {  	_ =	shalt  }
0x74: {  	_ =	shalt  }
0x75: {  	_ =	shalt  }
0x76: {  	_ =	shalt  }
0x77: {  	_ =	shalt  }
0x78: {  	_ =	shalt  }
0x79: {  	_ =	shalt  }
0x7a: {  	_ =	shalt  }
0x7b: {  	_ =	shalt  }
0x7c: {  	_ =	shalt  }
0x7d: {  	_ =	shalt  }
0x7e: {  	_ =	shalt  }
0x7f: {  	_ =	shalt  }
0x80: {  	_ =	shalt  }
0x81: {  	_ =	shalt  }
0x82: {  	_ =	shalt  }
0x83: {  	_ =	shalt  }
0x84: {  	_ =	shalt  }
0x85: {  	_ =	shalt  }
0x86: {  	_ =	shalt  }
0x87: {  	_ =	shalt  }
.Lfunc_end0:
.L_simem_size_0:
called_computation_lowered:
.L_overlay_start_0:
0x88: {  	s2 =	sld [smem:$0x3FD9]  }
0x89: {  	s3 =	sld [smem:$0x3FFE];
	_ =	sdelay $0x1  }
0x8a: {  	s1 =	srdreg.scid  }
0x8b: {  	s0 =	sand.u32 $0x1, s1  }
0x8c: {  	s17 =	sshll.u32 s0, $0xA;
	s2 =	sadd.s32 s3, s2  }
0x8d: {  	s2 =	sadd.s32 s2, s17  }
0x8e: {  	[smem:$0x3FB8] =	sst s2  }
0x8f: {  	_ = 	snop  }
0x90: {  	s2 =	sld [smem:$0x3FC7]  }
0x91: {  	s18 =	sld [smem:$0x3FC6]  }
0x92: {  	s4 =	sld [smem:$0x3FD0];
	(tm) =	ssettm $0x1  }
0x93: {  	s5 =	sld [smem:$0x3FFB];
	_ =	sdelay $0x3  }
0x94: {  	_ =	strace s5  }
0x95: {  	s5 =	sld [smem:$0x3FFC];
	_ =	sdelay $0x3  }
0x96: {  	_ =	strace s5  }
0x97: {  	s5 =	sld [smem:$0x3FFD];
	_ =	sdelay $0x3  }
0x98: {  	_ =	strace s5  }
0x99: {  	_ =	strace $0x8FFFFFFF  }
0x9a: {  	s19 =	sld [smem:$0x3FDB];
	_ =	sdelay $0x1  }
0x9b: {  	s6 =	simm.s32 $_scs_section_size  }
0x9c: {  	s7 =	simm.s32 $_size__tile_overlayer_lowered;
	s8 =	simm.s32 $_tile_overlayer_lowered  }
0x9d: {  	s22 =	simm.s32 $0x1BFF;
	s21 =	sshll.u32 s8, $0x1;
	s5 =	sadd.s32 s6, s19  }
0x9e: {  	s9 =	simm.s32 $0x0;
	s20 =	sshll.u32 s7, $0x1;
	s7 =	sadd.s32 s21, s5  }
0x9f: {  	[timem:s9], [sflag:s22] =	dma.local [hbm:s7], s20  }
0xa0: {  	_ =	swait.ge [sflag:s22], s20  }
0xa1: {  	s6 =	ssub.s32 $0x0, s20;
	[sflag:s22] =	ssyncset.done $0x0  }
0xa2: {  	[sflag:s22] =	ssyncadd.s32 s6;
	_ =	sdelay $0x1  }
0xa3: {  	s23 =	simm.s32 $0x1B8B  }
0xa4: {  	_ =	swait.ge [sflag:s23], $0x1  }
0xa5: {  	[sflag:s23] =	ssyncset.done $0x0  }
0xa6: {  	s25 =	simm.s32 $0x1B8E;
	s24 =	sld [smem:$0x3FFE];
	[sflag:s23] =	ssyncadd.s32 $0xFFFFFFFF  }
0xa7: {  	s26 =	simm.s32 $execute0_lowered;
	[smem:$0x3FD2] =	sst s25  }
0xa8: {  	s7 =	sshll.u32 s26, $0x1;
	_ =	strace $0x80000046;
	[dreg:$0x1] =	wrdreg $0xFFFFFFFF  }
0xa9: {  	s28 =	simm.s32 $_size_execute0_lowered;
	s5 =	sadd.s32 s5, s7;
	[dreg:$0x0] =	wrdreg $0x0  }
0xaa: {  	s7 =	sshll.u32 s28, $0x1;
	[dreg:$0x2] =	wrdreg s5  }
0xab: {  	[dreg:$0x3] =	wrdreg s7  }
0xac: {  	[dreg:$0x4] =	wrdreg $0xC0  }
0xad: {  	_ =	task [dreg:s9], $0x5FFFF  }
0xae: {  	[dreg:$0x1] =	wrdreg $0xFFFFFFFF  }
0xaf: {  	[dreg:$0x0] =	wrdreg $0x60  }
0xb0: {  	[dreg:$0x2] =	wrdreg s24  }
0xb1: {  	[dreg:$0x3] =	wrdreg s4  }
0xb2: {  	[dreg:$0x4] =	wrdreg s2  }
0xb3: {  	[dreg:$0x5] =	wrdreg s18  }
0xb4: {  	[dreg:$0x6] =	wrdreg $0xAA000  }
0xb5: {  	[dreg:$0x7] =	wrdreg $0x9  }
0xb6: {  	_ =	task.clear_ibuf [dreg:s9], $0x8FFFF;
	_ =	strace $0x90000046  }
0xb7: {  	s29 =	simm.s32 $0x9;
	_ =	strace $0x80000048  }
0xb8: {  	_ =	swait.ge [sflag:s29], $0x1  }
0xb9: {  	[sflag:s29] =	ssyncadd.s32 $0xFFFFFFFF  }
0xba: {  	_ =	strace $0x90000048  }
0xbb: {  	_ =	sfence  }
0xbc: {  	s30 =	sld [smem:$0x0];
	_ =	sdelay $0x2  }
0xbd: {  	s31 =	sshll.u32 s1, $0xD;
	s1 =	sshrl.u32 s1, $0x2  }
0xbe: {  	s3 =	sand.u32 $0x4000, s31;
	s1 =	sadd.s32 s1, s30  }
0xbf: {  	s0 =	sor.u32 s3, s0;
	s1 =	sshll.u32 s1, $0x11  }
0xc0: {  	s0 =	sor.u32 s1, s0  }
0xc1: {  	s0 =	sadd.s32 $0x8F2B, s0  }
0xc2: {  	[sflag:s0] =	ssyncadd.remote.s32 $0x1  }
0xc3: {  	_ =	sfence.sel $0xFFFF  }
0xc4: {  	[dreg:$0x0] =	wrdreg $0xFFFFFFFF;
	(pc) =	sbr.abs _section_cstart, $3  }
0xc5: {  	[dreg:$0x1] =	wrdreg $0xFFFFFFFF  }
0xc6: {  	_ =	task.clear_ibuf [dreg:s9], $0x2FFFF;
	_ =	strace $0x9FFFFFFF  }
0xc7: {  	(tm) =	ssettm $0x7FFFFFFF  }
tec
execute0_lowered:
.L_overlay_start_1:
0x0: {  	(tag) =	ssettag $0x1  }
0x1: {  	s0 =	rddreg [dreg:$0x0]  }
0x2: {  	s1 =	rddreg [dreg:$0x1]  }
0x3: {  	s2 =	rddreg [dreg:$0x2]  }
0x4: {  	s3 =	rddreg [dreg:$0x3]  }
0x5: {  	s4 =	rddreg [dreg:$0x4];
	s6 =	simm.s32 $0x0;
	s5 =	srdreg.scid  }
0x6: {  	s15 =	stileid.u32;
	s29 =	simm.s32 $0x1;
	s30 =	simm.s32 $0x3  }
0x7: {  	s31 =	simm.s32 $0x5;
	[smem:$0x7FF] =	sst s6;
	s5 =	sand.u32 $0x1, s5  }
0x8: {  	s9 =	smul.u32 $0x4E000, s15;
	s7 =	sadd.s32 $0x4E4400, s0;
	s0 =	sadd.s32 $0x2400, s0  }
0x9: {  	s20 =	sadd.s32 $0x138000, s4;
	s14 =	smul.u32 $0x13800, s15;
	p0 =	sne.s32 s15, $0xF  }
0xa: {  	_ =	strace $0x80000047;
	s8 =	sshll.u32 s5, $0x4;
	s10 =	ssub.s32 $0x2, s5  }
0xb: {  	s5 =	smul.u32 $0x138800, s5;
	[dreg:$0x6] =	wrdreg s20;
	s11 =	sor.u32 s15, s8  }
0xc: {  	s18 =	sshrl.u32 s10, $0x1;
	s9 =	sshrl.u32 s9, $0x2;
	s15 =	simm.s32 $0x8  }
0xd: {  	s12 =	smul.u32 $0x2710, s11;
	s10 =	ssub.s32 s10, s18;
	s8 =	sadd.s32 s9, s4  }
0xe: {  	s11 =	smul.u32 $0x27100, s11;
	s26 =	sadd.s32 s14, s5;
	s5 =	sshrl.u32 s5, $0x3  }
0xf: {  	s18 =	simm.s32 $0x9;
	s28 =	smax.u32 s10, $0x1;
	s10 =	simm.s32 $0x7  }
0x10: {  	s19 =	sshrl.u32 s12, $0x3;
	s21 =	sadd.s32 $0x50, s12;
	s11 =	sadd.s32 s7, s11  }
0x11: {  	s16 =	sadd.s32 $0xA0, s12;
	s17 =	sadd.s32 $0xF0, s12;
	[dreg:$0xf] =	wrdreg s28  }
0x12: {  	s12 =	simm.s32 $0x4;
	s13 =	sadd.s32 s2, s19;
	s9 =	sadd.s32 s3, s19  }
0x13: {  	s22 =	sshrl.u32 s21, $0x3;
	[dreg:$0x9] =	wrdreg s11;
	s24 =	sshll.u32 s21, $0x4  }
0x14: {  	s21 =	simm.s32 $0xA200;
	s11 =	simm.s32 $0x2;
	[dreg:$0x7] =	wrdreg s13  }
0x15: {  	s19 =	simm.s32 $0xA;
	[dreg:$0x8] =	wrdreg s9;
	s23 =	sadd.s32 s2, s22  }
0x16: {  	s9 =	sadd.s32 s3, s22;
	s25 =	sadd.s32 s7, s24;
	[dreg:$0xa] =	wrdreg s23  }
0x17: {  	s22 =	simm.s32 $0xB;
	s24 =	simm.s32 $0x200;
	[dreg:$0xb] =	wrdreg s9  }
0x18: {  	s13 =	simm.s32 $0x6;
	[dreg:$0xc] =	wrdreg s25;
	s9 =	sshrl.u32 s26, $0x3  }
0x19: {  	s23 =	simm.s32 $0x100;
	s9 =	sadd.s32 s0, s9;
	s0 =	sadd.s32 s0, s5  }
0x1a: {  	s25 =	simm.s32 $0x0;
	[dreg:$0xd] =	wrdreg s9;
	s0 =	sadd.s32 $0x27000, s0  }
0x1b: {  	v0 =	vimm.f32 $0.0e+00;
	s5 =	simm.s32 $0x5200;
	[dreg:$0xe] =	wrdreg s0;
	s0 =	simm.s32 $0x50  }
.LBB2_1:
0x1c: {  	[tilespmem:$0xA200] =	vst v0  }
0x1d: {  	[tilespmem:$0xA210] =	vst v0  }
0x1e: {  	[tilespmem:$0xA220] =	vst v0  }
0x1f: {  	[tilespmem:$0xA230] =	vst v0  }
0x20: {  	[tilespmem:$0xA240] =	vst v0  }
0x21: {  	[tilespmem:$0xA250] =	vst v0  }
0x22: {  	[tilespmem:$0xA260] =	vst v0  }
0x23: {  	[tilespmem:$0xA270] =	vst v0  }
0x24: {  	[tilespmem:$0xA280] =	vst v0  }
0x25: {  	[tilespmem:$0xA290] =	vst v0  }
0x26: {  	[tilespmem:$0xA2A0] =	vst v0  }
0x27: {  	[tilespmem:$0xA2B0] =	vst v0  }
0x28: {  	[tilespmem:$0xA2C0] =	vst v0  }
0x29: {  	[tilespmem:$0xA2D0] =	vst v0  }
0x2a: {  	[tilespmem:$0xA2E0] =	vst v0  }
0x2b: {  	[tilespmem:$0xA2F0] =	vst v0  }
0x2c: {  	[tilespmem:$0xA300] =	vst v0  }
0x2d: {  	[tilespmem:$0xA310] =	vst v0  }
0x2e: {  	[tilespmem:$0xA320] =	vst v0  }
0x2f: {  	[tilespmem:$0xA330] =	vst v0  }
0x30: {  	[tilespmem:$0xA340] =	vst v0  }
0x31: {  	[tilespmem:$0xA350] =	vst v0  }
0x32: {  	[tilespmem:$0xA360] =	vst v0  }
0x33: {  	[tilespmem:$0xA370] =	vst v0  }
0x34: {  	[tilespmem:$0xA380] =	vst v0  }
0x35: {  	[tilespmem:$0xA390] =	vst v0  }
0x36: {  	[tilespmem:$0xA3A0] =	vst v0  }
0x37: {  	[tilespmem:$0xA3B0] =	vst v0  }
0x38: {  	[tilespmem:$0xA3C0] =	vst v0  }
0x39: {  	[tilespmem:$0xA3D0] =	vst v0  }
0x3a: {  	[tilespmem:$0xA3E0] =	vst v0  }
0x3b: {  	[tilespmem:$0xA3F0] =	vst v0  }
0x3c: {  	[tilespmem:$0xA400] =	vst v0  }
0x3d: {  	[tilespmem:$0xA410] =	vst v0  }
0x3e: {  	[tilespmem:$0xA420] =	vst v0  }
0x3f: {  	[tilespmem:$0xA430] =	vst v0  }
0x40: {  	[tilespmem:$0xA440] =	vst v0  }
0x41: {  	[tilespmem:$0xA450] =	vst v0  }
0x42: {  	[tilespmem:$0xA460] =	vst v0  }
0x43: {  	[tilespmem:$0xA470] =	vst v0  }
0x44: {  	[tilespmem:$0xA480] =	vst v0  }
0x45: {  	[tilespmem:$0xA490] =	vst v0  }
0x46: {  	[tilespmem:$0xA4A0] =	vst v0  }
0x47: {  	[tilespmem:$0xA4B0] =	vst v0  }
0x48: {  	[tilespmem:$0xA4C0] =	vst v0  }
0x49: {  	[tilespmem:$0xA4D0] =	vst v0  }
0x4a: {  	[tilespmem:$0xA4E0] =	vst v0  }
0x4b: {  	[tilespmem:$0xA4F0] =	vst v0  }
0x4c: {  	[tilespmem:$0xA500] =	vst v0  }
0x4d: {  	[tilespmem:$0xA510] =	vst v0  }
0x4e: {  	[tilespmem:$0xA520] =	vst v0  }
0x4f: {  	[tilespmem:$0xA530] =	vst v0  }
0x50: {  	[tilespmem:$0xA540] =	vst v0  }
0x51: {  	[tilespmem:$0xA550] =	vst v0  }
0x52: {  	[tilespmem:$0xA560] =	vst v0  }
0x53: {  	[tilespmem:$0xA570] =	vst v0  }
0x54: {  	[tilespmem:$0xA580] =	vst v0  }
0x55: {  	[tilespmem:$0xA590] =	vst v0  }
0x56: {  	[tilespmem:$0xA5A0] =	vst v0  }
0x57: {  	[tilespmem:$0xA5B0] =	vst v0  }
0x58: {  	[tilespmem:$0xA5C0] =	vst v0  }
0x59: {  	[tilespmem:$0xA5D0] =	vst v0  }
0x5a: {  	[tilespmem:$0xA5E0] =	vst v0  }
0x5b: {  	[tilespmem:$0xA5F0] =	vst v0  }
0x5c: {  	[tilespmem:$0xA600] =	vst v0  }
0x5d: {  	[tilespmem:$0xA610] =	vst v0  }
0x5e: {  	[tilespmem:$0xA620] =	vst v0  }
0x5f: {  	[tilespmem:$0xA630] =	vst v0  }
0x60: {  	[tilespmem:$0xA640] =	vst v0  }
0x61: {  	[tilespmem:$0xA650] =	vst v0  }
0x62: {  	[tilespmem:$0xA660] =	vst v0  }
0x63: {  	[tilespmem:$0xA670] =	vst v0  }
0x64: {  	[tilespmem:$0xA680] =	vst v0  }
0x65: {  	[tilespmem:$0xA690] =	vst v0  }
0x66: {  	[tilespmem:$0xA6A0] =	vst v0  }
0x67: {  	[tilespmem:$0xA6B0] =	vst v0  }
0x68: {  	[tilespmem:$0xA6C0] =	vst v0  }
0x69: {  	[tilespmem:$0xA6D0] =	vst v0  }
0x6a: {  	[tilespmem:$0xA6E0] =	vst v0  }
0x6b: {  	[tilespmem:$0xA6F0] =	vst v0  }
0x6c: {  	[tilespmem:$0xA700] =	vst v0  }
0x6d: {  	[tilespmem:$0xA710] =	vst v0  }
0x6e: {  	[tilespmem:$0xA720] =	vst v0  }
0x6f: {  	[tilespmem:$0xA730] =	vst v0  }
0x70: {  	[tilespmem:$0xA740] =	vst v0  }
0x71: {  	[tilespmem:$0xA750] =	vst v0  }
0x72: {  	[tilespmem:$0xA760] =	vst v0  }
0x73: {  	[tilespmem:$0xA770] =	vst v0  }
0x74: {  	[tilespmem:$0xA780] =	vst v0  }
0x75: {  	[tilespmem:$0xA790] =	vst v0  }
0x76: {  	[tilespmem:$0xA7A0] =	vst v0  }
0x77: {  	[tilespmem:$0xA7B0] =	vst v0  }
0x78: {  	[tilespmem:$0xA7C0] =	vst v0  }
0x79: {  	[tilespmem:$0xA7D0] =	vst v0  }
0x7a: {  	[tilespmem:$0xA7E0] =	vst v0  }
0x7b: {  	[tilespmem:$0xA7F0] =	vst v0  }
0x7c: {  	[tilespmem:$0xA800] =	vst v0  }
0x7d: {  	[tilespmem:$0xA810] =	vst v0  }
0x7e: {  	[tilespmem:$0xA820] =	vst v0  }
0x7f: {  	[tilespmem:$0xA830] =	vst v0  }
0x80: {  	[tilespmem:$0xA840] =	vst v0  }
0x81: {  	[tilespmem:$0xA850] =	vst v0  }
0x82: {  	[tilespmem:$0xA860] =	vst v0  }
0x83: {  	[tilespmem:$0xA870] =	vst v0  }
0x84: {  	[tilespmem:$0xA880] =	vst v0  }
0x85: {  	[tilespmem:$0xA890] =	vst v0  }
0x86: {  	[tilespmem:$0xA8A0] =	vst v0  }
0x87: {  	[tilespmem:$0xA8B0] =	vst v0  }
0x88: {  	[tilespmem:$0xA8C0] =	vst v0  }
0x89: {  	[tilespmem:$0xA8D0] =	vst v0  }
0x8a: {  	[tilespmem:$0xA8E0] =	vst v0  }
0x8b: {  	[tilespmem:$0xA8F0] =	vst v0  }
0x8c: {  	[tilespmem:$0xA900] =	vst v0  }
0x8d: {  	[tilespmem:$0xA910] =	vst v0  }
0x8e: {  	[tilespmem:$0xA920] =	vst v0  }
0x8f: {  	[tilespmem:$0xA930] =	vst v0  }
0x90: {  	[tilespmem:$0xA940] =	vst v0  }
0x91: {  	[tilespmem:$0xA950] =	vst v0  }
0x92: {  	[tilespmem:$0xA960] =	vst v0  }
0x93: {  	[tilespmem:$0xA970] =	vst v0  }
0x94: {  	[tilespmem:$0xA980] =	vst v0  }
0x95: {  	[tilespmem:$0xA990] =	vst v0  }
0x96: {  	[tilespmem:$0xA9A0] =	vst v0  }
0x97: {  	[tilespmem:$0xA9B0] =	vst v0  }
0x98: {  	[tilespmem:$0xA9C0] =	vst v0  }
0x99: {  	[tilespmem:$0xA9D0] =	vst v0  }
0x9a: {  	[tilespmem:$0xA9E0] =	vst v0  }
0x9b: {  	[dreg:$0x10] =	wrdreg s25;
	[tilespmem:$0xA9F0] =	vst v0;
	s9 =	sadd.s32 $0x0, s8  }
0x9c: {  	[spmem:s9] =	stream.linear.scatter [tilespmem:s21], [sflag:$0xB], $0x800, $0x38;
	[tilespmem:$0x1E280] =	vst v63  }
0x9d: {  	s9 =	simm.s32 $0x2000;
	_ =	swait.ge [sflag:s22], $0x800  }
.LBB2_2:
0x9e: {  	s14 =	sshra.s32 s9, $0x2;
	[sflag:s22] =	ssyncset.done $0x0;
	p1 =	sne.s32 s9, $0x4C000  }
.Ltmp0:
0x9f: {  	s14 =	sadd.s32 s14, s8;
	[sflag:s22] =	ssyncadd.s32 $0xFFFFF800;
	(pc) =	sbr.rel @p1 .LBB2_2-.Ltmp0, $3  }
0xa0: {  	[spmem:s14] =	stream.linear.scatter [tilespmem:s21], [sflag:$0xB], $0x800, $0x38;
	[tilespmem:$0x1E280] =	vst v63  }
0xa1: {  	s9 =	sadd.s32 $0x2000, s9;
	_ =	sdelay $0x1  }
0xa2: {  	_ =	swait.ge [sflag:s22], $0x800  }
0xa3: {  	[sflag:s22] =	ssyncset.done $0x0  }
0xa4: {  	s9 =	simm.s32 @!p0 $0xA200;
	[sflag:s22] =	ssyncadd.s32 $0xFFFFF800  }
0xa5: {  	[spmem:s20] =	stream.linear.scatter @!p0 [tilespmem:s9], [sflag:$0xB], $0x800, $0x38;
	[tilespmem:$0x1E280] =	vst v63  }
0xa6: {  	s9 =	simm.s32 @!p0 $0xB  }
0xa7: {  	_ =	swait.ge @!p0 [sflag:s9], $0x800  }
0xa8: {  	[sflag:s9] =	ssyncset.done @!p0 $0x0  }
0xa9: {  	[sflag:s9] =	ssyncadd.s32 @!p0 $0xFFFFF800  }
0xaa: {  	[bflag:$0x0] =	sbarrier.arrive $0xFFFF  }
0xab: {  	s9 =	simm.s32 $0x0;
	s14 =	rddreg [dreg:$0x7]  }
0xac: {  	[tilespmem:s9], [sflag:$0x1] =	stream.linear.gather [hbm4b:s14+s9], $0x50, $0x38;
	[tilespmem:$0x1E280] =	vst v63  }
0xad: {  	s20 =	rddreg [dreg:$0x8]  }
0xae: {  	[tilespmem:s23], [sflag:$0x3] =	stream.linear.gather [hbm4b:s20+s9], $0x50, $0x38;
	[tilespmem:$0x1E280] =	vst v63  }
0xaf: {  	s25 =	rddreg [dreg:$0x9]  }
0xb0: {  	[tilespmem:s24], [sflag:$0x5] =	stream.linear.gather [hbm4b:s25+s9], $0x2800, $0x38;
	[tilespmem:$0x1E280] =	vst v63  }
0xb1: {  	s28 =	simm.s32 $0x80;
	s26 =	rddreg [dreg:$0xa]  }
0xb2: {  	[tilespmem:s28], [sflag:$0x2] =	stream.linear.gather [hbm4b:s26+s9], $0x50, $0x38;
	[tilespmem:$0x1E280] =	vst v63  }
0xb3: {  	s20 =	rddreg [dreg:$0xb];
	s25 =	simm.s32 $0x180  }
0xb4: {  	[tilespmem:s25], [sflag:$0x4] =	stream.linear.gather [hbm4b:s20+s9], $0x50, $0x38;
	[tilespmem:$0x1E280] =	vst v63  }
0xb5: {  	s26 =	rddreg [dreg:$0xc];
	s28 =	simm.s32 $0x2A00  }
0xb6: {  	[tilespmem:s28], [sflag:$0x6] =	stream.linear.gather [hbm4b:s26+s9], $0x2800, $0x38;
	[tilespmem:$0x1E280] =	vst v63  }
0xb7: {  	_ =	swait.ge [sflag:s29], $0x50  }
0xb8: {  	[sflag:s29] =	ssyncset.done $0x0  }
0xb9: {  	[sflag:s29] =	ssyncadd.s32 $0xFFFFFFB0  }
0xba: {  	_ =	swait.ge [sflag:s30], $0x50  }
0xbb: {  	[sflag:s30] =	ssyncset.done $0x0  }
0xbc: {  	[sflag:s30] =	ssyncadd.s32 $0xFFFFFFB0  }
0xbd: {  	_ =	swait.ge [sflag:s31], $0x2800  }
0xbe: {  	[sflag:s31] =	ssyncset.done $0x0  }
0xbf: {  	[sflag:s31] =	ssyncadd.s32 $0xFFFFD800  }
0xc0: {  	[tilespmem:s5], [sflag:$0x7] =	stream.indirect.gather [hbm4b:s1+s0], $0x80, s23, s0, $0xb8;
	[tilespmem:$0x1E280] =	vst v63  }
.LBB2_4:
0xc1: {  	_ =	swait.ge [sflag:s10], $0x2800  }
0xc2: {  	[sflag:s10] =	ssyncset.done $0x0  }
0xc3: {  	s20 =	simm.s32 $0x300;
	[sflag:s10] =	ssyncadd.s32 $0xFFFFD800  }
0xc4: {  	s14 =	simm.s32 $0x5300;
	v1 =	vld [tilespmem:s20+$0x80]  }
0xc5: {  	v2 =	vld [tilespmem:s14+$0x80]  }
0xc6: {  	v3 =	vld [tilespmem:s20+$0xFFFFFF80]  }
0xc7: {  	v4 =	vld [tilespmem:s14+$0xFFFFFF80]  }
0xc8: {  	v5 =	vld [tilespmem:s20+$0x0]  }
0xc9: {  	v6 =	vld [tilespmem:s14+$0x0]  }
0xca: {  	v7 =	vld [tilespmem:s20+$0xFFFFFF00];
	v1 =	vmul.f32 v2, v1  }
0xcb: {  	v2 =	vld [tilespmem:s14+$0xFFFFFF00]  }
0xcc: {  	[tilespmem:s20+$0x80] =	vst v1;
	v1 =	vld [tilespmem:s20+$0x90]  }
0xcd: {  	v3 =	vmul.f32 v4, v3;
	v4 =	vld [tilespmem:s14+$0x90]  }
0xce: {  	v8 =	vld [tilespmem:s20+$0xFFFFFF10]  }
0xcf: {  	[tilespmem:s20+$0xFFFFFF80] =	vst v3;
	v3 =	vmul.f32 v6, v5;
	v5 =	vld [tilespmem:s20+$0xFFFFFF90]  }
0xd0: {  	v6 =	vld [tilespmem:s14+$0xFFFFFF90];
	v2 =	vmul.f32 v2, v7  }
0xd1: {  	[tilespmem:s20+$0x0] =	vst v3;
	v3 =	vld [tilespmem:s20+$0x10]  }
0xd2: {  	v7 =	vld [tilespmem:s14+$0x10];
	[tilespmem:s20+$0xFFFFFF00] =	vst v2;
	v1 =	vmul.f32 v4, v1  }
0xd3: {  	v2 =	vld [tilespmem:s14+$0xFFFFFF10]  }
0xd4: {  	[tilespmem:s20+$0x90] =	vst v1;
	v1 =	vld [tilespmem:s20+$0xA0]  }
0xd5: {  	v4 =	vmul.f32 v6, v5;
	v5 =	vld [tilespmem:s14+$0xA0]  }
0xd6: {  	v6 =	vld [tilespmem:s20+$0xFFFFFF20]  }
0xd7: {  	[tilespmem:s20+$0xFFFFFF90] =	vst v4;
	v3 =	vmul.f32 v7, v3;
	v4 =	vld [tilespmem:s20+$0xFFFFFFA0]  }
0xd8: {  	v7 =	vld [tilespmem:s14+$0xFFFFFFA0];
	v2 =	vmul.f32 v2, v8  }
0xd9: {  	[tilespmem:s20+$0x10] =	vst v3;
	v3 =	vld [tilespmem:s20+$0x20]  }
0xda: {  	v8 =	vld [tilespmem:s14+$0x20];
	[tilespmem:s20+$0xFFFFFF10] =	vst v2;
	v1 =	vmul.f32 v5, v1  }
0xdb: {  	v2 =	vld [tilespmem:s14+$0xFFFFFF20]  }
0xdc: {  	[tilespmem:s20+$0xA0] =	vst v1;
	v1 =	vld [tilespmem:s20+$0xB0]  }
0xdd: {  	v4 =	vmul.f32 v7, v4;
	v5 =	vld [tilespmem:s14+$0xB0]  }
0xde: {  	v7 =	vld [tilespmem:s20+$0xFFFFFF30]  }
0xdf: {  	[tilespmem:s20+$0xFFFFFFA0] =	vst v4;
	v3 =	vmul.f32 v8, v3;
	v4 =	vld [tilespmem:s20+$0xFFFFFFB0]  }
0xe0: {  	v8 =	vld [tilespmem:s14+$0xFFFFFFB0];
	v2 =	vmul.f32 v2, v6  }
0xe1: {  	[tilespmem:s20+$0x20] =	vst v3;
	v3 =	vld [tilespmem:s20+$0x30]  }
0xe2: {  	v6 =	vld [tilespmem:s14+$0x30];
	[tilespmem:s20+$0xFFFFFF20] =	vst v2;
	v1 =	vmul.f32 v5, v1  }
0xe3: {  	v2 =	vld [tilespmem:s14+$0xFFFFFF30]  }
0xe4: {  	[tilespmem:s20+$0xB0] =	vst v1;
	v1 =	vld [tilespmem:s20+$0xC0]  }
0xe5: {  	v4 =	vmul.f32 v8, v4;
	v5 =	vld [tilespmem:s14+$0xC0]  }
0xe6: {  	v8 =	vld [tilespmem:s20+$0xFFFFFF40]  }
0xe7: {  	[tilespmem:s20+$0xFFFFFFB0] =	vst v4;
	v3 =	vmul.f32 v6, v3;
	v4 =	vld [tilespmem:s20+$0xFFFFFFC0]  }
0xe8: {  	v6 =	vld [tilespmem:s14+$0xFFFFFFC0];
	v2 =	vmul.f32 v2, v7  }
0xe9: {  	[tilespmem:s20+$0x30] =	vst v3;
	v3 =	vld [tilespmem:s20+$0x40]  }
0xea: {  	v7 =	vld [tilespmem:s14+$0x40];
	[tilespmem:s20+$0xFFFFFF30] =	vst v2;
	v1 =	vmul.f32 v5, v1  }
0xeb: {  	v2 =	vld [tilespmem:s14+$0xFFFFFF40]  }
0xec: {  	[tilespmem:s20+$0xC0] =	vst v1;
	v1 =	vld [tilespmem:s20+$0xD0]  }
0xed: {  	v4 =	vmul.f32 v6, v4;
	v5 =	vld [tilespmem:s14+$0xD0]  }
0xee: {  	v6 =	vld [tilespmem:s20+$0xFFFFFF50]  }
0xef: {  	[tilespmem:s20+$0xFFFFFFC0] =	vst v4;
	v3 =	vmul.f32 v7, v3;
	v4 =	vld [tilespmem:s20+$0xFFFFFFD0]  }
0xf0: {  	v7 =	vld [tilespmem:s14+$0xFFFFFFD0];
	v2 =	vmul.f32 v2, v8  }
0xf1: {  	[tilespmem:s20+$0x40] =	vst v3;
	v3 =	vld [tilespmem:s20+$0x50]  }
0xf2: {  	v8 =	vld [tilespmem:s14+$0x50];
	[tilespmem:s20+$0xFFFFFF40] =	vst v2;
	v1 =	vmul.f32 v5, v1  }
0xf3: {  	v2 =	vld [tilespmem:s14+$0xFFFFFF50]  }
0xf4: {  	[tilespmem:s20+$0xD0] =	vst v1;
	v1 =	vld [tilespmem:s20+$0xE0]  }
0xf5: {  	v4 =	vmul.f32 v7, v4;
	v5 =	vld [tilespmem:s14+$0xE0]  }
0xf6: {  	v7 =	vld [tilespmem:s20+$0xFFFFFF60]  }
0xf7: {  	[tilespmem:s20+$0xFFFFFFD0] =	vst v4;
	v3 =	vmul.f32 v8, v3;
	v4 =	vld [tilespmem:s20+$0xFFFFFFE0]  }
0xf8: {  	v8 =	vld [tilespmem:s14+$0xFFFFFFE0];
	v2 =	vmul.f32 v2, v6  }
0xf9: {  	[tilespmem:s20+$0x50] =	vst v3;
	v3 =	vld [tilespmem:s20+$0x60]  }
0xfa: {  	v6 =	vld [tilespmem:s14+$0x60];
	[tilespmem:s20+$0xFFFFFF50] =	vst v2;
	v1 =	vmul.f32 v5, v1  }
0xfb: {  	v5 =	vld [tilespmem:s14+$0xFFFFFF60]  }
0xfc: {  	v9 =	vld [tilespmem:s20+$0xF0];
	[tilespmem:s20+$0xE0] =	vst v1  }
0xfd: {  	v2 =	vmul.f32 v8, v4;
	v8 =	vld [tilespmem:s14+$0xF0]  }
0xfe: {  	v1 =	vld [tilespmem:s20+$0xFFFFFF70]  }
0xff: {  	[tilespmem:s20+$0xFFFFFFE0] =	vst v2;
	v3 =	vmul.f32 v6, v3;
	v2 =	vld [tilespmem:s20+$0xFFFFFFF0]  }
0x100: {  	v4 =	vld [tilespmem:s14+$0xFFFFFFF0];
	v5 =	vmul.f32 v5, v7  }
0x101: {  	[tilespmem:s20+$0x60] =	vst v3;
	v3 =	vld [tilespmem:s20+$0x70]  }
0x102: {  	[tilespmem:s20+$0xFFFFFF60] =	vst v5;
	v5 =	vld [tilespmem:s14+$0x70];
	v7 =	vmul.f32 v8, v9  }
0x103: {  	s25 =	simm.s32 $0x0;
	s26 =	simm.s32 $0x500;
	v6 =	vld [tilespmem:s14+$0xFFFFFF70]  }
.LBB2_5:
0x104: {  	v8 =	vld [tilespmem:s26+$0x80];
	[tilespmem:s20+$0xF0] =	vst v7;
	s14 =	sadd.s32 $0x200, s14  }
0x105: {  	s25 =	sadd.s32 $0x4, s25;
	v7 =	vld [tilespmem:s14+$0x80];
	v2 =	vmul.f32 v4, v2  }
0x106: {  	p1 =	slt.u32 s25, $0x4C;
	v4 =	vld [tilespmem:s14+$0xFFFFFF00]  }
0x107: {  	v9 =	vld [tilespmem:s26+$0xFFFFFF80];
	[tilespmem:s20+$0xFFFFFFF0] =	vst v2;
	v2 =	vmul.f32 v5, v3  }
0x108: {  	v3 =	vld [tilespmem:s14+$0xFFFFFF80];
	v1 =	vmul.f32 v6, v1  }
0x109: {  	v5 =	vld [tilespmem:s26+$0x0];
	[tilespmem:s20+$0x70] =	vst v2  }
0x10a: {  	v2 =	vld [tilespmem:s14+$0x0];
	v6 =	vmul.f32 v7, v8;
	[tilespmem:s20+$0xFFFFFF70] =	vst v1;
	s20 =	smov.u32 s26  }
0x10b: {  	v1 =	vld [tilespmem:s26+$0xFFFFFF00]  }
0x10c: {  	[tilespmem:s26+$0x80] =	vst v6;
	v6 =	vld [tilespmem:s26+$0x90]  }
0x10d: {  	v3 =	vmul.f32 v3, v9;
	v7 =	vld [tilespmem:s14+$0x90]  }
0x10e: {  	v8 =	vld [tilespmem:s26+$0xFFFFFF10]  }
0x10f: {  	[tilespmem:s26+$0xFFFFFF80] =	vst v3;
	v3 =	vld [tilespmem:s26+$0xFFFFFF90];
	v2 =	vmul.f32 v2, v5  }
0x110: {  	v1 =	vmul.f32 v4, v1;
	v4 =	vld [tilespmem:s14+$0xFFFFFF90]  }
0x111: {  	[tilespmem:s26+$0x0] =	vst v2;
	v2 =	vld [tilespmem:s26+$0x10]  }
0x112: {  	[tilespmem:s26+$0xFFFFFF00] =	vst v1;
	v1 =	vld [tilespmem:s14+$0x10];
	v5 =	vmul.f32 v7, v6  }
0x113: {  	v6 =	vld [tilespmem:s14+$0xFFFFFF10]  }
0x114: {  	[tilespmem:s26+$0x90] =	vst v5;
	v5 =	vld [tilespmem:s26+$0xA0]  }
0x115: {  	v3 =	vmul.f32 v4, v3;
	v4 =	vld [tilespmem:s14+$0xA0]  }
0x116: {  	v7 =	vld [tilespmem:s26+$0xFFFFFF20]  }
0x117: {  	[tilespmem:s26+$0xFFFFFF90] =	vst v3;
	v3 =	vld [tilespmem:s26+$0xFFFFFFA0];
	v1 =	vmul.f32 v1, v2  }
0x118: {  	v2 =	vmul.f32 v6, v8;
	v6 =	vld [tilespmem:s14+$0xFFFFFFA0]  }
0x119: {  	[tilespmem:s26+$0x10] =	vst v1;
	v1 =	vld [tilespmem:s26+$0x20]  }
0x11a: {  	[tilespmem:s26+$0xFFFFFF10] =	vst v2;
	v2 =	vld [tilespmem:s14+$0x20];
	v4 =	vmul.f32 v4, v5  }
0x11b: {  	v5 =	vld [tilespmem:s14+$0xFFFFFF20]  }
0x11c: {  	[tilespmem:s26+$0xA0] =	vst v4;
	v4 =	vld [tilespmem:s26+$0xB0]  }
0x11d: {  	v3 =	vmul.f32 v6, v3;
	v6 =	vld [tilespmem:s14+$0xB0]  }
0x11e: {  	v8 =	vld [tilespmem:s26+$0xFFFFFF30]  }
0x11f: {  	[tilespmem:s26+$0xFFFFFFA0] =	vst v3;
	v3 =	vld [tilespmem:s26+$0xFFFFFFB0];
	v1 =	vmul.f32 v2, v1  }
0x120: {  	v2 =	vmul.f32 v5, v7;
	v5 =	vld [tilespmem:s14+$0xFFFFFFB0]  }
0x121: {  	[tilespmem:s26+$0x20] =	vst v1;
	v1 =	vld [tilespmem:s26+$0x30]  }
0x122: {  	[tilespmem:s26+$0xFFFFFF20] =	vst v2;
	v2 =	vld [tilespmem:s14+$0x30];
	v4 =	vmul.f32 v6, v4  }
0x123: {  	v6 =	vld [tilespmem:s14+$0xFFFFFF30]  }
0x124: {  	[tilespmem:s26+$0xB0] =	vst v4;
	v4 =	vld [tilespmem:s26+$0xC0]  }
0x125: {  	v3 =	vmul.f32 v5, v3;
	v5 =	vld [tilespmem:s14+$0xC0]  }
0x126: {  	v7 =	vld [tilespmem:s26+$0xFFFFFF40]  }
0x127: {  	[tilespmem:s26+$0xFFFFFFB0] =	vst v3;
	v3 =	vld [tilespmem:s26+$0xFFFFFFC0];
	v1 =	vmul.f32 v2, v1  }
0x128: {  	v2 =	vmul.f32 v6, v8;
	v6 =	vld [tilespmem:s14+$0xFFFFFFC0]  }
0x129: {  	[tilespmem:s26+$0x30] =	vst v1;
	v1 =	vld [tilespmem:s26+$0x40]  }
0x12a: {  	[tilespmem:s26+$0xFFFFFF30] =	vst v2;
	v2 =	vld [tilespmem:s14+$0x40];
	v4 =	vmul.f32 v5, v4  }
0x12b: {  	v5 =	vld [tilespmem:s14+$0xFFFFFF40]  }
0x12c: {  	[tilespmem:s26+$0xC0] =	vst v4;
	v4 =	vld [tilespmem:s26+$0xD0]  }
0x12d: {  	v3 =	vmul.f32 v6, v3;
	v6 =	vld [tilespmem:s14+$0xD0]  }
0x12e: {  	v8 =	vld [tilespmem:s26+$0xFFFFFF50]  }
0x12f: {  	[tilespmem:s26+$0xFFFFFFC0] =	vst v3;
	v3 =	vld [tilespmem:s26+$0xFFFFFFD0];
	v1 =	vmul.f32 v2, v1  }
0x130: {  	v2 =	vmul.f32 v5, v7;
	v5 =	vld [tilespmem:s14+$0xFFFFFFD0]  }
0x131: {  	[tilespmem:s26+$0x40] =	vst v1;
	v1 =	vld [tilespmem:s26+$0x50]  }
0x132: {  	[tilespmem:s26+$0xFFFFFF40] =	vst v2;
	v2 =	vld [tilespmem:s14+$0x50];
	v4 =	vmul.f32 v6, v4  }
0x133: {  	v6 =	vld [tilespmem:s14+$0xFFFFFF50]  }
0x134: {  	[tilespmem:s26+$0xD0] =	vst v4;
	v4 =	vld [tilespmem:s26+$0xE0]  }
0x135: {  	v3 =	vmul.f32 v5, v3;
	v5 =	vld [tilespmem:s14+$0xE0]  }
0x136: {  	v7 =	vld [tilespmem:s26+$0xFFFFFF60]  }
0x137: {  	[tilespmem:s26+$0xFFFFFFD0] =	vst v3;
	v3 =	vld [tilespmem:s26+$0xFFFFFFE0];
	v1 =	vmul.f32 v2, v1  }
0x138: {  	v2 =	vmul.f32 v6, v8;
	v6 =	vld [tilespmem:s14+$0xFFFFFFE0]  }
0x139: {  	[tilespmem:s26+$0x50] =	vst v1;
	v8 =	vld [tilespmem:s26+$0x60]  }
0x13a: {  	[tilespmem:s26+$0xFFFFFF50] =	vst v2;
	v9 =	vld [tilespmem:s14+$0x60];
	v1 =	vmul.f32 v5, v4  }
0x13b: {  	v4 =	vld [tilespmem:s14+$0xFFFFFF60]  }
0x13c: {  	[tilespmem:s26+$0xE0] =	vst v1;
	v10 =	vld [tilespmem:s26+$0xF0]  }
0x13d: {  	v2 =	vmul.f32 v6, v3;
	v6 =	vld [tilespmem:s14+$0xF0]  }
0x13e: {  	v1 =	vld [tilespmem:s26+$0xFFFFFF70]  }
.Ltmp1:
0x13f: {  	[tilespmem:s26+$0xFFFFFFE0] =	vst v2;
	v2 =	vld [tilespmem:s26+$0xFFFFFFF0];
	v3 =	vmul.f32 v9, v8;
	(pc) =	sbr.rel @p1 .LBB2_5-.Ltmp1, $4  }
0x140: {  	v5 =	vmul.f32 v4, v7;
	v4 =	vld [tilespmem:s14+$0xFFFFFFF0]  }
0x141: {  	[tilespmem:s26+$0x60] =	vst v3;
	v3 =	vld [tilespmem:s26+$0x70]  }
0x142: {  	[tilespmem:s26+$0xFFFFFF60] =	vst v5;
	v5 =	vld [tilespmem:s14+$0x70];
	v7 =	vmul.f32 v6, v10  }
0x143: {  	s26 =	sadd.s32 $0x200, s26;
	v6 =	vld [tilespmem:s14+$0xFFFFFF70]  }
0x144: {  	_ =	sdelay $0x1  }
0x145: {  	v2 =	vmul.f32 v4, v2  }
0x146: {  	[tilespmem:s20+$0xF0] =	vst v7;
	v3 =	vmul.f32 v5, v3  }
0x147: {  	[tilespmem:s20+$0xFFFFFFF0] =	vst v2;
	v1 =	vmul.f32 v6, v1  }
0x148: {  	[tilespmem:s20+$0x70] =	vst v3  }
0x149: {  	[tilespmem:s20+$0xFFFFFF70] =	vst v1  }
0x14a: {  	[spmem:s4] =	stream.indirect.scatter.add.f32 [tilespmem:s24], [sflag:$0x9], $0x80, s6, s0, $0xb8;
	[tilespmem:$0x1E280] =	vst v63  }
0x14b: {  	_ =	swait.ge [sflag:s11], $0x50  }
0x14c: {  	[sflag:s11] =	ssyncset.done $0x0  }
0x14d: {  	[sflag:s11] =	ssyncadd.s32 $0xFFFFFFB0  }
0x14e: {  	_ =	swait.ge [sflag:s12], $0x50  }
0x14f: {  	[sflag:s12] =	ssyncset.done $0x0  }
0x150: {  	[sflag:s12] =	ssyncadd.s32 $0xFFFFFFB0  }
0x151: {  	_ =	swait.ge [sflag:s13], $0x2800  }
0x152: {  	[sflag:s13] =	ssyncset.done $0x0  }
0x153: {  	s14 =	simm.s32 $0x180;
	s28 =	simm.s32 $0x7A00;
	[sflag:s13] =	ssyncadd.s32 $0xFFFFD800  }
0x154: {  	[tilespmem:s28], [sflag:$0x8] =	stream.indirect.gather [hbm4b:s1+s0], $0x80, s14, s0, $0xb8;
	[tilespmem:$0x1E280] =	vst v63  }
0x155: {  	_ =	swait.ge [sflag:s15], $0x2800  }
0x156: {  	[sflag:s15] =	ssyncset.done $0x0  }
0x157: {  	s20 =	simm.s32 $0x2BF0;
	[sflag:s15] =	ssyncadd.s32 $0xFFFFD800  }
0x158: {  	s14 =	simm.s32 $0x7BF0;
	v1 =	vld [tilespmem:s20+$0xFFFFFF90]  }
0x159: {  	v2 =	vld [tilespmem:s14+$0xFFFFFF90]  }
0x15a: {  	v3 =	vld [tilespmem:s20+$0xFFFFFE90]  }
0x15b: {  	v4 =	vld [tilespmem:s14+$0xFFFFFE90]  }
0x15c: {  	v5 =	vld [tilespmem:s20+$0xFFFFFF10]  }
0x15d: {  	v6 =	vld [tilespmem:s14+$0xFFFFFF10]  }
0x15e: {  	v7 =	vld [tilespmem:s20+$0xFFFFFE10];
	v1 =	vmul.f32 v2, v1  }
0x15f: {  	v2 =	vld [tilespmem:s14+$0xFFFFFE10]  }
0x160: {  	[tilespmem:s20+$0xFFFFFF90] =	vst v1;
	v1 =	vld [tilespmem:s20+$0xFFFFFFA0]  }
0x161: {  	v3 =	vmul.f32 v4, v3;
	v4 =	vld [tilespmem:s14+$0xFFFFFFA0]  }
0x162: {  	v8 =	vld [tilespmem:s20+$0xFFFFFE20]  }
0x163: {  	[tilespmem:s20+$0xFFFFFE90] =	vst v3;
	v3 =	vmul.f32 v6, v5;
	v5 =	vld [tilespmem:s20+$0xFFFFFEA0]  }
0x164: {  	v6 =	vld [tilespmem:s14+$0xFFFFFEA0];
	v2 =	vmul.f32 v2, v7  }
0x165: {  	[tilespmem:s20+$0xFFFFFF10] =	vst v3;
	v3 =	vld [tilespmem:s20+$0xFFFFFF20]  }
0x166: {  	v7 =	vld [tilespmem:s14+$0xFFFFFF20];
	[tilespmem:s20+$0xFFFFFE10] =	vst v2;
	v1 =	vmul.f32 v4, v1  }
0x167: {  	v2 =	vld [tilespmem:s14+$0xFFFFFE20]  }
0x168: {  	[tilespmem:s20+$0xFFFFFFA0] =	vst v1;
	v1 =	vld [tilespmem:s20+$0xFFFFFFB0]  }
0x169: {  	v4 =	vmul.f32 v6, v5;
	v5 =	vld [tilespmem:s14+$0xFFFFFFB0]  }
0x16a: {  	v6 =	vld [tilespmem:s20+$0xFFFFFE30]  }
0x16b: {  	[tilespmem:s20+$0xFFFFFEA0] =	vst v4;
	v3 =	vmul.f32 v7, v3;
	v4 =	vld [tilespmem:s20+$0xFFFFFEB0]  }
0x16c: {  	v7 =	vld [tilespmem:s14+$0xFFFFFEB0];
	v2 =	vmul.f32 v2, v8  }
0x16d: {  	[tilespmem:s20+$0xFFFFFF20] =	vst v3;
	v3 =	vld [tilespmem:s20+$0xFFFFFF30]  }
0x16e: {  	v8 =	vld [tilespmem:s14+$0xFFFFFF30];
	[tilespmem:s20+$0xFFFFFE20] =	vst v2;
	v1 =	vmul.f32 v5, v1  }
0x16f: {  	v2 =	vld [tilespmem:s14+$0xFFFFFE30]  }
0x170: {  	[tilespmem:s20+$0xFFFFFFB0] =	vst v1;
	v1 =	vld [tilespmem:s20+$0xFFFFFFC0]  }
0x171: {  	v4 =	vmul.f32 v7, v4;
	v5 =	vld [tilespmem:s14+$0xFFFFFFC0]  }
0x172: {  	v7 =	vld [tilespmem:s20+$0xFFFFFE40]  }
0x173: {  	[tilespmem:s20+$0xFFFFFEB0] =	vst v4;
	v3 =	vmul.f32 v8, v3;
	v4 =	vld [tilespmem:s20+$0xFFFFFEC0]  }
0x174: {  	v8 =	vld [tilespmem:s14+$0xFFFFFEC0];
	v2 =	vmul.f32 v2, v6  }
0x175: {  	[tilespmem:s20+$0xFFFFFF30] =	vst v3;
	v3 =	vld [tilespmem:s20+$0xFFFFFF40]  }
0x176: {  	v6 =	vld [tilespmem:s14+$0xFFFFFF40];
	[tilespmem:s20+$0xFFFFFE30] =	vst v2;
	v1 =	vmul.f32 v5, v1  }
0x177: {  	v2 =	vld [tilespmem:s14+$0xFFFFFE40]  }
0x178: {  	[tilespmem:s20+$0xFFFFFFC0] =	vst v1;
	v1 =	vld [tilespmem:s20+$0xFFFFFFD0]  }
0x179: {  	v4 =	vmul.f32 v8, v4;
	v5 =	vld [tilespmem:s14+$0xFFFFFFD0]  }
0x17a: {  	v8 =	vld [tilespmem:s20+$0xFFFFFE50]  }
0x17b: {  	[tilespmem:s20+$0xFFFFFEC0] =	vst v4;
	v3 =	vmul.f32 v6, v3;
	v4 =	vld [tilespmem:s20+$0xFFFFFED0]  }
0x17c: {  	v6 =	vld [tilespmem:s14+$0xFFFFFED0];
	v2 =	vmul.f32 v2, v7  }
0x17d: {  	[tilespmem:s20+$0xFFFFFF40] =	vst v3;
	v3 =	vld [tilespmem:s20+$0xFFFFFF50]  }
0x17e: {  	v7 =	vld [tilespmem:s14+$0xFFFFFF50];
	[tilespmem:s20+$0xFFFFFE40] =	vst v2;
	v1 =	vmul.f32 v5, v1  }
0x17f: {  	v2 =	vld [tilespmem:s14+$0xFFFFFE50]  }
0x180: {  	[tilespmem:s20+$0xFFFFFFD0] =	vst v1;
	v1 =	vld [tilespmem:s20+$0xFFFFFFE0]  }
0x181: {  	v4 =	vmul.f32 v6, v4;
	v5 =	vld [tilespmem:s14+$0xFFFFFFE0]  }
0x182: {  	v6 =	vld [tilespmem:s20+$0xFFFFFE60]  }
0x183: {  	[tilespmem:s20+$0xFFFFFED0] =	vst v4;
	v3 =	vmul.f32 v7, v3;
	v4 =	vld [tilespmem:s20+$0xFFFFFEE0]  }
0x184: {  	v7 =	vld [tilespmem:s14+$0xFFFFFEE0];
	v2 =	vmul.f32 v2, v8  }
0x185: {  	[tilespmem:s20+$0xFFFFFF50] =	vst v3;
	v3 =	vld [tilespmem:s20+$0xFFFFFF60]  }
0x186: {  	v8 =	vld [tilespmem:s14+$0xFFFFFF60];
	[tilespmem:s20+$0xFFFFFE50] =	vst v2;
	v1 =	vmul.f32 v5, v1  }
0x187: {  	v2 =	vld [tilespmem:s14+$0xFFFFFE60]  }
0x188: {  	[tilespmem:s20+$0xFFFFFFE0] =	vst v1;
	v1 =	vld [tilespmem:s20+$0xFFFFFFF0]  }
0x189: {  	v4 =	vmul.f32 v7, v4;
	v5 =	vld [tilespmem:s14+$0xFFFFFFF0]  }
0x18a: {  	v7 =	vld [tilespmem:s20+$0xFFFFFE70]  }
0x18b: {  	[tilespmem:s20+$0xFFFFFEE0] =	vst v4;
	v3 =	vmul.f32 v8, v3;
	v4 =	vld [tilespmem:s20+$0xFFFFFEF0]  }
0x18c: {  	v8 =	vld [tilespmem:s14+$0xFFFFFEF0];
	v2 =	vmul.f32 v2, v6  }
0x18d: {  	[tilespmem:s20+$0xFFFFFF60] =	vst v3;
	v3 =	vld [tilespmem:s20+$0xFFFFFF70]  }
0x18e: {  	v6 =	vld [tilespmem:s14+$0xFFFFFF70];
	[tilespmem:s20+$0xFFFFFE60] =	vst v2;
	v1 =	vmul.f32 v5, v1  }
0x18f: {  	v5 =	vld [tilespmem:s14+$0xFFFFFE70]  }
0x190: {  	v9 =	vld [tilespmem:s20+$0x0];
	[tilespmem:s20+$0xFFFFFFF0] =	vst v1  }
0x191: {  	v2 =	vmul.f32 v8, v4;
	v8 =	vld [tilespmem:s14+$0x0]  }
0x192: {  	v1 =	vld [tilespmem:s20+$0xFFFFFE80]  }
0x193: {  	[tilespmem:s20+$0xFFFFFEF0] =	vst v2;
	v3 =	vmul.f32 v6, v3;
	v2 =	vld [tilespmem:s20+$0xFFFFFF00]  }
0x194: {  	v4 =	vld [tilespmem:s14+$0xFFFFFF00];
	v5 =	vmul.f32 v5, v7  }
0x195: {  	[tilespmem:s20+$0xFFFFFF70] =	vst v3;
	v3 =	vld [tilespmem:s20+$0xFFFFFF80]  }
0x196: {  	[tilespmem:s20+$0xFFFFFE70] =	vst v5;
	v5 =	vld [tilespmem:s14+$0xFFFFFF80];
	v7 =	vmul.f32 v8, v9  }
0x197: {  	s25 =	simm.s32 $0x0;
	s26 =	simm.s32 $0x2DF0;
	v6 =	vld [tilespmem:s14+$0xFFFFFE80]  }
.LBB2_7:
0x198: {  	v8 =	vld [tilespmem:s26+$0xFFFFFF90];
	[tilespmem:s20+$0x0] =	vst v7;
	s14 =	sadd.s32 $0x200, s14  }
0x199: {  	s25 =	sadd.s32 $0x4, s25;
	v7 =	vld [tilespmem:s14+$0xFFFFFF90];
	v2 =	vmul.f32 v4, v2  }
0x19a: {  	p1 =	slt.u32 s25, $0x4C;
	v4 =	vld [tilespmem:s14+$0xFFFFFE10]  }
0x19b: {  	v9 =	vld [tilespmem:s26+$0xFFFFFE90];
	[tilespmem:s20+$0xFFFFFF00] =	vst v2;
	v2 =	vmul.f32 v5, v3  }
0x19c: {  	v3 =	vld [tilespmem:s14+$0xFFFFFE90];
	v1 =	vmul.f32 v6, v1  }
0x19d: {  	v5 =	vld [tilespmem:s26+$0xFFFFFF10];
	[tilespmem:s20+$0xFFFFFF80] =	vst v2  }
0x19e: {  	v2 =	vld [tilespmem:s14+$0xFFFFFF10];
	v6 =	vmul.f32 v7, v8;
	[tilespmem:s20+$0xFFFFFE80] =	vst v1;
	s20 =	smov.u32 s26  }
0x19f: {  	v1 =	vld [tilespmem:s26+$0xFFFFFE10]  }
0x1a0: {  	[tilespmem:s26+$0xFFFFFF90] =	vst v6;
	v6 =	vld [tilespmem:s26+$0xFFFFFFA0]  }
0x1a1: {  	v3 =	vmul.f32 v3, v9;
	v7 =	vld [tilespmem:s14+$0xFFFFFFA0]  }
0x1a2: {  	v8 =	vld [tilespmem:s26+$0xFFFFFE20]  }
0x1a3: {  	[tilespmem:s26+$0xFFFFFE90] =	vst v3;
	v3 =	vld [tilespmem:s26+$0xFFFFFEA0];
	v2 =	vmul.f32 v2, v5  }
0x1a4: {  	v1 =	vmul.f32 v4, v1;
	v4 =	vld [tilespmem:s14+$0xFFFFFEA0]  }
0x1a5: {  	[tilespmem:s26+$0xFFFFFF10] =	vst v2;
	v2 =	vld [tilespmem:s26+$0xFFFFFF20]  }
0x1a6: {  	[tilespmem:s26+$0xFFFFFE10] =	vst v1;
	v1 =	vld [tilespmem:s14+$0xFFFFFF20];
	v5 =	vmul.f32 v7, v6  }
0x1a7: {  	v6 =	vld [tilespmem:s14+$0xFFFFFE20]  }
0x1a8: {  	[tilespmem:s26+$0xFFFFFFA0] =	vst v5;
	v5 =	vld [tilespmem:s26+$0xFFFFFFB0]  }
0x1a9: {  	v3 =	vmul.f32 v4, v3;
	v4 =	vld [tilespmem:s14+$0xFFFFFFB0]  }
0x1aa: {  	v7 =	vld [tilespmem:s26+$0xFFFFFE30]  }
0x1ab: {  	[tilespmem:s26+$0xFFFFFEA0] =	vst v3;
	v3 =	vld [tilespmem:s26+$0xFFFFFEB0];
	v1 =	vmul.f32 v1, v2  }
0x1ac: {  	v2 =	vmul.f32 v6, v8;
	v6 =	vld [tilespmem:s14+$0xFFFFFEB0]  }
0x1ad: {  	[tilespmem:s26+$0xFFFFFF20] =	vst v1;
	v1 =	vld [tilespmem:s26+$0xFFFFFF30]  }
0x1ae: {  	[tilespmem:s26+$0xFFFFFE20] =	vst v2;
	v2 =	vld [tilespmem:s14+$0xFFFFFF30];
	v4 =	vmul.f32 v4, v5  }
0x1af: {  	v5 =	vld [tilespmem:s14+$0xFFFFFE30]  }
0x1b0: {  	[tilespmem:s26+$0xFFFFFFB0] =	vst v4;
	v4 =	vld [tilespmem:s26+$0xFFFFFFC0]  }
0x1b1: {  	v3 =	vmul.f32 v6, v3;
	v6 =	vld [tilespmem:s14+$0xFFFFFFC0]  }
0x1b2: {  	v8 =	vld [tilespmem:s26+$0xFFFFFE40]  }
0x1b3: {  	[tilespmem:s26+$0xFFFFFEB0] =	vst v3;
	v3 =	vld [tilespmem:s26+$0xFFFFFEC0];
	v1 =	vmul.f32 v2, v1  }
0x1b4: {  	v2 =	vmul.f32 v5, v7;
	v5 =	vld [tilespmem:s14+$0xFFFFFEC0]  }
0x1b5: {  	[tilespmem:s26+$0xFFFFFF30] =	vst v1;
	v1 =	vld [tilespmem:s26+$0xFFFFFF40]  }
0x1b6: {  	[tilespmem:s26+$0xFFFFFE30] =	vst v2;
	v2 =	vld [tilespmem:s14+$0xFFFFFF40];
	v4 =	vmul.f32 v6, v4  }
0x1b7: {  	v6 =	vld [tilespmem:s14+$0xFFFFFE40]  }
0x1b8: {  	[tilespmem:s26+$0xFFFFFFC0] =	vst v4;
	v4 =	vld [tilespmem:s26+$0xFFFFFFD0]  }
0x1b9: {  	v3 =	vmul.f32 v5, v3;
	v5 =	vld [tilespmem:s14+$0xFFFFFFD0]  }
0x1ba: {  	v7 =	vld [tilespmem:s26+$0xFFFFFE50]  }
0x1bb: {  	[tilespmem:s26+$0xFFFFFEC0] =	vst v3;
	v3 =	vld [tilespmem:s26+$0xFFFFFED0];
	v1 =	vmul.f32 v2, v1  }
0x1bc: {  	v2 =	vmul.f32 v6, v8;
	v6 =	vld [tilespmem:s14+$0xFFFFFED0]  }
0x1bd: {  	[tilespmem:s26+$0xFFFFFF40] =	vst v1;
	v1 =	vld [tilespmem:s26+$0xFFFFFF50]  }
0x1be: {  	[tilespmem:s26+$0xFFFFFE40] =	vst v2;
	v2 =	vld [tilespmem:s14+$0xFFFFFF50];
	v4 =	vmul.f32 v5, v4  }
0x1bf: {  	v5 =	vld [tilespmem:s14+$0xFFFFFE50]  }
0x1c0: {  	[tilespmem:s26+$0xFFFFFFD0] =	vst v4;
	v4 =	vld [tilespmem:s26+$0xFFFFFFE0]  }
0x1c1: {  	v3 =	vmul.f32 v6, v3;
	v6 =	vld [tilespmem:s14+$0xFFFFFFE0]  }
0x1c2: {  	v8 =	vld [tilespmem:s26+$0xFFFFFE60]  }
0x1c3: {  	[tilespmem:s26+$0xFFFFFED0] =	vst v3;
	v3 =	vld [tilespmem:s26+$0xFFFFFEE0];
	v1 =	vmul.f32 v2, v1  }
0x1c4: {  	v2 =	vmul.f32 v5, v7;
	v5 =	vld [tilespmem:s14+$0xFFFFFEE0]  }
0x1c5: {  	[tilespmem:s26+$0xFFFFFF50] =	vst v1;
	v1 =	vld [tilespmem:s26+$0xFFFFFF60]  }
0x1c6: {  	[tilespmem:s26+$0xFFFFFE50] =	vst v2;
	v2 =	vld [tilespmem:s14+$0xFFFFFF60];
	v4 =	vmul.f32 v6, v4  }
0x1c7: {  	v6 =	vld [tilespmem:s14+$0xFFFFFE60]  }
0x1c8: {  	[tilespmem:s26+$0xFFFFFFE0] =	vst v4;
	v4 =	vld [tilespmem:s26+$0xFFFFFFF0]  }
0x1c9: {  	v3 =	vmul.f32 v5, v3;
	v5 =	vld [tilespmem:s14+$0xFFFFFFF0]  }
0x1ca: {  	v7 =	vld [tilespmem:s26+$0xFFFFFE70]  }
0x1cb: {  	[tilespmem:s26+$0xFFFFFEE0] =	vst v3;
	v3 =	vld [tilespmem:s26+$0xFFFFFEF0];
	v1 =	vmul.f32 v2, v1  }
0x1cc: {  	v2 =	vmul.f32 v6, v8;
	v6 =	vld [tilespmem:s14+$0xFFFFFEF0]  }
0x1cd: {  	[tilespmem:s26+$0xFFFFFF60] =	vst v1;
	v8 =	vld [tilespmem:s26+$0xFFFFFF70]  }
0x1ce: {  	[tilespmem:s26+$0xFFFFFE60] =	vst v2;
	v9 =	vld [tilespmem:s14+$0xFFFFFF70];
	v1 =	vmul.f32 v5, v4  }
0x1cf: {  	v4 =	vld [tilespmem:s14+$0xFFFFFE70]  }
0x1d0: {  	[tilespmem:s26+$0xFFFFFFF0] =	vst v1;
	v10 =	vld [tilespmem:s26+$0x0]  }
0x1d1: {  	v2 =	vmul.f32 v6, v3;
	v6 =	vld [tilespmem:s14+$0x0]  }
0x1d2: {  	v1 =	vld [tilespmem:s26+$0xFFFFFE80]  }
.Ltmp2:
0x1d3: {  	[tilespmem:s26+$0xFFFFFEF0] =	vst v2;
	v2 =	vld [tilespmem:s26+$0xFFFFFF00];
	v3 =	vmul.f32 v9, v8;
	(pc) =	sbr.rel @p1 .LBB2_7-.Ltmp2, $4  }
0x1d4: {  	v5 =	vmul.f32 v4, v7;
	v4 =	vld [tilespmem:s14+$0xFFFFFF00]  }
0x1d5: {  	[tilespmem:s26+$0xFFFFFF70] =	vst v3;
	v3 =	vld [tilespmem:s26+$0xFFFFFF80]  }
0x1d6: {  	[tilespmem:s26+$0xFFFFFE70] =	vst v5;
	v5 =	vld [tilespmem:s14+$0xFFFFFF80];
	v7 =	vmul.f32 v6, v10  }
0x1d7: {  	s26 =	sadd.s32 $0x200, s26;
	v6 =	vld [tilespmem:s14+$0xFFFFFE80]  }
0x1d8: {  	_ =	sdelay $0x1  }
0x1d9: {  	v2 =	vmul.f32 v4, v2  }
0x1da: {  	[tilespmem:s20+$0x0] =	vst v7;
	v3 =	vmul.f32 v5, v3  }
0x1db: {  	[tilespmem:s20+$0xFFFFFF00] =	vst v2;
	v1 =	vmul.f32 v6, v1  }
0x1dc: {  	[tilespmem:s20+$0xFFFFFF80] =	vst v3  }
0x1dd: {  	s14 =	smul.u32 $0xA0, s9;
	s26 =	simm.s32 $0x80;
	s25 =	simm.s32 $0x2A00;
	[tilespmem:s20+$0xFFFFFE80] =	vst v1  }
0x1de: {  	[spmem:s4] =	stream.indirect.scatter.add.f32 [tilespmem:s25], [sflag:$0xA], $0x80, s26, s0, $0xb8;
	[tilespmem:$0x1E280] =	vst v63  }
0x1df: {  	s20 =	sadd.s32 s14, s16;
	_ =	swait.ge [sflag:s18], $0x2800  }
0x1e0: {  	s28 =	sshrl.u32 s20, $0x3;
	[sflag:s18] =	ssyncset.done $0x0  }
0x1e1: {  	s26 =	sadd.s32 s2, s28;
	[sflag:s18] =	ssyncadd.s32 $0xFFFFD800  }
0x1e2: {  	[tilespmem:s6], [sflag:$0x1] =	stream.linear.gather [hbm4b:s26+s6], $0x50, $0x38;
	[tilespmem:$0x1E280] =	vst v63  }
0x1e3: {  	s20 =	sshll.u32 s20, $0x4;
	s25 =	sadd.s32 s3, s28  }
0x1e4: {  	[tilespmem:s23], [sflag:$0x3] =	stream.linear.gather [hbm4b:s25+s6], $0x50, $0x38;
	[tilespmem:$0x1E280] =	vst v63  }
0x1e5: {  	p1 =	seq.s32 s9, $0x3D;
	s20 =	sadd.s32 s7, s20  }
0x1e6: {  	[tilespmem:s24], [sflag:$0x5] =	stream.linear.gather [hbm4b:s20+s6], $0x2800, $0x38;
	[tilespmem:$0x1E280] =	vst v63  }
0x1e7: {  	s14 =	sadd.s32 @!p1 s14, s17;
	_ =	swait.ge [sflag:s19], $0x2800  }
0x1e8: {  	s28 =	simm.s32 @!p1 $0x80;
	s20 =	sshrl.u32 @!p1 s14, $0x3;
	[sflag:s19] =	ssyncset.done $0x0  }
0x1e9: {  	s26 =	simm.s32 @!p1 $0x0;
	s25 =	sadd.s32 @!p1 s2, s20;
	[sflag:s19] =	ssyncadd.s32 $0xFFFFD800  }
0x1ea: {  	[tilespmem:s28], [sflag:$0x2] =	stream.linear.gather @!p1 [hbm4b:s25+s26], $0x50, $0x38;
	[tilespmem:$0x1E280] =	vst v63  }
0x1eb: {  	s14 =	sshll.u32 @!p1 s14, $0x4;
	s20 =	sadd.s32 @!p1 s3, s20;
	s25 =	simm.s32 @!p1 $0x180  }
0x1ec: {  	[tilespmem:s25], [sflag:$0x4] =	stream.linear.gather @!p1 [hbm4b:s20+s26], $0x50, $0x38;
	[tilespmem:$0x1E280] =	vst v63  }
0x1ed: {  	s14 =	sadd.s32 @!p1 s7, s14;
	s20 =	simm.s32 @!p1 $0x2A00  }
0x1ee: {  	[tilespmem:s20], [sflag:$0x6] =	stream.linear.gather @!p1 [hbm4b:s14+s26], $0x2800, $0x38;
	[tilespmem:$0x1E280] =	vst v63  }
0x1ef: {  	_ =	swait.ge [sflag:s29], $0x50  }
0x1f0: {  	[sflag:s29] =	ssyncset.done $0x0  }
0x1f1: {  	[sflag:s29] =	ssyncadd.s32 $0xFFFFFFB0  }
0x1f2: {  	s9 =	sadd.s32 $0x1, s9;
	_ =	swait.ge [sflag:s30], $0x50  }
0x1f3: {  	p1 =	sne.s32 s9, $0x3E;
	[sflag:s30] =	ssyncset.done $0x0  }
.Ltmp3:
0x1f4: {  	[sflag:s30] =	ssyncadd.s32 $0xFFFFFFB0;
	(pc) =	sbr.rel @p1 .LBB2_4-.Ltmp3, $4  }
0x1f5: {  	_ =	swait.ge [sflag:s31], $0x2800  }
0x1f6: {  	[sflag:s31] =	ssyncset.done $0x0  }
0x1f7: {  	[sflag:s31] =	ssyncadd.s32 $0xFFFFD800  }
0x1f8: {  	[tilespmem:s5], [sflag:$0x7] =	stream.indirect.gather [hbm4b:s1+s0], $0x80, s23, s0, $0xb8;
	[tilespmem:$0x1E280] =	vst v63  }
0x1f9: {  	_ =	swait.ge [sflag:s10], $0x2800  }
0x1fa: {  	[sflag:s10] =	ssyncset.done $0x0  }
0x1fb: {  	s9 =	simm.s32 $0x300;
	[sflag:s10] =	ssyncadd.s32 $0xFFFFD800  }
0x1fc: {  	s14 =	simm.s32 $0x5300;
	v1 =	vld [tilespmem:s9+$0x80]  }
0x1fd: {  	v2 =	vld [tilespmem:s14+$0x80]  }
0x1fe: {  	v3 =	vld [tilespmem:s9+$0xFFFFFF80]  }
0x1ff: {  	v4 =	vld [tilespmem:s14+$0xFFFFFF80]  }
0x200: {  	v5 =	vld [tilespmem:s9+$0x0]  }
0x201: {  	v6 =	vld [tilespmem:s14+$0x0]  }
0x202: {  	v7 =	vld [tilespmem:s9+$0xFFFFFF00];
	v1 =	vmul.f32 v2, v1  }
0x203: {  	v2 =	vld [tilespmem:s14+$0xFFFFFF00]  }
0x204: {  	[tilespmem:s9+$0x80] =	vst v1;
	v1 =	vld [tilespmem:s9+$0x90]  }
0x205: {  	v3 =	vmul.f32 v4, v3;
	v4 =	vld [tilespmem:s14+$0x90]  }
0x206: {  	v8 =	vld [tilespmem:s9+$0xFFFFFF10]  }
0x207: {  	[tilespmem:s9+$0xFFFFFF80] =	vst v3;
	v3 =	vmul.f32 v6, v5;
	v5 =	vld [tilespmem:s9+$0xFFFFFF90]  }
0x208: {  	v6 =	vld [tilespmem:s14+$0xFFFFFF90];
	v2 =	vmul.f32 v2, v7  }
0x209: {  	[tilespmem:s9+$0x0] =	vst v3;
	v3 =	vld [tilespmem:s9+$0x10]  }
0x20a: {  	v7 =	vld [tilespmem:s14+$0x10];
	[tilespmem:s9+$0xFFFFFF00] =	vst v2;
	v1 =	vmul.f32 v4, v1  }
0x20b: {  	v2 =	vld [tilespmem:s14+$0xFFFFFF10]  }
0x20c: {  	[tilespmem:s9+$0x90] =	vst v1;
	v1 =	vld [tilespmem:s9+$0xA0]  }
0x20d: {  	v4 =	vmul.f32 v6, v5;
	v5 =	vld [tilespmem:s14+$0xA0]  }
0x20e: {  	v6 =	vld [tilespmem:s9+$0xFFFFFF20]  }
0x20f: {  	[tilespmem:s9+$0xFFFFFF90] =	vst v4;
	v3 =	vmul.f32 v7, v3;
	v4 =	vld [tilespmem:s9+$0xFFFFFFA0]  }
0x210: {  	v7 =	vld [tilespmem:s14+$0xFFFFFFA0];
	v2 =	vmul.f32 v2, v8  }
0x211: {  	[tilespmem:s9+$0x10] =	vst v3;
	v3 =	vld [tilespmem:s9+$0x20]  }
0x212: {  	v8 =	vld [tilespmem:s14+$0x20];
	[tilespmem:s9+$0xFFFFFF10] =	vst v2;
	v1 =	vmul.f32 v5, v1  }
0x213: {  	v2 =	vld [tilespmem:s14+$0xFFFFFF20]  }
0x214: {  	[tilespmem:s9+$0xA0] =	vst v1;
	v1 =	vld [tilespmem:s9+$0xB0]  }
0x215: {  	v4 =	vmul.f32 v7, v4;
	v5 =	vld [tilespmem:s14+$0xB0]  }
0x216: {  	v7 =	vld [tilespmem:s9+$0xFFFFFF30]  }
0x217: {  	[tilespmem:s9+$0xFFFFFFA0] =	vst v4;
	v3 =	vmul.f32 v8, v3;
	v4 =	vld [tilespmem:s9+$0xFFFFFFB0]  }
0x218: {  	v8 =	vld [tilespmem:s14+$0xFFFFFFB0];
	v2 =	vmul.f32 v2, v6  }
0x219: {  	[tilespmem:s9+$0x20] =	vst v3;
	v3 =	vld [tilespmem:s9+$0x30]  }
0x21a: {  	v6 =	vld [tilespmem:s14+$0x30];
	[tilespmem:s9+$0xFFFFFF20] =	vst v2;
	v1 =	vmul.f32 v5, v1  }
0x21b: {  	v2 =	vld [tilespmem:s14+$0xFFFFFF30]  }
0x21c: {  	[tilespmem:s9+$0xB0] =	vst v1;
	v1 =	vld [tilespmem:s9+$0xC0]  }
0x21d: {  	v4 =	vmul.f32 v8, v4;
	v5 =	vld [tilespmem:s14+$0xC0]  }
0x21e: {  	v8 =	vld [tilespmem:s9+$0xFFFFFF40]  }
0x21f: {  	[tilespmem:s9+$0xFFFFFFB0] =	vst v4;
	v3 =	vmul.f32 v6, v3;
	v4 =	vld [tilespmem:s9+$0xFFFFFFC0]  }
0x220: {  	v6 =	vld [tilespmem:s14+$0xFFFFFFC0];
	v2 =	vmul.f32 v2, v7  }
0x221: {  	[tilespmem:s9+$0x30] =	vst v3;
	v3 =	vld [tilespmem:s9+$0x40]  }
0x222: {  	v7 =	vld [tilespmem:s14+$0x40];
	[tilespmem:s9+$0xFFFFFF30] =	vst v2;
	v1 =	vmul.f32 v5, v1  }
0x223: {  	v2 =	vld [tilespmem:s14+$0xFFFFFF40]  }
0x224: {  	[tilespmem:s9+$0xC0] =	vst v1;
	v1 =	vld [tilespmem:s9+$0xD0]  }
0x225: {  	v4 =	vmul.f32 v6, v4;
	v5 =	vld [tilespmem:s14+$0xD0]  }
0x226: {  	v6 =	vld [tilespmem:s9+$0xFFFFFF50]  }
0x227: {  	[tilespmem:s9+$0xFFFFFFC0] =	vst v4;
	v3 =	vmul.f32 v7, v3;
	v4 =	vld [tilespmem:s9+$0xFFFFFFD0]  }
0x228: {  	v7 =	vld [tilespmem:s14+$0xFFFFFFD0];
	v2 =	vmul.f32 v2, v8  }
0x229: {  	[tilespmem:s9+$0x40] =	vst v3;
	v3 =	vld [tilespmem:s9+$0x50]  }
0x22a: {  	v8 =	vld [tilespmem:s14+$0x50];
	[tilespmem:s9+$0xFFFFFF40] =	vst v2;
	v1 =	vmul.f32 v5, v1  }
0x22b: {  	v2 =	vld [tilespmem:s14+$0xFFFFFF50]  }
0x22c: {  	[tilespmem:s9+$0xD0] =	vst v1;
	v1 =	vld [tilespmem:s9+$0xE0]  }
0x22d: {  	v4 =	vmul.f32 v7, v4;
	v5 =	vld [tilespmem:s14+$0xE0]  }
0x22e: {  	v7 =	vld [tilespmem:s9+$0xFFFFFF60]  }
0x22f: {  	[tilespmem:s9+$0xFFFFFFD0] =	vst v4;
	v3 =	vmul.f32 v8, v3;
	v4 =	vld [tilespmem:s9+$0xFFFFFFE0]  }
0x230: {  	v8 =	vld [tilespmem:s14+$0xFFFFFFE0];
	v2 =	vmul.f32 v2, v6  }
0x231: {  	[tilespmem:s9+$0x50] =	vst v3;
	v3 =	vld [tilespmem:s9+$0x60]  }
0x232: {  	v6 =	vld [tilespmem:s14+$0x60];
	[tilespmem:s9+$0xFFFFFF50] =	vst v2;
	v1 =	vmul.f32 v5, v1  }
0x233: {  	v5 =	vld [tilespmem:s14+$0xFFFFFF60]  }
0x234: {  	v9 =	vld [tilespmem:s9+$0xF0];
	[tilespmem:s9+$0xE0] =	vst v1  }
0x235: {  	v2 =	vmul.f32 v8, v4;
	v8 =	vld [tilespmem:s14+$0xF0]  }
0x236: {  	v1 =	vld [tilespmem:s9+$0xFFFFFF70]  }
0x237: {  	[tilespmem:s9+$0xFFFFFFE0] =	vst v2;
	v3 =	vmul.f32 v6, v3;
	v2 =	vld [tilespmem:s9+$0xFFFFFFF0]  }
0x238: {  	v4 =	vld [tilespmem:s14+$0xFFFFFFF0];
	v5 =	vmul.f32 v5, v7  }
0x239: {  	[tilespmem:s9+$0x60] =	vst v3;
	v3 =	vld [tilespmem:s9+$0x70]  }
0x23a: {  	[tilespmem:s9+$0xFFFFFF60] =	vst v5;
	v5 =	vld [tilespmem:s14+$0x70];
	v7 =	vmul.f32 v8, v9  }
0x23b: {  	s20 =	simm.s32 $0x0;
	s25 =	simm.s32 $0x500;
	v6 =	vld [tilespmem:s14+$0xFFFFFF70]  }
.LBB2_10:
0x23c: {  	v8 =	vld [tilespmem:s25+$0x80];
	[tilespmem:s9+$0xF0] =	vst v7;
	s14 =	sadd.s32 $0x200, s14  }
0x23d: {  	s20 =	sadd.s32 $0x4, s20;
	v7 =	vld [tilespmem:s14+$0x80];
	v2 =	vmul.f32 v4, v2  }
0x23e: {  	p1 =	slt.u32 s20, $0x4C;
	v4 =	vld [tilespmem:s14+$0xFFFFFF00]  }
0x23f: {  	v9 =	vld [tilespmem:s25+$0xFFFFFF80];
	[tilespmem:s9+$0xFFFFFFF0] =	vst v2;
	v2 =	vmul.f32 v5, v3  }
0x240: {  	v3 =	vld [tilespmem:s14+$0xFFFFFF80];
	v1 =	vmul.f32 v6, v1  }
0x241: {  	v5 =	vld [tilespmem:s25+$0x0];
	[tilespmem:s9+$0x70] =	vst v2  }
0x242: {  	v2 =	vld [tilespmem:s14+$0x0];
	v6 =	vmul.f32 v7, v8;
	[tilespmem:s9+$0xFFFFFF70] =	vst v1;
	s9 =	smov.u32 s25  }
0x243: {  	v1 =	vld [tilespmem:s25+$0xFFFFFF00]  }
0x244: {  	[tilespmem:s25+$0x80] =	vst v6;
	v6 =	vld [tilespmem:s25+$0x90]  }
0x245: {  	v3 =	vmul.f32 v3, v9;
	v7 =	vld [tilespmem:s14+$0x90]  }
0x246: {  	v8 =	vld [tilespmem:s25+$0xFFFFFF10]  }
0x247: {  	[tilespmem:s25+$0xFFFFFF80] =	vst v3;
	v3 =	vld [tilespmem:s25+$0xFFFFFF90];
	v2 =	vmul.f32 v2, v5  }
0x248: {  	v1 =	vmul.f32 v4, v1;
	v4 =	vld [tilespmem:s14+$0xFFFFFF90]  }
0x249: {  	[tilespmem:s25+$0x0] =	vst v2;
	v2 =	vld [tilespmem:s25+$0x10]  }
0x24a: {  	[tilespmem:s25+$0xFFFFFF00] =	vst v1;
	v1 =	vld [tilespmem:s14+$0x10];
	v5 =	vmul.f32 v7, v6  }
0x24b: {  	v6 =	vld [tilespmem:s14+$0xFFFFFF10]  }
0x24c: {  	[tilespmem:s25+$0x90] =	vst v5;
	v5 =	vld [tilespmem:s25+$0xA0]  }
0x24d: {  	v3 =	vmul.f32 v4, v3;
	v4 =	vld [tilespmem:s14+$0xA0]  }
0x24e: {  	v7 =	vld [tilespmem:s25+$0xFFFFFF20]  }
0x24f: {  	[tilespmem:s25+$0xFFFFFF90] =	vst v3;
	v3 =	vld [tilespmem:s25+$0xFFFFFFA0];
	v1 =	vmul.f32 v1, v2  }
0x250: {  	v2 =	vmul.f32 v6, v8;
	v6 =	vld [tilespmem:s14+$0xFFFFFFA0]  }
0x251: {  	[tilespmem:s25+$0x10] =	vst v1;
	v1 =	vld [tilespmem:s25+$0x20]  }
0x252: {  	[tilespmem:s25+$0xFFFFFF10] =	vst v2;
	v2 =	vld [tilespmem:s14+$0x20];
	v4 =	vmul.f32 v4, v5  }
0x253: {  	v5 =	vld [tilespmem:s14+$0xFFFFFF20]  }
0x254: {  	[tilespmem:s25+$0xA0] =	vst v4;
	v4 =	vld [tilespmem:s25+$0xB0]  }
0x255: {  	v3 =	vmul.f32 v6, v3;
	v6 =	vld [tilespmem:s14+$0xB0]  }
0x256: {  	v8 =	vld [tilespmem:s25+$0xFFFFFF30]  }
0x257: {  	[tilespmem:s25+$0xFFFFFFA0] =	vst v3;
	v3 =	vld [tilespmem:s25+$0xFFFFFFB0];
	v1 =	vmul.f32 v2, v1  }
0x258: {  	v2 =	vmul.f32 v5, v7;
	v5 =	vld [tilespmem:s14+$0xFFFFFFB0]  }
0x259: {  	[tilespmem:s25+$0x20] =	vst v1;
	v1 =	vld [tilespmem:s25+$0x30]  }
0x25a: {  	[tilespmem:s25+$0xFFFFFF20] =	vst v2;
	v2 =	vld [tilespmem:s14+$0x30];
	v4 =	vmul.f32 v6, v4  }
0x25b: {  	v6 =	vld [tilespmem:s14+$0xFFFFFF30]  }
0x25c: {  	[tilespmem:s25+$0xB0] =	vst v4;
	v4 =	vld [tilespmem:s25+$0xC0]  }
0x25d: {  	v3 =	vmul.f32 v5, v3;
	v5 =	vld [tilespmem:s14+$0xC0]  }
0x25e: {  	v7 =	vld [tilespmem:s25+$0xFFFFFF40]  }
0x25f: {  	[tilespmem:s25+$0xFFFFFFB0] =	vst v3;
	v3 =	vld [tilespmem:s25+$0xFFFFFFC0];
	v1 =	vmul.f32 v2, v1  }
0x260: {  	v2 =	vmul.f32 v6, v8;
	v6 =	vld [tilespmem:s14+$0xFFFFFFC0]  }
0x261: {  	[tilespmem:s25+$0x30] =	vst v1;
	v1 =	vld [tilespmem:s25+$0x40]  }
0x262: {  	[tilespmem:s25+$0xFFFFFF30] =	vst v2;
	v2 =	vld [tilespmem:s14+$0x40];
	v4 =	vmul.f32 v5, v4  }
0x263: {  	v5 =	vld [tilespmem:s14+$0xFFFFFF40]  }
0x264: {  	[tilespmem:s25+$0xC0] =	vst v4;
	v4 =	vld [tilespmem:s25+$0xD0]  }
0x265: {  	v3 =	vmul.f32 v6, v3;
	v6 =	vld [tilespmem:s14+$0xD0]  }
0x266: {  	v8 =	vld [tilespmem:s25+$0xFFFFFF50]  }
0x267: {  	[tilespmem:s25+$0xFFFFFFC0] =	vst v3;
	v3 =	vld [tilespmem:s25+$0xFFFFFFD0];
	v1 =	vmul.f32 v2, v1  }
0x268: {  	v2 =	vmul.f32 v5, v7;
	v5 =	vld [tilespmem:s14+$0xFFFFFFD0]  }
0x269: {  	[tilespmem:s25+$0x40] =	vst v1;
	v1 =	vld [tilespmem:s25+$0x50]  }
0x26a: {  	[tilespmem:s25+$0xFFFFFF40] =	vst v2;
	v2 =	vld [tilespmem:s14+$0x50];
	v4 =	vmul.f32 v6, v4  }
0x26b: {  	v6 =	vld [tilespmem:s14+$0xFFFFFF50]  }
0x26c: {  	[tilespmem:s25+$0xD0] =	vst v4;
	v4 =	vld [tilespmem:s25+$0xE0]  }
0x26d: {  	v3 =	vmul.f32 v5, v3;
	v5 =	vld [tilespmem:s14+$0xE0]  }
0x26e: {  	v7 =	vld [tilespmem:s25+$0xFFFFFF60]  }
0x26f: {  	[tilespmem:s25+$0xFFFFFFD0] =	vst v3;
	v3 =	vld [tilespmem:s25+$0xFFFFFFE0];
	v1 =	vmul.f32 v2, v1  }
0x270: {  	v2 =	vmul.f32 v6, v8;
	v6 =	vld [tilespmem:s14+$0xFFFFFFE0]  }
0x271: {  	[tilespmem:s25+$0x50] =	vst v1;
	v8 =	vld [tilespmem:s25+$0x60]  }
0x272: {  	[tilespmem:s25+$0xFFFFFF50] =	vst v2;
	v9 =	vld [tilespmem:s14+$0x60];
	v1 =	vmul.f32 v5, v4  }
0x273: {  	v4 =	vld [tilespmem:s14+$0xFFFFFF60]  }
0x274: {  	[tilespmem:s25+$0xE0] =	vst v1;
	v10 =	vld [tilespmem:s25+$0xF0]  }
0x275: {  	v2 =	vmul.f32 v6, v3;
	v6 =	vld [tilespmem:s14+$0xF0]  }
0x276: {  	v1 =	vld [tilespmem:s25+$0xFFFFFF70]  }
.Ltmp4:
0x277: {  	[tilespmem:s25+$0xFFFFFFE0] =	vst v2;
	v2 =	vld [tilespmem:s25+$0xFFFFFFF0];
	v3 =	vmul.f32 v9, v8;
	(pc) =	sbr.rel @p1 .LBB2_10-.Ltmp4, $4  }
0x278: {  	v5 =	vmul.f32 v4, v7;
	v4 =	vld [tilespmem:s14+$0xFFFFFFF0]  }
0x279: {  	[tilespmem:s25+$0x60] =	vst v3;
	v3 =	vld [tilespmem:s25+$0x70]  }
0x27a: {  	[tilespmem:s25+$0xFFFFFF60] =	vst v5;
	v5 =	vld [tilespmem:s14+$0x70];
	v7 =	vmul.f32 v6, v10  }
0x27b: {  	s25 =	sadd.s32 $0x200, s25;
	v6 =	vld [tilespmem:s14+$0xFFFFFF70]  }
0x27c: {  	_ =	sdelay $0x1  }
0x27d: {  	v2 =	vmul.f32 v4, v2  }
0x27e: {  	[tilespmem:s9+$0xF0] =	vst v7;
	v3 =	vmul.f32 v5, v3  }
0x27f: {  	[tilespmem:s9+$0xFFFFFFF0] =	vst v2;
	v1 =	vmul.f32 v6, v1  }
0x280: {  	[tilespmem:s9+$0x70] =	vst v3  }
0x281: {  	[tilespmem:s9+$0xFFFFFF70] =	vst v1  }
0x282: {  	[spmem:s4] =	stream.indirect.scatter.add.f32 [tilespmem:s24], [sflag:$0x9], $0x80, s6, s0, $0xb8;
	[tilespmem:$0x1E280] =	vst v63  }
0x283: {  	_ =	swait.ge [sflag:s18], $0x2800  }
0x284: {  	[sflag:s18] =	ssyncset.done $0x0  }
0x285: {  	s25 =	stileid.u32;
	[sflag:s18] =	ssyncadd.s32 $0xFFFFD800  }
0x286: {  	s9 =	sshll.u32 s25, $0x6;
	[bflag:$0x0] =	sbarrier.arrive $0xFFFF  }
0x287: {  	s14 =	sshrl.u32 s8, $0x3;
	s9 =	sor.u32 $0x1C0B, s9;
	s20 =	rddreg [dreg:$0xd]  }
0x288: {  	[hbm:s20], [sflag:s9] =	dma.local [spmem:s14], $0x2700  }
0x289: {  	_ =	swait.ge [sflag:s22], $0x2700  }
0x28a: {  	[sflag:s22] =	ssyncset.done $0x0;
	s20 =	rddreg [dreg:$0x6]  }
0x28b: {  	s25 =	rddreg [dreg:$0xe];
	[sflag:s22] =	ssyncadd.s32 $0xFFFFD900;
	s14 =	sshrl.u32 @!p0 s20, $0x3  }
0x28c: {  	[hbm:s25], [sflag:s9] =	dma.local @!p0 [spmem:s14], $0x100  }
0x28d: {  	s9 =	simm.s32 @!p0 $0xB  }
0x28e: {  	_ =	swait.ge @!p0 [sflag:s9], $0x100  }
0x28f: {  	s26 =	rddreg [dreg:$0x10]  }
0x290: {  	s28 =	rddreg [dreg:$0xf];
	s25 =	sadd.s32 $0x1, s26  }
0x291: {  	p1 =	sne.s32 s25, s28  }
.Ltmp5:
0x292: {  	_ = 	snop;
	(pc) =	sbr.rel @p1 .LBB2_1-.Ltmp5, $3  }
0x293: {  	_ =	sdelay $0x1  }
0x294: {  	[sflag:s9] =	ssyncset.done @!p0 $0x0  }
0x295: {  	[sflag:s9] =	ssyncadd.s32 @!p0 $0xFFFFFF00  }
0x296: {  	_ =	sfence.sel $0x180000  }
0x297: {  	[bflag:$0x0] =	sbarrier.arrive $0xFFFF  }
0x298: {  	_ =	strace $0x90000047  }
0x299: {  	s0 =	stileid.u32;
	[bflag:$0x2] =	sbarrier.arrive $0xFFFF  }
0x29a: {  	p0 =	sne.s32 s0, $0x0;
	s0 =	rddreg [dreg:$0x5]  }
0x29b: {  	s0 =	sadd.s32 @!p0 $0x100000, s0  }
0x29c: {  	[sflag:s0] =	ssyncadd.tile.s32 @!p0 $0x1;
	_ =	shalt  }
.Lfunc_end2:
_tile_overlayer_lowered:
.L_overlay_start_2:
0x29d: {  	(tag) =	ssettag $0x2  }
0x29e: {  	s0 =	rddreg [dreg:$0x0];
	s2 =	stileid.u32  }
0x29f: {  	s1 =	rddreg [dreg:$0x1];
	p0 =	sne.s32 s2, $0x0  }
0x2a0: {  	s3 =	rddreg [dreg:$0x2];
	[bflag:$0x3] =	sbarrier.arrive $0xFFFF;
	s2 =	simm.s32 @!p0 $0x1C0B  }
0x2a1: {  	[timem:s3], [sflag:s2] =	dma.local @!p0 [hbm:s0], s1  }
0x2a2: {  	s0 =	simm.s32 @!p0 $0xB  }
0x2a3: {  	_ =	swait.ge @!p0 [sflag:s0], s1  }
0x2a4: {  	s1 =	ssub.s32 @!p0 $0x0, s1;
	[sflag:s0] =	ssyncset.done @!p0 $0x0  }
0x2a5: {  	[sflag:s0] =	ssyncadd.s32 @!p0 s1  }
0x2a6: {  	[bflag:$0x3] =	sbarrier.arrive $0xFFFF  }
0x2a7: {  	_ =	shalt  }

</sc_bundles>
